<compile_context>
chip_gen: v7x
topology: tpu7x:2x2x1
jax: 0.10.2.dev20260603
libtpu: 0.0.44.dev20260713+nightly
codegen_flags: <defaults>
</compile_context>

<pallas_src>
import functools

import jax
import jax.numpy as jnp
from jax import lax
from jax.experimental import pallas as pl
from jax.experimental.pallas import tpu as pltpu
from jax.experimental.pallas import tpu_sc as plsc

_B = 4096
_S = 50
_K = 4
_D = 128

_NC = 2
_NS = 16
_NW = _NC * _NS
_BATCH_W = _B // _NW
_IDX_B = _S * _K
_G0 = 128
_G1 = _IDX_B - _G0


def _make_encoder():
    mesh = plsc.VectorSubcoreMesh(core_axis_name="c", subcore_axis_name="s")

    row_t = pltpu.VMEM((_IDX_B, _D), jnp.float32)
    idx_t = pltpu.VMEM((_IDX_B,), jnp.int32)
    out_t = pltpu.VMEM((_S, _D), jnp.float32)
    sem_t = pltpu.SemaphoreType.DMA

    @functools.partial(
        pl.kernel,
        mesh=mesh,
        out_type=jax.ShapeDtypeStruct((_B, _S, _D), jnp.float32),
        scratch_types=(
            [idx_t, idx_t]
            + [idx_t, idx_t]
            + [row_t, row_t]
            + [row_t, row_t]
            + [out_t, out_t]
            + [sem_t] * 6
        ),
    )
    def enc(item_idx_hbm, cate_idx_hbm, emb_item_hbm, emb_cate_hbm, out_hbm,
            ii0, ii1, ci0, ci1, ir0, ir1, cr0, cr1, o0, o1,
            si0, si1, sg0, sg1, so0, so1):
        wid = lax.axis_index("s") * _NC + lax.axis_index("c")
        b0 = wid * _BATCH_W

        ii = (ii0, ii1)
        ci = (ci0, ci1)
        ir = (ir0, ir1)
        cr = (cr0, cr1)
        o = (o0, o1)
        si = (si0, si1)
        sg = (sg0, sg1)
        so = (so0, so1)

        def issue_idx(k, b):
            off = pl.multiple_of((b0 + k) * _IDX_B, _IDX_B)
            pltpu.async_copy(item_idx_hbm.at[pl.ds(off, _IDX_B)], ii[b], si[b])
            pltpu.async_copy(cate_idx_hbm.at[pl.ds(off, _IDX_B)], ci[b], si[b])

        def wait_idx(b):
            pltpu.make_async_copy(item_idx_hbm.at[pl.ds(0, _IDX_B)], ii[b], si[b]).wait()
            pltpu.make_async_copy(cate_idx_hbm.at[pl.ds(0, _IDX_B)], ci[b], si[b]).wait()

        def issue_gathers(b):
            pltpu.async_copy(emb_item_hbm.at[ii[b].at[pl.ds(0, _G0)]],
                             ir[b].at[pl.ds(0, _G0)], sg[b])
            pltpu.async_copy(emb_item_hbm.at[ii[b].at[pl.ds(_G0, _G1)]],
                             ir[b].at[pl.ds(_G0, _G1)], sg[b])
            pltpu.async_copy(emb_cate_hbm.at[ci[b].at[pl.ds(0, _G0)]],
                             cr[b].at[pl.ds(0, _G0)], sg[b])
            pltpu.async_copy(emb_cate_hbm.at[ci[b].at[pl.ds(_G0, _G1)]],
                             cr[b].at[pl.ds(_G0, _G1)], sg[b])

        def wait_gathers(b):
            pltpu.make_async_copy(emb_item_hbm.at[ii[b].at[pl.ds(0, _G0)]],
                                  ir[b].at[pl.ds(0, _G0)], sg[b]).wait()
            pltpu.make_async_copy(emb_item_hbm.at[ii[b].at[pl.ds(_G0, _G1)]],
                                  ir[b].at[pl.ds(_G0, _G1)], sg[b]).wait()
            pltpu.make_async_copy(emb_cate_hbm.at[ci[b].at[pl.ds(0, _G0)]],
                                  cr[b].at[pl.ds(0, _G0)], sg[b]).wait()
            pltpu.make_async_copy(emb_cate_hbm.at[ci[b].at[pl.ds(_G0, _G1)]],
                                  cr[b].at[pl.ds(_G0, _G1)], sg[b]).wait()

        def wait_writeback(b):
            pltpu.make_async_copy(o[b], out_hbm.at[b0], so[b]).wait()

        def compute(b, k):
            irb, crb, ob = ir[b], cr[b], o[b]

            def row_body(c, carry):
                r = c * _K
                for d in range(_D // 16):
                    sl = pl.ds(d * 16, 16)
                    acc = (irb[r, sl] + irb[r + 1, sl]
                           + irb[r + 2, sl] + irb[r + 3, sl])
                    acc = (acc + crb[r, sl] + crb[r + 1, sl]
                           + crb[r + 2, sl] + crb[r + 3, sl])
                    ob[c, sl] = acc
                return carry

            lax.fori_loop(0, _S, row_body, 0)
            pltpu.async_copy(ob, out_hbm.at[b0 + k], so[b])

        def stage(k, b, wb_guard, next_gather, next_idx):
            if next_gather:
                wait_idx(b ^ 1)
                issue_gathers(b ^ 1)
            wait_gathers(b)
            if next_idx:
                issue_idx(k + 2, b)
            if wb_guard is None:
                wait_writeback(b)
            elif wb_guard is not False:
                @pl.when(wb_guard)
                def _():
                    wait_writeback(b)
            compute(b, k)

        issue_idx(0, 0)
        issue_idx(1, 1)
        wait_idx(0)
        issue_gathers(0)

        def pair_body(k2, carry):
            guard = k2 >= 1
            stage(2 * k2, 0, guard, True, True)
            stage(2 * k2 + 1, 1, guard, True, True)
            return carry

        lax.fori_loop(0, _BATCH_W // 2 - 1, pair_body, 0)

        k = _BATCH_W - 2
        stage(k, 0, None, True, False)
        stage(k + 1, 1, None, False, False)
        wait_writeback(0)
        wait_writeback(1)

    return enc


_encoder = _make_encoder()


def _mask_body(len_ref, out_ref):
    iota = lax.broadcasted_iota(jnp.int32, (_B, _S), 1)
    out_ref[...] = iota < len_ref[...]


def _seq_mask(length):
    return pl.pallas_call(
        _mask_body,
        out_shape=jax.ShapeDtypeStruct((_B, _S), jnp.bool_),
    )(length.reshape(_B, 1))


def kernel(length, item_id, cate_id, emb_item, emb_cate):
    item_flat = item_id.reshape(_B * _S * _K)
    cate_flat = cate_id.reshape(_B * _S * _K)
    seq = _encoder(item_flat, cate_flat, emb_item, emb_cate)
    return seq, _seq_mask(length)

# --- scband reference (transcript-rebuilt; emitter-appended) ---
"""Pipeline reference for scband-encoder-2293512536255 (READ-ONLY COPY).

The authoritative reference and input builder live on the scoring server;
editing this copy changes nothing except your own understanding.
"""

import jax, jax.numpy as jnp
import numpy as np

VOCAB = 100000
LATENT = 128
B = 4096
S = 50
K = 4


def setup_inputs(seed: int = 0) -> dict:
    key = jax.random.key(seed)
    k1, k2, k3, k4, k5 = jax.random.split(key, 5)
    length = jax.random.randint(k1, (B,), 0, S)
    item_id = jax.random.randint(k2, (B, S, K), 0, VOCAB)
    cate_id = jax.random.randint(k3, (B, S, K), 0, VOCAB)
    # Embedding tables sized input_dim + 2 as in the keras module
    emb_item = jax.random.normal(k4, (VOCAB + 2, LATENT), dtype=jnp.float32) * 0.02
    emb_cate = jax.random.normal(k5, (VOCAB + 2, LATENT), dtype=jnp.float32) * 0.02
    return {"length": length, "item_id": item_id, "cate_id": cate_id,
            "emb_item": emb_item, "emb_cate": emb_cate}


def reference(length, item_id, cate_id, emb_item, emb_cate):
    # Encoder.call with context=None, input_dtype='set' (no pos token),
    # use_elemwise_noise=False, fusion='add', two categorical sequence columns.
    seq_len = item_id.shape[1]
    # get_seq_mask(length): standard sequence mask [B, S]
    seq_mask = jnp.arange(seq_len)[None, :] < length[:, None]
    # categorical sequence columns: embed [B,S,K,D] then reduce_sum over axis=2 -> [B,S,D]
    x_item = jnp.take(emb_item, item_id, axis=0).sum(axis=2)
    x_cate = jnp.take(emb_cate, cate_id, axis=0).sum(axis=2)
    # fusion == 'add': sum sequence features
    seq = x_item + x_cate
    return (seq, seq_mask)

if __name__ == "__main__":
    import jax
    _d = setup_inputs()
    print(jax.jit(kernel)(*tuple(_d.values())))

</pallas_src>

<mosaic_0001>
#map = affine_map<(d0, d1) -> (0)>
#map1 = affine_map<(d0, d1) -> (0, 0)>
#map2 = affine_map<(d0, d1) -> (0, 0, 0)>
module attributes {stable_mosaic.version = 14 : i64} {
  func.func @enc(%arg0: i32, %arg1: i32, %arg2: memref<819200xi32, #tpu.memory_space<hbm>>, %arg3: memref<819200xi32, #tpu.memory_space<hbm>>, %arg4: memref<100002x128xf32, #tpu.memory_space<hbm>>, %arg5: memref<100002x128xf32, #tpu.memory_space<hbm>>, %arg6: memref<4096x50x128xf32, #tpu.memory_space<hbm>>, %arg7: memref<200xi32, #tpu.memory_space<vmem>>, %arg8: memref<200xi32, #tpu.memory_space<vmem>>, %arg9: memref<200xi32, #tpu.memory_space<vmem>>, %arg10: memref<200xi32, #tpu.memory_space<vmem>>, %arg11: memref<200x128xf32, #tpu.memory_space<vmem>>, %arg12: memref<200x128xf32, #tpu.memory_space<vmem>>, %arg13: memref<200x128xf32, #tpu.memory_space<vmem>>, %arg14: memref<200x128xf32, #tpu.memory_space<vmem>>, %arg15: memref<50x128xf32, #tpu.memory_space<vmem>>, %arg16: memref<50x128xf32, #tpu.memory_space<vmem>>, %arg17: memref<!tpu.dma_semaphore, #tpu.memory_space<semaphore_mem>>, %arg18: memref<!tpu.dma_semaphore, #tpu.memory_space<semaphore_mem>>, %arg19: memref<!tpu.dma_semaphore, #tpu.memory_space<semaphore_mem>>, %arg20: memref<!tpu.dma_semaphore, #tpu.memory_space<semaphore_mem>>, %arg21: memref<!tpu.dma_semaphore, #tpu.memory_space<semaphore_mem>>, %arg22: memref<!tpu.dma_semaphore, #tpu.memory_space<semaphore_mem>>) attributes {dimension_semantics = [#tpu.dimension_semantics<core_parallel>, #tpu.dimension_semantics<subcore_parallel>], iteration_bounds = array<i64: 2, 16>, scalar_prefetch = 0 : i64, scratch_operands = 16 : i64, tpu.core_type = #tpu.core_type<sc_vector_subcore>, window_params = [{transform_indices = #map}, {transform_indices = #map}, {transform_indices = #map1}, {transform_indices = #map1}, {transform_indices = #map2}]} {
    %mul3A = arith.constant 2 : i32
    %mul3A_0 = arith.muli %arg1, %mul3A : i32
    %add3A = arith.addi %mul3A_0, %arg0 : i32
    %mul3A_1 = arith.constant 128 : i32
    %mul3A_2 = arith.muli %add3A, %mul3A_1 : i32
    %add3A_3 = arith.constant 0 : i32
    %add3A_4 = arith.addi %mul3A_2, %add3A_3 : i32
    %mul3A_5 = arith.constant 200 : i32
    %mul3A_6 = arith.muli %add3A_4, %mul3A_5 : i32
    %multiple_of3A = tpu.assume_multiple %mul3A_6, 200 : i32
    %dma_start3A = tpu.memref_slice %arg2[%multiple_of3A] : memref<819200xi32, #tpu.memory_space<hbm>> -> memref<200xi32, #tpu.memory_space<hbm>>
    %dma_start3A_7 = tpu.memref_slice %arg2[%multiple_of3A] : memref<819200xi32, #tpu.memory_space<hbm>> -> memref<200xi32, #tpu.memory_space<hbm>>
    tpu.enqueue_dma source(%dma_start3A_7 : memref<200xi32, #tpu.memory_space<hbm>>) target(%arg7 : memref<200xi32, #tpu.memory_space<vmem>>) target_semaphore(%arg17 : memref<!tpu.dma_semaphore, #tpu.memory_space<semaphore_mem>>)
    %dma_start3A_8 = tpu.memref_slice %arg3[%multiple_of3A] : memref<819200xi32, #tpu.memory_space<hbm>> -> memref<200xi32, #tpu.memory_space<hbm>>
    %dma_start3A_9 = tpu.memref_slice %arg3[%multiple_of3A] : memref<819200xi32, #tpu.memory_space<hbm>> -> memref<200xi32, #tpu.memory_space<hbm>>
    tpu.enqueue_dma source(%dma_start3A_9 : memref<200xi32, #tpu.memory_space<hbm>>) target(%arg9 : memref<200xi32, #tpu.memory_space<vmem>>) target_semaphore(%arg17 : memref<!tpu.dma_semaphore, #tpu.memory_space<semaphore_mem>>)
    %add3A_10 = arith.constant 1 : i32
    %add3A_11 = arith.addi %mul3A_2, %add3A_10 : i32
    %mul3A_12 = arith.constant 200 : i32
    %mul3A_13 = arith.muli %add3A_11, %mul3A_12 : i32
    %multiple_of3A_14 = tpu.assume_multiple %mul3A_13, 200 : i32
    %dma_start3A_15 = tpu.memref_slice %arg2[%multiple_of3A_14] : memref<819200xi32, #tpu.memory_space<hbm>> -> memref<200xi32, #tpu.memory_space<hbm>>
    %dma_start3A_16 = tpu.memref_slice %arg2[%multiple_of3A_14] : memref<819200xi32, #tpu.memory_space<hbm>> -> memref<200xi32, #tpu.memory_space<hbm>>
    tpu.enqueue_dma source(%dma_start3A_16 : memref<200xi32, #tpu.memory_space<hbm>>) target(%arg8 : memref<200xi32, #tpu.memory_space<vmem>>) target_semaphore(%arg18 : memref<!tpu.dma_semaphore, #tpu.memory_space<semaphore_mem>>)
    %dma_start3A_17 = tpu.memref_slice %arg3[%multiple_of3A_14] : memref<819200xi32, #tpu.memory_space<hbm>> -> memref<200xi32, #tpu.memory_space<hbm>>
    %dma_start3A_18 = tpu.memref_slice %arg3[%multiple_of3A_14] : memref<819200xi32, #tpu.memory_space<hbm>> -> memref<200xi32, #tpu.memory_space<hbm>>
    tpu.enqueue_dma source(%dma_start3A_18 : memref<200xi32, #tpu.memory_space<hbm>>) target(%arg10 : memref<200xi32, #tpu.memory_space<vmem>>) target_semaphore(%arg18 : memref<!tpu.dma_semaphore, #tpu.memory_space<semaphore_mem>>)
    %dma_wait3A = arith.constant 0 : i32
    %dma_wait3A_19 = tpu.memref_slice %arg2[%dma_wait3A] : memref<819200xi32, #tpu.memory_space<hbm>> -> memref<200xi32, #tpu.memory_space<hbm>>
    %dma_wait3A_20 = arith.constant 0 : i32
    %dma_wait3A_21 = tpu.memref_slice %arg2[%dma_wait3A_20] : memref<819200xi32, #tpu.memory_space<hbm>> -> memref<200xi32, #tpu.memory_space<hbm>>
    tpu.wait_dma2 semaphore(%arg17 : memref<!tpu.dma_semaphore, #tpu.memory_space<semaphore_mem>>) src(%dma_wait3A_21 : memref<200xi32, #tpu.memory_space<hbm>>) dst(%arg7 : memref<200xi32, #tpu.memory_space<vmem>>)
    %dma_wait3A_22 = arith.constant 0 : i32
    %dma_wait3A_23 = tpu.memref_slice %arg3[%dma_wait3A_22] : memref<819200xi32, #tpu.memory_space<hbm>> -> memref<200xi32, #tpu.memory_space<hbm>>
    %dma_wait3A_24 = arith.constant 0 : i32
    %dma_wait3A_25 = tpu.memref_slice %arg3[%dma_wait3A_24] : memref<819200xi32, #tpu.memory_space<hbm>> -> memref<200xi32, #tpu.memory_space<hbm>>
    tpu.wait_dma2 semaphore(%arg17 : memref<!tpu.dma_semaphore, #tpu.memory_space<semaphore_mem>>) src(%dma_wait3A_25 : memref<200xi32, #tpu.memory_space<hbm>>) dst(%arg9 : memref<200xi32, #tpu.memory_space<vmem>>)
    %dma_start3A_26 = arith.constant 0 : i32
    %dma_start3A_27 = arith.constant 0 : i32
    %dma_start3A_28 = tpu.memref_slice %arg11[%dma_start3A_26, %dma_start3A_27] : memref<200x128xf32, #tpu.memory_space<vmem>> -> memref<128x128xf32, #tpu.memory_space<vmem>>
    %dma_start3A_29 = arith.constant 0 : i32
    %dma_start3A_30 = tpu.memref_slice %arg7[%dma_start3A_29] : memref<200xi32, #tpu.memory_space<vmem>> -> memref<128xi32, #tpu.memory_space<vmem>>
    %dma_start3A_31 = arith.constant 0 : i32
    %dma_start3A_32 = arith.constant 0 : i32
    %dma_start3A_33 = tpu.memref_slice %arg4[%dma_start3A_31, %dma_start3A_32] : memref<100002x128xf32, #tpu.memory_space<hbm>> -> memref<100002x128xf32, #tpu.memory_space<hbm>>
    tpu.enqueue_indirect_dma source(%dma_start3A_33 : memref<100002x128xf32, #tpu.memory_space<hbm>>) target(%dma_start3A_28 : memref<128x128xf32, #tpu.memory_space<vmem>>) offsets(%dma_start3A_30 : memref<128xi32, #tpu.memory_space<vmem>>) semaphore(%arg19 : memref<!tpu.dma_semaphore, #tpu.memory_space<semaphore_mem>>)
    %dma_start3A_34 = arith.constant 128 : i32
    %dma_start3A_35 = arith.constant 0 : i32
    %dma_start3A_36 = tpu.memref_slice %arg11[%dma_start3A_34, %dma_start3A_35] : memref<200x128xf32, #tpu.memory_space<vmem>> -> memref<72x128xf32, #tpu.memory_space<vmem>>
    %dma_start3A_37 = arith.constant 128 : i32
    %dma_start3A_38 = tpu.memref_slice %arg7[%dma_start3A_37] : memref<200xi32, #tpu.memory_space<vmem>> -> memref<72xi32, #tpu.memory_space<vmem>>
    %dma_start3A_39 = arith.constant 0 : i32
    %dma_start3A_40 = arith.constant 0 : i32
    %dma_start3A_41 = tpu.memref_slice %arg4[%dma_start3A_39, %dma_start3A_40] : memref<100002x128xf32, #tpu.memory_space<hbm>> -> memref<100002x128xf32, #tpu.memory_space<hbm>>
    tpu.enqueue_indirect_dma source(%dma_start3A_41 : memref<100002x128xf32, #tpu.memory_space<hbm>>) target(%dma_start3A_36 : memref<72x128xf32, #tpu.memory_space<vmem>>) offsets(%dma_start3A_38 : memref<72xi32, #tpu.memory_space<vmem>>) semaphore(%arg19 : memref<!tpu.dma_semaphore, #tpu.memory_space<semaphore_mem>>)
    %dma_start3A_42 = arith.constant 0 : i32
    %dma_start3A_43 = arith.constant 0 : i32
    %dma_start3A_44 = tpu.memref_slice %arg13[%dma_start3A_42, %dma_start3A_43] : memref<200x128xf32, #tpu.memory_space<vmem>> -> memref<128x128xf32, #tpu.memory_space<vmem>>
    %dma_start3A_45 = arith.constant 0 : i32
    %dma_start3A_46 = tpu.memref_slice %arg9[%dma_start3A_45] : memref<200xi32, #tpu.memory_space<vmem>> -> memref<128xi32, #tpu.memory_space<vmem>>
    %dma_start3A_47 = arith.constant 0 : i32
    %dma_start3A_48 = arith.constant 0 : i32
    %dma_start3A_49 = tpu.memref_slice %arg5[%dma_start3A_47, %dma_start3A_48] : memref<100002x128xf32, #tpu.memory_space<hbm>> -> memref<100002x128xf32, #tpu.memory_space<hbm>>
    tpu.enqueue_indirect_dma source(%dma_start3A_49 : memref<100002x128xf32, #tpu.memory_space<hbm>>) target(%dma_start3A_44 : memref<128x128xf32, #tpu.memory_space<vmem>>) offsets(%dma_start3A_46 : memref<128xi32, #tpu.memory_space<vmem>>) semaphore(%arg19 : memref<!tpu.dma_semaphore, #tpu.memory_space<semaphore_mem>>)
    %dma_start3A_50 = arith.constant 128 : i32
    %dma_start3A_51 = arith.constant 0 : i32
    %dma_start3A_52 = tpu.memref_slice %arg13[%dma_start3A_50, %dma_start3A_51] : memref<200x128xf32, #tpu.memory_space<vmem>> -> memref<72x128xf32, #tpu.memory_space<vmem>>
    %dma_start3A_53 = arith.constant 128 : i32
    %dma_start3A_54 = tpu.memref_slice %arg9[%dma_start3A_53] : memref<200xi32, #tpu.memory_space<vmem>> -> memref<72xi32, #tpu.memory_space<vmem>>
    %dma_start3A_55 = arith.constant 0 : i32
    %dma_start3A_56 = arith.constant 0 : i32
    %dma_start3A_57 = tpu.memref_slice %arg5[%dma_start3A_55, %dma_start3A_56] : memref<100002x128xf32, #tpu.memory_space<hbm>> -> memref<100002x128xf32, #tpu.memory_space<hbm>>
    tpu.enqueue_indirect_dma source(%dma_start3A_57 : memref<100002x128xf32, #tpu.memory_space<hbm>>) target(%dma_start3A_52 : memref<72x128xf32, #tpu.memory_space<vmem>>) offsets(%dma_start3A_54 : memref<72xi32, #tpu.memory_space<vmem>>) semaphore(%arg19 : memref<!tpu.dma_semaphore, #tpu.memory_space<semaphore_mem>>)
    %scan3A = arith.constant 0 : i32
    %scan3A_58 = arith.constant 0 : i32
    %scan3A_59 = arith.constant 63 : i32
    %scan3A_60 = arith.addi %scan3A_58, %scan3A_59 : i32
    %scan3A_61 = arith.constant 1 : i32
    scf.for %scan3A_231 = %scan3A_58 to %scan3A_60 step %scan3A_61  : i32 {
      %ge3A = arith.constant 1 : i32
      %ge3A_232 = arith.cmpi sge, %scan3A_231, %ge3A : i32
      %mul3A_233 = arith.constant 2 : i32
      %mul3A_234 = arith.muli %mul3A_233, %scan3A_231 : i32
      %dma_wait3A_235 = arith.constant 0 : i32
      %dma_wait3A_236 = tpu.memref_slice %arg2[%dma_wait3A_235] : memref<819200xi32, #tpu.memory_space<hbm>> -> memref<200xi32, #tpu.memory_space<hbm>>
      %dma_wait3A_237 = arith.constant 0 : i32
      %dma_wait3A_238 = tpu.memref_slice %arg2[%dma_wait3A_237] : memref<819200xi32, #tpu.memory_space<hbm>> -> memref<200xi32, #tpu.memory_space<hbm>>
      tpu.wait_dma2 semaphore(%arg18 : memref<!tpu.dma_semaphore, #tpu.memory_space<semaphore_mem>>) src(%dma_wait3A_238 : memref<200xi32, #tpu.memory_space<hbm>>) dst(%arg8 : memref<200xi32, #tpu.memory_space<vmem>>)
      %dma_wait3A_239 = arith.constant 0 : i32
      %dma_wait3A_240 = tpu.memref_slice %arg3[%dma_wait3A_239] : memref<819200xi32, #tpu.memory_space<hbm>> -> memref<200xi32, #tpu.memory_space<hbm>>
      %dma_wait3A_241 = arith.constant 0 : i32
      %dma_wait3A_242 = tpu.memref_slice %arg3[%dma_wait3A_241] : memref<819200xi32, #tpu.memory_space<hbm>> -> memref<200xi32, #tpu.memory_space<hbm>>
      tpu.wait_dma2 semaphore(%arg18 : memref<!tpu.dma_semaphore, #tpu.memory_space<semaphore_mem>>) src(%dma_wait3A_242 : memref<200xi32, #tpu.memory_space<hbm>>) dst(%arg10 : memref<200xi32, #tpu.memory_space<vmem>>)
      %dma_start3A_243 = arith.constant 0 : i32
      %dma_start3A_244 = arith.constant 0 : i32
      %dma_start3A_245 = tpu.memref_slice %arg12[%dma_start3A_243, %dma_start3A_244] : memref<200x128xf32, #tpu.memory_space<vmem>> -> memref<128x128xf32, #tpu.memory_space<vmem>>
      %dma_start3A_246 = arith.constant 0 : i32
      %dma_start3A_247 = tpu.memref_slice %arg8[%dma_start3A_246] : memref<200xi32, #tpu.memory_space<vmem>> -> memref<128xi32, #tpu.memory_space<vmem>>
      %dma_start3A_248 = arith.constant 0 : i32
      %dma_start3A_249 = arith.constant 0 : i32
      %dma_start3A_250 = tpu.memref_slice %arg4[%dma_start3A_248, %dma_start3A_249] : memref<100002x128xf32, #tpu.memory_space<hbm>> -> memref<100002x128xf32, #tpu.memory_space<hbm>>
      tpu.enqueue_indirect_dma source(%dma_start3A_250 : memref<100002x128xf32, #tpu.memory_space<hbm>>) target(%dma_start3A_245 : memref<128x128xf32, #tpu.memory_space<vmem>>) offsets(%dma_start3A_247 : memref<128xi32, #tpu.memory_space<vmem>>) semaphore(%arg20 : memref<!tpu.dma_semaphore, #tpu.memory_space<semaphore_mem>>)
      %dma_start3A_251 = arith.constant 128 : i32
      %dma_start3A_252 = arith.constant 0 : i32
      %dma_start3A_253 = tpu.memref_slice %arg12[%dma_start3A_251, %dma_start3A_252] : memref<200x128xf32, #tpu.memory_space<vmem>> -> memref<72x128xf32, #tpu.memory_space<vmem>>
      %dma_start3A_254 = arith.constant 128 : i32
      %dma_start3A_255 = tpu.memref_slice %arg8[%dma_start3A_254] : memref<200xi32, #tpu.memory_space<vmem>> -> memref<72xi32, #tpu.memory_space<vmem>>
      %dma_start3A_256 = arith.constant 0 : i32
      %dma_start3A_257 = arith.constant 0 : i32
      %dma_start3A_258 = tpu.memref_slice %arg4[%dma_start3A_256, %dma_start3A_257] : memref<100002x128xf32, #tpu.memory_space<hbm>> -> memref<100002x128xf32, #tpu.memory_space<hbm>>
      tpu.enqueue_indirect_dma source(%dma_start3A_258 : memref<100002x128xf32, #tpu.memory_space<hbm>>) target(%dma_start3A_253 : memref<72x128xf32, #tpu.memory_space<vmem>>) offsets(%dma_start3A_255 : memref<72xi32, #tpu.memory_space<vmem>>) semaphore(%arg20 : memref<!tpu.dma_semaphore, #tpu.memory_space<semaphore_mem>>)
      %dma_start3A_259 = arith.constant 0 : i32
      %dma_start3A_260 = arith.constant 0 : i32
      %dma_start3A_261 = tpu.memref_slice %arg14[%dma_start3A_259, %dma_start3A_260] : memref<200x128xf32, #tpu.memory_space<vmem>> -> memref<128x128xf32, #tpu.memory_space<vmem>>
      %dma_start3A_262 = arith.constant 0 : i32
      %dma_start3A_263 = tpu.memref_slice %arg10[%dma_start3A_262] : memref<200xi32, #tpu.memory_space<vmem>> -> memref<128xi32, #tpu.memory_space<vmem>>
      %dma_start3A_264 = arith.constant 0 : i32
      %dma_start3A_265 = arith.constant 0 : i32
      %dma_start3A_266 = tpu.memref_slice %arg5[%dma_start3A_264, %dma_start3A_265] : memref<100002x128xf32, #tpu.memory_space<hbm>> -> memref<100002x128xf32, #tpu.memory_space<hbm>>
      tpu.enqueue_indirect_dma source(%dma_start3A_266 : memref<100002x128xf32, #tpu.memory_space<hbm>>) target(%dma_start3A_261 : memref<128x128xf32, #tpu.memory_space<vmem>>) offsets(%dma_start3A_263 : memref<128xi32, #tpu.memory_space<vmem>>) semaphore(%arg20 : memref<!tpu.dma_semaphore, #tpu.memory_space<semaphore_mem>>)
      %dma_start3A_267 = arith.constant 128 : i32
      %dma_start3A_268 = arith.constant 0 : i32
      %dma_start3A_269 = tpu.memref_slice %arg14[%dma_start3A_267, %dma_start3A_268] : memref<200x128xf32, #tpu.memory_space<vmem>> -> memref<72x128xf32, #tpu.memory_space<vmem>>
      %dma_start3A_270 = arith.constant 128 : i32
      %dma_start3A_271 = tpu.memref_slice %arg10[%dma_start3A_270] : memref<200xi32, #tpu.memory_space<vmem>> -> memref<72xi32, #tpu.memory_space<vmem>>
      %dma_start3A_272 = arith.constant 0 : i32
      %dma_start3A_273 = arith.constant 0 : i32
      %dma_start3A_274 = tpu.memref_slice %arg5[%dma_start3A_272, %dma_start3A_273] : memref<100002x128xf32, #tpu.memory_space<hbm>> -> memref<100002x128xf32, #tpu.memory_space<hbm>>
      tpu.enqueue_indirect_dma source(%dma_start3A_274 : memref<100002x128xf32, #tpu.memory_space<hbm>>) target(%dma_start3A_269 : memref<72x128xf32, #tpu.memory_space<vmem>>) offsets(%dma_start3A_271 : memref<72xi32, #tpu.memory_space<vmem>>) semaphore(%arg20 : memref<!tpu.dma_semaphore, #tpu.memory_space<semaphore_mem>>)
      %dma_wait3A_275 = arith.constant 0 : i32
      %dma_wait3A_276 = arith.constant 0 : i32
      %dma_wait3A_277 = tpu.memref_slice %arg11[%dma_wait3A_275, %dma_wait3A_276] : memref<200x128xf32, #tpu.memory_space<vmem>> -> memref<128x128xf32, #tpu.memory_space<vmem>>
      %dma_wait3A_278 = arith.constant 0 : i32
      %dma_wait3A_279 = tpu.memref_slice %arg7[%dma_wait3A_278] : memref<200xi32, #tpu.memory_space<vmem>> -> memref<128xi32, #tpu.memory_space<vmem>>
      %dma_wait3A_280 = arith.constant 0 : i32
      %dma_wait3A_281 = arith.constant 0 : i32
      %dma_wait3A_282 = tpu.memref_slice %arg4[%dma_wait3A_280, %dma_wait3A_281] : memref<100002x128xf32, #tpu.memory_space<hbm>> -> memref<100002x128xf32, #tpu.memory_space<hbm>>
      tpu.wait_indirect_dma semaphore(%arg19 : memref<!tpu.dma_semaphore, #tpu.memory_space<semaphore_mem>>) src(%dma_wait3A_282 : memref<100002x128xf32, #tpu.memory_space<hbm>>) dst(%dma_wait3A_277 : memref<128x128xf32, #tpu.memory_space<vmem>>)
      %dma_wait3A_283 = arith.constant 128 : i32
      %dma_wait3A_284 = arith.constant 0 : i32
      %dma_wait3A_285 = tpu.memref_slice %arg11[%dma_wait3A_283, %dma_wait3A_284] : memref<200x128xf32, #tpu.memory_space<vmem>> -> memref<72x128xf32, #tpu.memory_space<vmem>>
      %dma_wait3A_286 = arith.constant 128 : i32
      %dma_wait3A_287 = tpu.memref_slice %arg7[%dma_wait3A_286] : memref<200xi32, #tpu.memory_space<vmem>> -> memref<72xi32, #tpu.memory_space<vmem>>
      %dma_wait3A_288 = arith.constant 0 : i32
      %dma_wait3A_289 = arith.constant 0 : i32
      %dma_wait3A_290 = tpu.memref_slice %arg4[%dma_wait3A_288, %dma_wait3A_289] : memref<100002x128xf32, #tpu.memory_space<hbm>> -> memref<100002x128xf32, #tpu.memory_space<hbm>>
      tpu.wait_indirect_dma semaphore(%arg19 : memref<!tpu.dma_semaphore, #tpu.memory_space<semaphore_mem>>) src(%dma_wait3A_290 : memref<100002x128xf32, #tpu.memory_space<hbm>>) dst(%dma_wait3A_285 : memref<72x128xf32, #tpu.memory_space<vmem>>)
      %dma_wait3A_291 = arith.constant 0 : i32
      %dma_wait3A_292 = arith.constant 0 : i32
      %dma_wait3A_293 = tpu.memref_slice %arg13[%dma_wait3A_291, %dma_wait3A_292] : memref<200x128xf32, #tpu.memory_space<vmem>> -> memref<128x128xf32, #tpu.memory_space<vmem>>
      %dma_wait3A_294 = arith.constant 0 : i32
      %dma_wait3A_295 = tpu.memref_slice %arg9[%dma_wait3A_294] : memref<200xi32, #tpu.memory_space<vmem>> -> memref<128xi32, #tpu.memory_space<vmem>>
      %dma_wait3A_296 = arith.constant 0 : i32
      %dma_wait3A_297 = arith.constant 0 : i32
      %dma_wait3A_298 = tpu.memref_slice %arg5[%dma_wait3A_296, %dma_wait3A_297] : memref<100002x128xf32, #tpu.memory_space<hbm>> -> memref<100002x128xf32, #tpu.memory_space<hbm>>
      tpu.wait_indirect_dma semaphore(%arg19 : memref<!tpu.dma_semaphore, #tpu.memory_space<semaphore_mem>>) src(%dma_wait3A_298 : memref<100002x128xf32, #tpu.memory_space<hbm>>) dst(%dma_wait3A_293 : memref<128x128xf32, #tpu.memory_space<vmem>>)
      %dma_wait3A_299 = arith.constant 128 : i32
      %dma_wait3A_300 = arith.constant 0 : i32
      %dma_wait3A_301 = tpu.memref_slice %arg13[%dma_wait3A_299, %dma_wait3A_300] : memref<200x128xf32, #tpu.memory_space<vmem>> -> memref<72x128xf32, #tpu.memory_space<vmem>>
      %dma_wait3A_302 = arith.constant 128 : i32
      %dma_wait3A_303 = tpu.memref_slice %arg9[%dma_wait3A_302] : memref<200xi32, #tpu.memory_space<vmem>> -> memref<72xi32, #tpu.memory_space<vmem>>
      %dma_wait3A_304 = arith.constant 0 : i32
      %dma_wait3A_305 = arith.constant 0 : i32
      %dma_wait3A_306 = tpu.memref_slice %arg5[%dma_wait3A_304, %dma_wait3A_305] : memref<100002x128xf32, #tpu.memory_space<hbm>> -> memref<100002x128xf32, #tpu.memory_space<hbm>>
      tpu.wait_indirect_dma semaphore(%arg19 : memref<!tpu.dma_semaphore, #tpu.memory_space<semaphore_mem>>) src(%dma_wait3A_306 : memref<100002x128xf32, #tpu.memory_space<hbm>>) dst(%dma_wait3A_301 : memref<72x128xf32, #tpu.memory_space<vmem>>)
      %add3A_307 = arith.constant 2 : i32
      %add3A_308 = arith.addi %mul3A_234, %add3A_307 : i32
      %add3A_309 = arith.addi %mul3A_2, %add3A_308 : i32
      %mul3A_310 = arith.constant 200 : i32
      %mul3A_311 = arith.muli %add3A_309, %mul3A_310 : i32
      %multiple_of3A_312 = tpu.assume_multiple %mul3A_311, 200 : i32
      %dma_start3A_313 = tpu.memref_slice %arg2[%multiple_of3A_312] : memref<819200xi32, #tpu.memory_space<hbm>> -> memref<200xi32, #tpu.memory_space<hbm>>
      %dma_start3A_314 = tpu.memref_slice %arg2[%multiple_of3A_312] : memref<819200xi32, #tpu.memory_space<hbm>> -> memref<200xi32, #tpu.memory_space<hbm>>
      tpu.enqueue_dma source(%dma_start3A_314 : memref<200xi32, #tpu.memory_space<hbm>>) target(%arg7 : memref<200xi32, #tpu.memory_space<vmem>>) target_semaphore(%arg17 : memref<!tpu.dma_semaphore, #tpu.memory_space<semaphore_mem>>)
      %dma_start3A_315 = tpu.memref_slice %arg3[%multiple_of3A_312] : memref<819200xi32, #tpu.memory_space<hbm>> -> memref<200xi32, #tpu.memory_space<hbm>>
      %dma_start3A_316 = tpu.memref_slice %arg3[%multiple_of3A_312] : memref<819200xi32, #tpu.memory_space<hbm>> -> memref<200xi32, #tpu.memory_space<hbm>>
      tpu.enqueue_dma source(%dma_start3A_316 : memref<200xi32, #tpu.memory_space<hbm>>) target(%arg9 : memref<200xi32, #tpu.memory_space<vmem>>) target_semaphore(%arg17 : memref<!tpu.dma_semaphore, #tpu.memory_space<semaphore_mem>>)
      %convert_element_type3A = arith.extui %ge3A_232 : i1 to i32
      %cond3A = arith.constant 0 : i32
      %cond3A_317 = arith.cmpi ne, %convert_element_type3A, %cond3A : i32
      scf.if %cond3A_317 {
        %dma_wait3A_437 = arith.constant 0 : i32
        %dma_wait3A_438 = arith.constant 0 : i32
        %dma_wait3A_439 = tpu.memref_slice %arg6[%mul3A_2, %dma_wait3A_437, %dma_wait3A_438] : memref<4096x50x128xf32, #tpu.memory_space<hbm>> -> memref<1x50x128xf32, #tpu.memory_space<hbm>>
        %dma_wait3A_440 = tpu.memref_squeeze %dma_wait3A_439 : memref<1x50x128xf32, #tpu.memory_space<hbm>> -> memref<50x128xf32, #tpu.memory_space<hbm>>
        %dma_wait3A_441 = arith.constant 0 : i32
        %dma_wait3A_442 = arith.constant 0 : i32
        %dma_wait3A_443 = tpu.memref_slice %arg6[%mul3A_2, %dma_wait3A_441, %dma_wait3A_442] : memref<4096x50x128xf32, #tpu.memory_space<hbm>> -> memref<1x50x128xf32, #tpu.memory_space<hbm>>
        %dma_wait3A_444 = tpu.memref_squeeze %dma_wait3A_443 : memref<1x50x128xf32, #tpu.memory_space<hbm>> -> memref<50x128xf32, #tpu.memory_space<hbm>>
        tpu.wait_dma2 semaphore(%arg21 : memref<!tpu.dma_semaphore, #tpu.memory_space<semaphore_mem>>) src(%arg15 : memref<50x128xf32, #tpu.memory_space<vmem>>) dst(%dma_wait3A_444 : memref<50x128xf32, #tpu.memory_space<hbm>>)
      } else {
      }
      %scan3A_318 = arith.constant 0 : i32
      %scan3A_319 = arith.constant 0 : i32
      %scan3A_320 = arith.constant 50 : i32
      %scan3A_321 = arith.addi %scan3A_319, %scan3A_320 : i32
      %scan3A_322 = arith.constant 1 : i32
      scf.for %scan3A_437 = %scan3A_319 to %scan3A_321 step %scan3A_322  : i32 {
        %mul3A_438 = arith.constant 4 : i32
        %mul3A_439 = arith.muli %scan3A_437, %mul3A_438 : i32
        %get3A = arith.index_cast %mul3A_439 : i32 to index
        %get3A_440 = arith.constant 0 : index
        %get3A_441 = tpu.vector_load %arg11[%get3A, %get3A_440] {strides = array<i32>} : memref<200x128xf32, #tpu.memory_space<vmem>>, vector<1x16xf32>,
        %get3A_442 = vector.shape_cast %get3A_441 : vector<1x16xf32> to vector<16xf32>
        %add3A_443 = arith.constant 1 : i32
        %add3A_444 = arith.addi %mul3A_439, %add3A_443 : i32
        %get3A_445 = arith.index_cast %add3A_444 : i32 to index
        %get3A_446 = arith.constant 0 : index
        %get3A_447 = tpu.vector_load %arg11[%get3A_445, %get3A_446] {strides = array<i32>} : memref<200x128xf32, #tpu.memory_space<vmem>>, vector<1x16xf32>,
        %get3A_448 = vector.shape_cast %get3A_447 : vector<1x16xf32> to vector<16xf32>
        %add3A_449 = arith.addf %get3A_442, %get3A_448 : vector<16xf32>
        %add3A_450 = arith.constant 2 : i32
        %add3A_451 = arith.addi %mul3A_439, %add3A_450 : i32
        %get3A_452 = arith.index_cast %add3A_451 : i32 to index
        %get3A_453 = arith.constant 0 : index
        %get3A_454 = tpu.vector_load %arg11[%get3A_452, %get3A_453] {strides = array<i32>} : memref<200x128xf32, #tpu.memory_space<vmem>>, vector<1x16xf32>,
        %get3A_455 = vector.shape_cast %get3A_454 : vector<1x16xf32> to vector<16xf32>
        %add3A_456 = arith.addf %add3A_449, %get3A_455 : vector<16xf32>
        %add3A_457 = arith.constant 3 : i32
        %add3A_458 = arith.addi %mul3A_439, %add3A_457 : i32
        %get3A_459 = arith.index_cast %add3A_458 : i32 to index
        %get3A_460 = arith.constant 0 : index
        %get3A_461 = tpu.vector_load %arg11[%get3A_459, %get3A_460] {strides = array<i32>} : memref<200x128xf32, #tpu.memory_space<vmem>>, vector<1x16xf32>,
        %get3A_462 = vector.shape_cast %get3A_461 : vector<1x16xf32> to vector<16xf32>
        %add3A_463 = arith.addf %add3A_456, %get3A_462 : vector<16xf32>
        %get3A_464 = arith.index_cast %mul3A_439 : i32 to index
        %get3A_465 = arith.constant 0 : index
        %get3A_466 = tpu.vector_load %arg13[%get3A_464, %get3A_465] {strides = array<i32>} : memref<200x128xf32, #tpu.memory_space<vmem>>, vector<1x16xf32>,
        %get3A_467 = vector.shape_cast %get3A_466 : vector<1x16xf32> to vector<16xf32>
        %add3A_468 = arith.addf %add3A_463, %get3A_467 : vector<16xf32>
        %add3A_469 = arith.constant 1 : i32
        %add3A_470 = arith.addi %mul3A_439, %add3A_469 : i32
        %get3A_471 = arith.index_cast %add3A_470 : i32 to index
        %get3A_472 = arith.constant 0 : index
        %get3A_473 = tpu.vector_load %arg13[%get3A_471, %get3A_472] {strides = array<i32>} : memref<200x128xf32, #tpu.memory_space<vmem>>, vector<1x16xf32>,
        %get3A_474 = vector.shape_cast %get3A_473 : vector<1x16xf32> to vector<16xf32>
        %add3A_475 = arith.addf %add3A_468, %get3A_474 : vector<16xf32>
        %add3A_476 = arith.constant 2 : i32
        %add3A_477 = arith.addi %mul3A_439, %add3A_476 : i32
        %get3A_478 = arith.index_cast %add3A_477 : i32 to index
        %get3A_479 = arith.constant 0 : index
        %get3A_480 = tpu.vector_load %arg13[%get3A_478, %get3A_479] {strides = array<i32>} : memref<200x128xf32, #tpu.memory_space<vmem>>, vector<1x16xf32>,
        %get3A_481 = vector.shape_cast %get3A_480 : vector<1x16xf32> to vector<16xf32>
        %add3A_482 = arith.addf %add3A_475, %get3A_481 : vector<16xf32>
        %add3A_483 = arith.constant 3 : i32
        %add3A_484 = arith.addi %mul3A_439, %add3A_483 : i32
        %get3A_485 = arith.index_cast %add3A_484 : i32 to index
        %get3A_486 = arith.constant 0 : index
        %get3A_487 = tpu.vector_load %arg13[%get3A_485, %get3A_486] {strides = array<i32>} : memref<200x128xf32, #tpu.memory_space<vmem>>, vector<1x16xf32>,
        %get3A_488 = vector.shape_cast %get3A_487 : vector<1x16xf32> to vector<16xf32>
        %add3A_489 = arith.addf %add3A_482, %get3A_488 : vector<16xf32>
        %swap3A = arith.index_cast %scan3A_437 : i32 to index
        %swap3A_490 = arith.constant 0 : index
        %swap3A_491 = tpu.vector_load %arg15[%swap3A, %swap3A_490] {strides = array<i32>} : memref<50x128xf32, #tpu.memory_space<vmem>>, vector<1x16xf32>,
        %swap3A_492 = vector.shape_cast %swap3A_491 : vector<1x16xf32> to vector<16xf32>
        %swap3A_493 = vector.shape_cast %add3A_489 : vector<16xf32> to vector<1x16xf32>
        tpu.vector_store %arg15[%swap3A, %swap3A_490], %swap3A_493 {strides = array<i32>} : memref<50x128xf32, #tpu.memory_space<vmem>>, vector<1x16xf32>,
        %get3A_494 = arith.index_cast %mul3A_439 : i32 to index
        %get3A_495 = arith.constant 16 : index
        %get3A_496 = tpu.vector_load %arg11[%get3A_494, %get3A_495] {strides = array<i32>} : memref<200x128xf32, #tpu.memory_space<vmem>>, vector<1x16xf32>,
        %get3A_497 = vector.shape_cast %get3A_496 : vector<1x16xf32> to vector<16xf32>
        %add3A_498 = arith.constant 1 : i32
        %add3A_499 = arith.addi %mul3A_439, %add3A_498 : i32
        %get3A_500 = arith.index_cast %add3A_499 : i32 to index
        %get3A_501 = arith.constant 16 : index
        %get3A_502 = tpu.vector_load %arg11[%get3A_500, %get3A_501] {strides = array<i32>} : memref<200x128xf32, #tpu.memory_space<vmem>>, vector<1x16xf32>,
        %get3A_503 = vector.shape_cast %get3A_502 : vector<1x16xf32> to vector<16xf32>
        %add3A_504 = arith.addf %get3A_497, %get3A_503 : vector<16xf32>
        %add3A_505 = arith.constant 2 : i32
        %add3A_506 = arith.addi %mul3A_439, %add3A_505 : i32
        %get3A_507 = arith.index_cast %add3A_506 : i32 to index
        %get3A_508 = arith.constant 16 : index
        %get3A_509 = tpu.vector_load %arg11[%get3A_507, %get3A_508] {strides = array<i32>} : memref<200x128xf32, #tpu.memory_space<vmem>>, vector<1x16xf32>,
        %get3A_510 = vector.shape_cast %get3A_509 : vector<1x16xf32> to vector<16xf32>
        %add3A_511 = arith.addf %add3A_504, %get3A_510 : vector<16xf32>
        %add3A_512 = arith.constant 3 : i32
        %add3A_513 = arith.addi %mul3A_439, %add3A_512 : i32
        %get3A_514 = arith.index_cast %add3A_513 : i32 to index
        %get3A_515 = arith.constant 16 : index
        %get3A_516 = tpu.vector_load %arg11[%get3A_514, %get3A_515] {strides = array<i32>} : memref<200x128xf32, #tpu.memory_space<vmem>>, vector<1x16xf32>,
        %get3A_517 = vector.shape_cast %get3A_516 : vector<1x16xf32> to vector<16xf32>
        %add3A_518 = arith.addf %add3A_511, %get3A_517 : vector<16xf32>
        %get3A_519 = arith.index_cast %mul3A_439 : i32 to index
        %get3A_520 = arith.constant 16 : index
        %get3A_521 = tpu.vector_load %arg13[%get3A_519, %get3A_520] {strides = array<i32>} : memref<200x128xf32, #tpu.memory_space<vmem>>, vector<1x16xf32>,
        %get3A_522 = vector.shape_cast %get3A_521 : vector<1x16xf32> to vector<16xf32>
        %add3A_523 = arith.addf %add3A_518, %get3A_522 : vector<16xf32>
        %add3A_524 = arith.constant 1 : i32
        %add3A_525 = arith.addi %mul3A_439, %add3A_524 : i32
        %get3A_526 = arith.index_cast %add3A_525 : i32 to index
        %get3A_527 = arith.constant 16 : index
        %get3A_528 = tpu.vector_load %arg13[%get3A_526, %get3A_527] {strides = array<i32>} : memref<200x128xf32, #tpu.memory_space<vmem>>, vector<1x16xf32>,
        %get3A_529 = vector.shape_cast %get3A_528 : vector<1x16xf32> to vector<16xf32>
        %add3A_530 = arith.addf %add3A_523, %get3A_529 : vector<16xf32>
        %add3A_531 = arith.constant 2 : i32
        %add3A_532 = arith.addi %mul3A_439, %add3A_531 : i32
        %get3A_533 = arith.index_cast %add3A_532 : i32 to index
        %get3A_534 = arith.constant 16 : index
        %get3A_535 = tpu.vector_load %arg13[%get3A_533, %get3A_534] {strides = array<i32>} : memref<200x128xf32, #tpu.memory_space<vmem>>, vector<1x16xf32>,
        %get3A_536 = vector.shape_cast %get3A_535 : vector<1x16xf32> to vector<16xf32>
        %add3A_537 = arith.addf %add3A_530, %get3A_536 : vector<16xf32>
        %add3A_538 = arith.constant 3 : i32
        %add3A_539 = arith.addi %mul3A_439, %add3A_538 : i32
        %get3A_540 = arith.index_cast %add3A_539 : i32 to index
        %get3A_541 = arith.constant 16 : index
        %get3A_542 = tpu.vector_load %arg13[%get3A_540, %get3A_541] {strides = array<i32>} : memref<200x128xf32, #tpu.memory_space<vmem>>, vector<1x16xf32>,
        %get3A_543 = vector.shape_cast %get3A_542 : vector<1x16xf32> to vector<16xf32>
        %add3A_544 = arith.addf %add3A_537, %get3A_543 : vector<16xf32>
        %swap3A_545 = arith.index_cast %scan3A_437 : i32 to index
        %swap3A_546 = arith.constant 16 : index
        %swap3A_547 = tpu.vector_load %arg15[%swap3A_545, %swap3A_546] {strides = array<i32>} : memref<50x128xf32, #tpu.memory_space<vmem>>, vector<1x16xf32>,
        %swap3A_548 = vector.shape_cast %swap3A_547 : vector<1x16xf32> to vector<16xf32>
        %swap3A_549 = vector.shape_cast %add3A_544 : vector<16xf32> to vector<1x16xf32>
        tpu.vector_store %arg15[%swap3A_545, %swap3A_546], %swap3A_549 {strides = array<i32>} : memref<50x128xf32, #tpu.memory_space<vmem>>, vector<1x16xf32>,
        %get3A_550 = arith.index_cast %mul3A_439 : i32 to index
        %get3A_551 = arith.constant 32 : index
        %get3A_552 = tpu.vector_load %arg11[%get3A_550, %get3A_551] {strides = array<i32>} : memref<200x128xf32, #tpu.memory_space<vmem>>, vector<1x16xf32>,
        %get3A_553 = vector.shape_cast %get3A_552 : vector<1x16xf32> to vector<16xf32>
        %add3A_554 = arith.constant 1 : i32
        %add3A_555 = arith.addi %mul3A_439, %add3A_554 : i32
        %get3A_556 = arith.index_cast %add3A_555 : i32 to index
        %get3A_557 = arith.constant 32 : index
        %get3A_558 = tpu.vector_load %arg11[%get3A_556, %get3A_557] {strides = array<i32>} : memref<200x128xf32, #tpu.memory_space<vmem>>, vector<1x16xf32>,
        %get3A_559 = vector.shape_cast %get3A_558 : vector<1x16xf32> to vector<16xf32>
        %add3A_560 = arith.addf %get3A_553, %get3A_559 : vector<16xf32>
        %add3A_561 = arith.constant 2 : i32
        %add3A_562 = arith.addi %mul3A_439, %add3A_561 : i32
        %get3A_563 = arith.index_cast %add3A_562 : i32 to index
        %get3A_564 = arith.constant 32 : index
        %get3A_565 = tpu.vector_load %arg11[%get3A_563, %get3A_564] {strides = array<i32>} : memref<200x128xf32, #tpu.memory_space<vmem>>, vector<1x16xf32>,
        %get3A_566 = vector.shape_cast %get3A_565 : vector<1x16xf32> to vector<16xf32>
        %add3A_567 = arith.addf %add3A_560, %get3A_566 : vector<16xf32>
        %add3A_568 = arith.constant 3 : i32
        %add3A_569 = arith.addi %mul3A_439, %add3A_568 : i32
        %get3A_570 = arith.index_cast %add3A_569 : i32 to index
        %get3A_571 = arith.constant 32 : index
        %get3A_572 = tpu.vector_load %arg11[%get3A_570, %get3A_571] {strides = array<i32>} : memref<200x128xf32, #tpu.memory_space<vmem>>, vector<1x16xf32>,
        %get3A_573 = vector.shape_cast %get3A_572 : vector<1x16xf32> to vector<16xf32>
        %add3A_574 = arith.addf %add3A_567, %get3A_573 : vector<16xf32>
        %get3A_575 = arith.index_cast %mul3A_439 : i32 to index
        %get3A_576 = arith.constant 32 : index
        %get3A_577 = tpu.vector_load %arg13[%get3A_575, %get3A_576] {strides = array<i32>} : memref<200x128xf32, #tpu.memory_space<vmem>>, vector<1x16xf32>,
        %get3A_578 = vector.shape_cast %get3A_577 : vector<1x16xf32> to vector<16xf32>
        %add3A_579 = arith.addf %add3A_574, %get3A_578 : vector<16xf32>
        %add3A_580 = arith.constant 1 : i32
        %add3A_581 = arith.addi %mul3A_439, %add3A_580 : i32
        %get3A_582 = arith.index_cast %add3A_581 : i32 to index
        %get3A_583 = arith.constant 32 : index
        %get3A_584 = tpu.vector_load %arg13[%get3A_582, %get3A_583] {strides = array<i32>} : memref<200x128xf32, #tpu.memory_space<vmem>>, vector<1x16xf32>,
        %get3A_585 = vector.shape_cast %get3A_584 : vector<1x16xf32> to vector<16xf32>
        %add3A_586 = arith.addf %add3A_579, %get3A_585 : vector<16xf32>
        %add3A_587 = arith.constant 2 : i32
        %add3A_588 = arith.addi %mul3A_439, %add3A_587 : i32
        %get3A_589 = arith.index_cast %add3A_588 : i32 to index
        %get3A_590 = arith.constant 32 : index
        %get3A_591 = tpu.vector_load %arg13[%get3A_589, %get3A_590] {strides = array<i32>} : memref<200x128xf32, #tpu.memory_space<vmem>>, vector<1x16xf32>,
        %get3A_592 = vector.shape_cast %get3A_591 : vector<1x16xf32> to vector<16xf32>
        %add3A_593 = arith.addf %add3A_586, %get3A_592 : vector<16xf32>
        %add3A_594 = arith.constant 3 : i32
        %add3A_595 = arith.addi %mul3A_439, %add3A_594 : i32
        %get3A_596 = arith.index_cast %add3A_595 : i32 to index
        %get3A_597 = arith.constant 32 : index
        %get3A_598 = tpu.vector_load %arg13[%get3A_596, %get3A_597] {strides = array<i32>} : memref<200x128xf32, #tpu.memory_space<vmem>>, vector<1x16xf32>,
        %get3A_599 = vector.shape_cast %get3A_598 : vector<1x16xf32> to vector<16xf32>
        %add3A_600 = arith.addf %add3A_593, %get3A_599 : vector<16xf32>
        %swap3A_601 = arith.index_cast %scan3A_437 : i32 to index
        %swap3A_602 = arith.constant 32 : index
        %swap3A_603 = tpu.vector_load %arg15[%swap3A_601, %swap3A_602] {strides = array<i32>} : memref<50x128xf32, #tpu.memory_space<vmem>>, vector<1x16xf32>,
        %swap3A_604 = vector.shape_cast %swap3A_603 : vector<1x16xf32> to vector<16xf32>
        %swap3A_605 = vector.shape_cast %add3A_600 : vector<16xf32> to vector<1x16xf32>
        tpu.vector_store %arg15[%swap3A_601, %swap3A_602], %swap3A_605 {strides = array<i32>} : memref<50x128xf32, #tpu.memory_space<vmem>>, vector<1x16xf32>,
        %get3A_606 = arith.index_cast %mul3A_439 : i32 to index
        %get3A_607 = arith.constant 48 : index
        %get3A_608 = tpu.vector_load %arg11[%get3A_606, %get3A_607] {strides = array<i32>} : memref<200x128xf32, #tpu.memory_space<vmem>>, vector<1x16xf32>,
        %get3A_609 = vector.shape_cast %get3A_608 : vector<1x16xf32> to vector<16xf32>
        %add3A_610 = arith.constant 1 : i32
        %add3A_611 = arith.addi %mul3A_439, %add3A_610 : i32
        %get3A_612 = arith.index_cast %add3A_611 : i32 to index
        %get3A_613 = arith.constant 48 : index
        %get3A_614 = tpu.vector_load %arg11[%get3A_612, %get3A_613] {strides = array<i32>} : memref<200x128xf32, #tpu.memory_space<vmem>>, vector<1x16xf32>,
        %get3A_615 = vector.shape_cast %get3A_614 : vector<1x16xf32> to vector<16xf32>
        %add3A_616 = arith.addf %get3A_609, %get3A_615 : vector<16xf32>
        %add3A_617 = arith.constant 2 : i32
        %add3A_618 = arith.addi %mul3A_439, %add3A_617 : i32
        %get3A_619 = arith.index_cast %add3A_618 : i32 to index
        %get3A_620 = arith.constant 48 : index
        %get3A_621 = tpu.vector_load %arg11[%get3A_619, %get3A_620] {strides = array<i32>} : memref<200x128xf32, #tpu.memory_space<vmem>>, vector<1x16xf32>,
        %get3A_622 = vector.shape_cast %get3A_621 : vector<1x16xf32> to vector<16xf32>
        %add3A_623 = arith.addf %add3A_616, %get3A_622 : vector<16xf32>
        %add3A_624 = arith.constant 3 : i32
        %add3A_625 = arith.addi %mul3A_439, %add3A_624 : i32
        %get3A_626 = arith.index_cast %add3A_625 : i32 to index
        %get3A_627 = arith.constant 48 : index
        %get3A_628 = tpu.vector_load %arg11[%get3A_626, %get3A_627] {strides = array<i32>} : memref<200x128xf32, #tpu.memory_space<vmem>>, vector<1x16xf32>,
        %get3A_629 = vector.shape_cast %get3A_628 : vector<1x16xf32> to vector<16xf32>
        %add3A_630 = arith.addf %add3A_623, %get3A_629 : vector<16xf32>
        %get3A_631 = arith.index_cast %mul3A_439 : i32 to index
        %get3A_632 = arith.constant 48 : index
        %get3A_633 = tpu.vector_load %arg13[%get3A_631, %get3A_632] {strides = array<i32>} : memref<200x128xf32, #tpu.memory_space<vmem>>, vector<1x16xf32>,
        %get3A_634 = vector.shape_cast %get3A_633 : vector<1x16xf32> to vector<16xf32>
        %add3A_635 = arith.addf %add3A_630, %get3A_634 : vector<16xf32>
        %add3A_636 = arith.constant 1 : i32
        %add3A_637 = arith.addi %mul3A_439, %add3A_636 : i32
        %get3A_638 = arith.index_cast %add3A_637 : i32 to index
        %get3A_639 = arith.constant 48 : index
        %get3A_640 = tpu.vector_load %arg13[%get3A_638, %get3A_639] {strides = array<i32>} : memref<200x128xf32, #tpu.memory_space<vmem>>, vector<1x16xf32>,
        %get3A_641 = vector.shape_cast %get3A_640 : vector<1x16xf32> to vector<16xf32>
        %add3A_642 = arith.addf %add3A_635, %get3A_641 : vector<16xf32>
        %add3A_643 = arith.constant 2 : i32
        %add3A_644 = arith.addi %mul3A_439, %add3A_643 : i32
        %get3A_645 = arith.index_cast %add3A_644 : i32 to index
        %get3A_646 = arith.constant 48 : index
        %get3A_647 = tpu.vector_load %arg13[%get3A_645, %get3A_646] {strides = array<i32>} : memref<200x128xf32, #tpu.memory_space<vmem>>, vector<1x16xf32>,
        %get3A_648 = vector.shape_cast %get3A_647 : vector<1x16xf32> to vector<16xf32>
        %add3A_649 = arith.addf %add3A_642, %get3A_648 : vector<16xf32>
        %add3A_650 = arith.constant 3 : i32
        %add3A_651 = arith.addi %mul3A_439, %add3A_650 : i32
        %get3A_652 = arith.index_cast %add3A_651 : i32 to index
        %get3A_653 = arith.constant 48 : index
        %get3A_654 = tpu.vector_load %arg13[%get3A_652, %get3A_653] {strides = array<i32>} : memref<200x128xf32, #tpu.memory_space<vmem>>, vector<1x16xf32>,
        %get3A_655 = vector.shape_cast %get3A_654 : vector<1x16xf32> to vector<16xf32>
        %add3A_656 = arith.addf %add3A_649, %get3A_655 : vector<16xf32>
        %swap3A_657 = arith.index_cast %scan3A_437 : i32 to index
        %swap3A_658 = arith.constant 48 : index
        %swap3A_659 = tpu.vector_load %arg15[%swap3A_657, %swap3A_658] {strides = array<i32>} : memref<50x128xf32, #tpu.memory_space<vmem>>, vector<1x16xf32>,
        %swap3A_660 = vector.shape_cast %swap3A_659 : vector<1x16xf32> to vector<16xf32>
        %swap3A_661 = vector.shape_cast %add3A_656 : vector<16xf32> to vector<1x16xf32>
        tpu.vector_store %arg15[%swap3A_657, %swap3A_658], %swap3A_661 {strides = array<i32>} : memref<50x128xf32, #tpu.memory_space<vmem>>, vector<1x16xf32>,
        %get3A_662 = arith.index_cast %mul3A_439 : i32 to index
        %get3A_663 = arith.constant 64 : index
        %get3A_664 = tpu.vector_load %arg11[%get3A_662, %get3A_663] {strides = array<i32>} : memref<200x128xf32, #tpu.memory_space<vmem>>, vector<1x16xf32>,
        %get3A_665 = vector.shape_cast %get3A_664 : vector<1x16xf32> to vector<16xf32>
        %add3A_666 = arith.constant 1 : i32
        %add3A_667 = arith.addi %mul3A_439, %add3A_666 : i32
        %get3A_668 = arith.index_cast %add3A_667 : i32 to index
        %get3A_669 = arith.constant 64 : index
        %get3A_670 = tpu.vector_load %arg11[%get3A_668, %get3A_669] {strides = array<i32>} : memref<200x128xf32, #tpu.memory_space<vmem>>, vector<1x16xf32>,
        %get3A_671 = vector.shape_cast %get3A_670 : vector<1x16xf32> to vector<16xf32>
        %add3A_672 = arith.addf %get3A_665, %get3A_671 : vector<16xf32>
        %add3A_673 = arith.constant 2 : i32
        %add3A_674 = arith.addi %mul3A_439, %add3A_673 : i32
        %get3A_675 = arith.index_cast %add3A_674 : i32 to index
        %get3A_676 = arith.constant 64 : index
        %get3A_677 = tpu.vector_load %arg11[%get3A_675, %get3A_676] {strides = array<i32>} : memref<200x128xf32, #tpu.memory_space<vmem>>, vector<1x16xf32>,
        %get3A_678 = vector.shape_cast %get3A_677 : vector<1x16xf32> to vector<16xf32>
        %add3A_679 = arith.addf %add3A_672, %get3A_678 : vector<16xf32>
        %add3A_680 = arith.constant 3 : i32
        %add3A_681 = arith.addi %mul3A_439, %add3A_680 : i32
        %get3A_682 = arith.index_cast %add3A_681 : i32 to index
        %get3A_683 = arith.constant 64 : index
        %get3A_684 = tpu.vector_load %arg11[%get3A_682, %get3A_683] {strides = array<i32>} : memref<200x128xf32, #tpu.memory_space<vmem>>, vector<1x16xf32>,
        %get3A_685 = vector.shape_cast %get3A_684 : vector<1x16xf32> to vector<16xf32>
        %add3A_686 = arith.addf %add3A_679, %get3A_685 : vector<16xf32>
        %get3A_687 = arith.index_cast %mul3A_439 : i32 to index
        %get3A_688 = arith.constant 64 : index
        %get3A_689 = tpu.vector_load %arg13[%get3A_687, %get3A_688] {strides = array<i32>} : memref<200x128xf32, #tpu.memory_space<vmem>>, vector<1x16xf32>,
        %get3A_690 = vector.shape_cast %get3A_689 : vector<1x16xf32> to vector<16xf32>
        %add3A_691 = arith.addf %add3A_686, %get3A_690 : vector<16xf32>
        %add3A_692 = arith.constant 1 : i32
        %add3A_693 = arith.addi %mul3A_439, %add3A_692 : i32
        %get3A_694 = arith.index_cast %add3A_693 : i32 to index
        %get3A_695 = arith.constant 64 : index
        %get3A_696 = tpu.vector_load %arg13[%get3A_694, %get3A_695] {strides = array<i32>} : memref<200x128xf32, #tpu.memory_space<vmem>>, vector<1x16xf32>,
        %get3A_697 = vector.shape_cast %get3A_696 : vector<1x16xf32> to vector<16xf32>
        %add3A_698 = arith.addf %add3A_691, %get3A_697 : vector<16xf32>
        %add3A_699 = arith.constant 2 : i32
        %add3A_700 = arith.addi %mul3A_439, %add3A_699 : i32
        %get3A_701 = arith.index_cast %add3A_700 : i32 to index
        %get3A_702 = arith.constant 64 : index
        %get3A_703 = tpu.vector_load %arg13[%get3A_701, %get3A_702] {strides = array<i32>} : memref<200x128xf32, #tpu.memory_space<vmem>>, vector<1x16xf32>,
        %get3A_704 = vector.shape_cast %get3A_703 : vector<1x16xf32> to vector<16xf32>
        %add3A_705 = arith.addf %add3A_698, %get3A_704 : vector<16xf32>
        %add3A_706 = arith.constant 3 : i32
        %add3A_707 = arith.addi %mul3A_439, %add3A_706 : i32
        %get3A_708 = arith.index_cast %add3A_707 : i32 to index
        %get3A_709 = arith.constant 64 : index
        %get3A_710 = tpu.vector_load %arg13[%get3A_708, %get3A_709] {strides = array<i32>} : memref<200x128xf32, #tpu.memory_space<vmem>>, vector<1x16xf32>,
        %get3A_711 = vector.shape_cast %get3A_710 : vector<1x16xf32> to vector<16xf32>
        %add3A_712 = arith.addf %add3A_705, %get3A_711 : vector<16xf32>
        %swap3A_713 = arith.index_cast %scan3A_437 : i32 to index
        %swap3A_714 = arith.constant 64 : index
        %swap3A_715 = tpu.vector_load %arg15[%swap3A_713, %swap3A_714] {strides = array<i32>} : memref<50x128xf32, #tpu.memory_space<vmem>>, vector<1x16xf32>,
        %swap3A_716 = vector.shape_cast %swap3A_715 : vector<1x16xf32> to vector<16xf32>
        %swap3A_717 = vector.shape_cast %add3A_712 : vector<16xf32> to vector<1x16xf32>
        tpu.vector_store %arg15[%swap3A_713, %swap3A_714], %swap3A_717 {strides = array<i32>} : memref<50x128xf32, #tpu.memory_space<vmem>>, vector<1x16xf32>,
        %get3A_718 = arith.index_cast %mul3A_439 : i32 to index
        %get3A_719 = arith.constant 80 : index
        %get3A_720 = tpu.vector_load %arg11[%get3A_718, %get3A_719] {strides = array<i32>} : memref<200x128xf32, #tpu.memory_space<vmem>>, vector<1x16xf32>,
        %get3A_721 = vector.shape_cast %get3A_720 : vector<1x16xf32> to vector<16xf32>
        %add3A_722 = arith.constant 1 : i32
        %add3A_723 = arith.addi %mul3A_439, %add3A_722 : i32
        %get3A_724 = arith.index_cast %add3A_723 : i32 to index
        %get3A_725 = arith.constant 80 : index
        %get3A_726 = tpu.vector_load %arg11[%get3A_724, %get3A_725] {strides = array<i32>} : memref<200x128xf32, #tpu.memory_space<vmem>>, vector<1x16xf32>,
        %get3A_727 = vector.shape_cast %get3A_726 : vector<1x16xf32> to vector<16xf32>
        %add3A_728 = arith.addf %get3A_721, %get3A_727 : vector<16xf32>
        %add3A_729 = arith.constant 2 : i32
        %add3A_730 = arith.addi %mul3A_439, %add3A_729 : i32
        %get3A_731 = arith.index_cast %add3A_730 : i32 to index
        %get3A_732 = arith.constant 80 : index
        %get3A_733 = tpu.vector_load %arg11[%get3A_731, %get3A_732] {strides = array<i32>} : memref<200x128xf32, #tpu.memory_space<vmem>>, vector<1x16xf32>,
        %get3A_734 = vector.shape_cast %get3A_733 : vector<1x16xf32> to vector<16xf32>
        %add3A_735 = arith.addf %add3A_728, %get3A_734 : vector<16xf32>
        %add3A_736 = arith.constant 3 : i32
        %add3A_737 = arith.addi %mul3A_439, %add3A_736 : i32
        %get3A_738 = arith.index_cast %add3A_737 : i32 to index
        %get3A_739 = arith.constant 80 : index
        %get3A_740 = tpu.vector_load %arg11[%get3A_738, %get3A_739] {strides = array<i32>} : memref<200x128xf32, #tpu.memory_space<vmem>>, vector<1x16xf32>,
        %get3A_741 = vector.shape_cast %get3A_740 : vector<1x16xf32> to vector<16xf32>
        %add3A_742 = arith.addf %add3A_735, %get3A_741 : vector<16xf32>
        %get3A_743 = arith.index_cast %mul3A_439 : i32 to index
        %get3A_744 = arith.constant 80 : index
        %get3A_745 = tpu.vector_load %arg13[%get3A_743, %get3A_744] {strides = array<i32>} : memref<200x128xf32, #tpu.memory_space<vmem>>, vector<1x16xf32>,
        %get3A_746 = vector.shape_cast %get3A_745 : vector<1x16xf32> to vector<16xf32>
        %add3A_747 = arith.addf %add3A_742, %get3A_746 : vector<16xf32>
        %add3A_748 = arith.constant 1 : i32
        %add3A_749 = arith.addi %mul3A_439, %add3A_748 : i32
        %get3A_750 = arith.index_cast %add3A_749 : i32 to index
        %get3A_751 = arith.constant 80 : index
        %get3A_752 = tpu.vector_load %arg13[%get3A_750, %get3A_751] {strides = array<i32>} : memref<200x128xf32, #tpu.memory_space<vmem>>, vector<1x16xf32>,
        %get3A_753 = vector.shape_cast %get3A_752 : vector<1x16xf32> to vector<16xf32>
        %add3A_754 = arith.addf %add3A_747, %get3A_753 : vector<16xf32>
        %add3A_755 = arith.constant 2 : i32
        %add3A_756 = arith.addi %mul3A_439, %add3A_755 : i32
        %get3A_757 = arith.index_cast %add3A_756 : i32 to index
        %get3A_758 = arith.constant 80 : index
        %get3A_759 = tpu.vector_load %arg13[%get3A_757, %get3A_758] {strides = array<i32>} : memref<200x128xf32, #tpu.memory_space<vmem>>, vector<1x16xf32>,
        %get3A_760 = vector.shape_cast %get3A_759 : vector<1x16xf32> to vector<16xf32>
        %add3A_761 = arith.addf %add3A_754, %get3A_760 : vector<16xf32>
        %add3A_762 = arith.constant 3 : i32
        %add3A_763 = arith.addi %mul3A_439, %add3A_762 : i32
        %get3A_764 = arith.index_cast %add3A_763 : i32 to index
        %get3A_765 = arith.constant 80 : index
        %get3A_766 = tpu.vector_load %arg13[%get3A_764, %get3A_765] {strides = array<i32>} : memref<200x128xf32, #tpu.memory_space<vmem>>, vector<1x16xf32>,
        %get3A_767 = vector.shape_cast %get3A_766 : vector<1x16xf32> to vector<16xf32>
        %add3A_768 = arith.addf %add3A_761, %get3A_767 : vector<16xf32>
        %swap3A_769 = arith.index_cast %scan3A_437 : i32 to index
        %swap3A_770 = arith.constant 80 : index
        %swap3A_771 = tpu.vector_load %arg15[%swap3A_769, %swap3A_770] {strides = array<i32>} : memref<50x128xf32, #tpu.memory_space<vmem>>, vector<1x16xf32>,
        %swap3A_772 = vector.shape_cast %swap3A_771 : vector<1x16xf32> to vector<16xf32>
        %swap3A_773 = vector.shape_cast %add3A_768 : vector<16xf32> to vector<1x16xf32>
        tpu.vector_store %arg15[%swap3A_769, %swap3A_770], %swap3A_773 {strides = array<i32>} : memref<50x128xf32, #tpu.memory_space<vmem>>, vector<1x16xf32>,
        %get3A_774 = arith.index_cast %mul3A_439 : i32 to index
        %get3A_775 = arith.constant 96 : index
        %get3A_776 = tpu.vector_load %arg11[%get3A_774, %get3A_775] {strides = array<i32>} : memref<200x128xf32, #tpu.memory_space<vmem>>, vector<1x16xf32>,
        %get3A_777 = vector.shape_cast %get3A_776 : vector<1x16xf32> to vector<16xf32>
        %add3A_778 = arith.constant 1 : i32
        %add3A_779 = arith.addi %mul3A_439, %add3A_778 : i32
        %get3A_780 = arith.index_cast %add3A_779 : i32 to index
        %get3A_781 = arith.constant 96 : index
        %get3A_782 = tpu.vector_load %arg11[%get3A_780, %get3A_781] {strides = array<i32>} : memref<200x128xf32, #tpu.memory_space<vmem>>, vector<1x16xf32>,
        %get3A_783 = vector.shape_cast %get3A_782 : vector<1x16xf32> to vector<16xf32>
        %add3A_784 = arith.addf %get3A_777, %get3A_783 : vector<16xf32>
        %add3A_785 = arith.constant 2 : i32
        %add3A_786 = arith.addi %mul3A_439, %add3A_785 : i32
        %get3A_787 = arith.index_cast %add3A_786 : i32 to index
        %get3A_788 = arith.constant 96 : index
        %get3A_789 = tpu.vector_load %arg11[%get3A_787, %get3A_788] {strides = array<i32>} : memref<200x128xf32, #tpu.memory_space<vmem>>, vector<1x16xf32>,
        %get3A_790 = vector.shape_cast %get3A_789 : vector<1x16xf32> to vector<16xf32>
        %add3A_791 = arith.addf %add3A_784, %get3A_790 : vector<16xf32>
        %add3A_792 = arith.constant 3 : i32
        %add3A_793 = arith.addi %mul3A_439, %add3A_792 : i32
        %get3A_794 = arith.index_cast %add3A_793 : i32 to index
        %get3A_795 = arith.constant 96 : index
        %get3A_796 = tpu.vector_load %arg11[%get3A_794, %get3A_795] {strides = array<i32>} : memref<200x128xf32, #tpu.memory_space<vmem>>, vector<1x16xf32>,
        %get3A_797 = vector.shape_cast %get3A_796 : vector<1x16xf32> to vector<16xf32>
        %add3A_798 = arith.addf %add3A_791, %get3A_797 : vector<16xf32>
        %get3A_799 = arith.index_cast %mul3A_439 : i32 to index
        %get3A_800 = arith.constant 96 : index
        %get3A_801 = tpu.vector_load %arg13[%get3A_799, %get3A_800] {strides = array<i32>} : memref<200x128xf32, #tpu.memory_space<vmem>>, vector<1x16xf32>,
        %get3A_802 = vector.shape_cast %get3A_801 : vector<1x16xf32> to vector<16xf32>
        %add3A_803 = arith.addf %add3A_798, %get3A_802 : vector<16xf32>
        %add3A_804 = arith.constant 1 : i32
        %add3A_805 = arith.addi %mul3A_439, %add3A_804 : i32
        %get3A_806 = arith.index_cast %add3A_805 : i32 to index
        %get3A_807 = arith.constant 96 : index
        %get3A_808 = tpu.vector_load %arg13[%get3A_806, %get3A_807] {strides = array<i32>} : memref<200x128xf32, #tpu.memory_space<vmem>>, vector<1x16xf32>,
        %get3A_809 = vector.shape_cast %get3A_808 : vector<1x16xf32> to vector<16xf32>
        %add3A_810 = arith.addf %add3A_803, %get3A_809 : vector<16xf32>
        %add3A_811 = arith.constant 2 : i32
        %add3A_812 = arith.addi %mul3A_439, %add3A_811 : i32
        %get3A_813 = arith.index_cast %add3A_812 : i32 to index
        %get3A_814 = arith.constant 96 : index
        %get3A_815 = tpu.vector_load %arg13[%get3A_813, %get3A_814] {strides = array<i32>} : memref<200x128xf32, #tpu.memory_space<vmem>>, vector<1x16xf32>,
        %get3A_816 = vector.shape_cast %get3A_815 : vector<1x16xf32> to vector<16xf32>
        %add3A_817 = arith.addf %add3A_810, %get3A_816 : vector<16xf32>
        %add3A_818 = arith.constant 3 : i32
        %add3A_819 = arith.addi %mul3A_439, %add3A_818 : i32
        %get3A_820 = arith.index_cast %add3A_819 : i32 to index
        %get3A_821 = arith.constant 96 : index
        %get3A_822 = tpu.vector_load %arg13[%get3A_820, %get3A_821] {strides = array<i32>} : memref<200x128xf32, #tpu.memory_space<vmem>>, vector<1x16xf32>,
        %get3A_823 = vector.shape_cast %get3A_822 : vector<1x16xf32> to vector<16xf32>
        %add3A_824 = arith.addf %add3A_817, %get3A_823 : vector<16xf32>
        %swap3A_825 = arith.index_cast %scan3A_437 : i32 to index
        %swap3A_826 = arith.constant 96 : index
        %swap3A_827 = tpu.vector_load %arg15[%swap3A_825, %swap3A_826] {strides = array<i32>} : memref<50x128xf32, #tpu.memory_space<vmem>>, vector<1x16xf32>,
        %swap3A_828 = vector.shape_cast %swap3A_827 : vector<1x16xf32> to vector<16xf32>
        %swap3A_829 = vector.shape_cast %add3A_824 : vector<16xf32> to vector<1x16xf32>
        tpu.vector_store %arg15[%swap3A_825, %swap3A_826], %swap3A_829 {strides = array<i32>} : memref<50x128xf32, #tpu.memory_space<vmem>>, vector<1x16xf32>,
        %get3A_830 = arith.index_cast %mul3A_439 : i32 to index
        %get3A_831 = arith.constant 112 : index
        %get3A_832 = tpu.vector_load %arg11[%get3A_830, %get3A_831] {strides = array<i32>} : memref<200x128xf32, #tpu.memory_space<vmem>>, vector<1x16xf32>,
        %get3A_833 = vector.shape_cast %get3A_832 : vector<1x16xf32> to vector<16xf32>
        %add3A_834 = arith.constant 1 : i32
        %add3A_835 = arith.addi %mul3A_439, %add3A_834 : i32
        %get3A_836 = arith.index_cast %add3A_835 : i32 to index
        %get3A_837 = arith.constant 112 : index
        %get3A_838 = tpu.vector_load %arg11[%get3A_836, %get3A_837] {strides = array<i32>} : memref<200x128xf32, #tpu.memory_space<vmem>>, vector<1x16xf32>,
        %get3A_839 = vector.shape_cast %get3A_838 : vector<1x16xf32> to vector<16xf32>
        %add3A_840 = arith.addf %get3A_833, %get3A_839 : vector<16xf32>
        %add3A_841 = arith.constant 2 : i32
        %add3A_842 = arith.addi %mul3A_439, %add3A_841 : i32
        %get3A_843 = arith.index_cast %add3A_842 : i32 to index
        %get3A_844 = arith.constant 112 : index
        %get3A_845 = tpu.vector_load %arg11[%get3A_843, %get3A_844] {strides = array<i32>} : memref<200x128xf32, #tpu.memory_space<vmem>>, vector<1x16xf32>,
        %get3A_846 = vector.shape_cast %get3A_845 : vector<1x16xf32> to vector<16xf32>
        %add3A_847 = arith.addf %add3A_840, %get3A_846 : vector<16xf32>
        %add3A_848 = arith.constant 3 : i32
        %add3A_849 = arith.addi %mul3A_439, %add3A_848 : i32
        %get3A_850 = arith.index_cast %add3A_849 : i32 to index
        %get3A_851 = arith.constant 112 : index
        %get3A_852 = tpu.vector_load %arg11[%get3A_850, %get3A_851] {strides = array<i32>} : memref<200x128xf32, #tpu.memory_space<vmem>>, vector<1x16xf32>,
        %get3A_853 = vector.shape_cast %get3A_852 : vector<1x16xf32> to vector<16xf32>
        %add3A_854 = arith.addf %add3A_847, %get3A_853 : vector<16xf32>
        %get3A_855 = arith.index_cast %mul3A_439 : i32 to index
        %get3A_856 = arith.constant 112 : index
        %get3A_857 = tpu.vector_load %arg13[%get3A_855, %get3A_856] {strides = array<i32>} : memref<200x128xf32, #tpu.memory_space<vmem>>, vector<1x16xf32>,
        %get3A_858 = vector.shape_cast %get3A_857 : vector<1x16xf32> to vector<16xf32>
        %add3A_859 = arith.addf %add3A_854, %get3A_858 : vector<16xf32>
        %add3A_860 = arith.constant 1 : i32
        %add3A_861 = arith.addi %mul3A_439, %add3A_860 : i32
        %get3A_862 = arith.index_cast %add3A_861 : i32 to index
        %get3A_863 = arith.constant 112 : index
        %get3A_864 = tpu.vector_load %arg13[%get3A_862, %get3A_863] {strides = array<i32>} : memref<200x128xf32, #tpu.memory_space<vmem>>, vector<1x16xf32>,
        %get3A_865 = vector.shape_cast %get3A_864 : vector<1x16xf32> to vector<16xf32>
        %add3A_866 = arith.addf %add3A_859, %get3A_865 : vector<16xf32>
        %add3A_867 = arith.constant 2 : i32
        %add3A_868 = arith.addi %mul3A_439, %add3A_867 : i32
        %get3A_869 = arith.index_cast %add3A_868 : i32 to index
        %get3A_870 = arith.constant 112 : index
        %get3A_871 = tpu.vector_load %arg13[%get3A_869, %get3A_870] {strides = array<i32>} : memref<200x128xf32, #tpu.memory_space<vmem>>, vector<1x16xf32>,
        %get3A_872 = vector.shape_cast %get3A_871 : vector<1x16xf32> to vector<16xf32>
        %add3A_873 = arith.addf %add3A_866, %get3A_872 : vector<16xf32>
        %add3A_874 = arith.constant 3 : i32
        %add3A_875 = arith.addi %mul3A_439, %add3A_874 : i32
        %get3A_876 = arith.index_cast %add3A_875 : i32 to index
        %get3A_877 = arith.constant 112 : index
        %get3A_878 = tpu.vector_load %arg13[%get3A_876, %get3A_877] {strides = array<i32>} : memref<200x128xf32, #tpu.memory_space<vmem>>, vector<1x16xf32>,
        %get3A_879 = vector.shape_cast %get3A_878 : vector<1x16xf32> to vector<16xf32>
        %add3A_880 = arith.addf %add3A_873, %get3A_879 : vector<16xf32>
        %swap3A_881 = arith.index_cast %scan3A_437 : i32 to index
        %swap3A_882 = arith.constant 112 : index
        %swap3A_883 = tpu.vector_load %arg15[%swap3A_881, %swap3A_882] {strides = array<i32>} : memref<50x128xf32, #tpu.memory_space<vmem>>, vector<1x16xf32>,
        %swap3A_884 = vector.shape_cast %swap3A_883 : vector<1x16xf32> to vector<16xf32>
        %swap3A_885 = vector.shape_cast %add3A_880 : vector<16xf32> to vector<1x16xf32>
        tpu.vector_store %arg15[%swap3A_881, %swap3A_882], %swap3A_885 {strides = array<i32>} : memref<50x128xf32, #tpu.memory_space<vmem>>, vector<1x16xf32>,
      }
      %scan3A_323 = arith.constant 50 : i32
      %add3A_324 = arith.addi %mul3A_2, %mul3A_234 : i32
      %dma_start3A_325 = arith.constant 0 : i32
      %dma_start3A_326 = arith.constant 0 : i32
      %dma_start3A_327 = tpu.memref_slice %arg6[%add3A_324, %dma_start3A_325, %dma_start3A_326] : memref<4096x50x128xf32, #tpu.memory_space<hbm>> -> memref<1x50x128xf32, #tpu.memory_space<hbm>>
      %dma_start3A_328 = tpu.memref_squeeze %dma_start3A_327 : memref<1x50x128xf32, #tpu.memory_space<hbm>> -> memref<50x128xf32, #tpu.memory_space<hbm>>
      %dma_start3A_329 = arith.constant 0 : i32
      %dma_start3A_330 = arith.constant 0 : i32
      %dma_start3A_331 = tpu.memref_slice %arg6[%add3A_324, %dma_start3A_329, %dma_start3A_330] : memref<4096x50x128xf32, #tpu.memory_space<hbm>> -> memref<1x50x128xf32, #tpu.memory_space<hbm>>
      %dma_start3A_332 = tpu.memref_squeeze %dma_start3A_331 : memref<1x50x128xf32, #tpu.memory_space<hbm>> -> memref<50x128xf32, #tpu.memory_space<hbm>>
      tpu.enqueue_dma source(%arg15 : memref<50x128xf32, #tpu.memory_space<vmem>>) target(%dma_start3A_332 : memref<50x128xf32, #tpu.memory_space<hbm>>) target_semaphore(%arg21 : memref<!tpu.dma_semaphore, #tpu.memory_space<semaphore_mem>>)
      %mul3A_333 = arith.constant 2 : i32
      %mul3A_334 = arith.muli %mul3A_333, %scan3A_231 : i32
      %add3A_335 = arith.constant 1 : i32
      %add3A_336 = arith.addi %mul3A_334, %add3A_335 : i32
      %dma_wait3A_337 = arith.constant 0 : i32
      %dma_wait3A_338 = tpu.memref_slice %arg2[%dma_wait3A_337] : memref<819200xi32, #tpu.memory_space<hbm>> -> memref<200xi32, #tpu.memory_space<hbm>>
      %dma_wait3A_339 = arith.constant 0 : i32
      %dma_wait3A_340 = tpu.memref_slice %arg2[%dma_wait3A_339] : memref<819200xi32, #tpu.memory_space<hbm>> -> memref<200xi32, #tpu.memory_space<hbm>>
      tpu.wait_dma2 semaphore(%arg17 : memref<!tpu.dma_semaphore, #tpu.memory_space<semaphore_mem>>) src(%dma_wait3A_340 : memref<200xi32, #tpu.memory_space<hbm>>) dst(%arg7 : memref<200xi32, #tpu.memory_space<vmem>>)
      %dma_wait3A_341 = arith.constant 0 : i32
      %dma_wait3A_342 = tpu.memref_slice %arg3[%dma_wait3A_341] : memref<819200xi32, #tpu.memory_space<hbm>> -> memref<200xi32, #tpu.memory_space<hbm>>
      %dma_wait3A_343 = arith.constant 0 : i32
      %dma_wait3A_344 = tpu.memref_slice %arg3[%dma_wait3A_343] : memref<819200xi32, #tpu.memory_space<hbm>> -> memref<200xi32, #tpu.memory_space<hbm>>
      tpu.wait_dma2 semaphore(%arg17 : memref<!tpu.dma_semaphore, #tpu.memory_space<semaphore_mem>>) src(%dma_wait3A_344 : memref<200xi32, #tpu.memory_space<hbm>>) dst(%arg9 : memref<200xi32, #tpu.memory_space<vmem>>)
      %dma_start3A_345 = arith.constant 0 : i32
      %dma_start3A_346 = arith.constant 0 : i32
      %dma_start3A_347 = tpu.memref_slice %arg11[%dma_start3A_345, %dma_start3A_346] : memref<200x128xf32, #tpu.memory_space<vmem>> -> memref<128x128xf32, #tpu.memory_space<vmem>>
      %dma_start3A_348 = arith.constant 0 : i32
      %dma_start3A_349 = tpu.memref_slice %arg7[%dma_start3A_348] : memref<200xi32, #tpu.memory_space<vmem>> -> memref<128xi32, #tpu.memory_space<vmem>>
      %dma_start3A_350 = arith.constant 0 : i32
      %dma_start3A_351 = arith.constant 0 : i32
      %dma_start3A_352 = tpu.memref_slice %arg4[%dma_start3A_350, %dma_start3A_351] : memref<100002x128xf32, #tpu.memory_space<hbm>> -> memref<100002x128xf32, #tpu.memory_space<hbm>>
      tpu.enqueue_indirect_dma source(%dma_start3A_352 : memref<100002x128xf32, #tpu.memory_space<hbm>>) target(%dma_start3A_347 : memref<128x128xf32, #tpu.memory_space<vmem>>) offsets(%dma_start3A_349 : memref<128xi32, #tpu.memory_space<vmem>>) semaphore(%arg19 : memref<!tpu.dma_semaphore, #tpu.memory_space<semaphore_mem>>)
      %dma_start3A_353 = arith.constant 128 : i32
      %dma_start3A_354 = arith.constant 0 : i32
      %dma_start3A_355 = tpu.memref_slice %arg11[%dma_start3A_353, %dma_start3A_354] : memref<200x128xf32, #tpu.memory_space<vmem>> -> memref<72x128xf32, #tpu.memory_space<vmem>>
      %dma_start3A_356 = arith.constant 128 : i32
      %dma_start3A_357 = tpu.memref_slice %arg7[%dma_start3A_356] : memref<200xi32, #tpu.memory_space<vmem>> -> memref<72xi32, #tpu.memory_space<vmem>>
      %dma_start3A_358 = arith.constant 0 : i32
      %dma_start3A_359 = arith.constant 0 : i32
      %dma_start3A_360 = tpu.memref_slice %arg4[%dma_start3A_358, %dma_start3A_359] : memref<100002x128xf32, #tpu.memory_space<hbm>> -> memref<100002x128xf32, #tpu.memory_space<hbm>>
      tpu.enqueue_indirect_dma source(%dma_start3A_360 : memref<100002x128xf32, #tpu.memory_space<hbm>>) target(%dma_start3A_355 : memref<72x128xf32, #tpu.memory_space<vmem>>) offsets(%dma_start3A_357 : memref<72xi32, #tpu.memory_space<vmem>>) semaphore(%arg19 : memref<!tpu.dma_semaphore, #tpu.memory_space<semaphore_mem>>)
      %dma_start3A_361 = arith.constant 0 : i32
      %dma_start3A_362 = arith.constant 0 : i32
      %dma_start3A_363 = tpu.memref_slice %arg13[%dma_start3A_361, %dma_start3A_362] : memref<200x128xf32, #tpu.memory_space<vmem>> -> memref<128x128xf32, #tpu.memory_space<vmem>>
      %dma_start3A_364 = arith.constant 0 : i32
      %dma_start3A_365 = tpu.memref_slice %arg9[%dma_start3A_364] : memref<200xi32, #tpu.memory_space<vmem>> -> memref<128xi32, #tpu.memory_space<vmem>>
      %dma_start3A_366 = arith.constant 0 : i32
      %dma_start3A_367 = arith.constant 0 : i32
      %dma_start3A_368 = tpu.memref_slice %arg5[%dma_start3A_366, %dma_start3A_367] : memref<100002x128xf32, #tpu.memory_space<hbm>> -> memref<100002x128xf32, #tpu.memory_space<hbm>>
      tpu.enqueue_indirect_dma source(%dma_start3A_368 : memref<100002x128xf32, #tpu.memory_space<hbm>>) target(%dma_start3A_363 : memref<128x128xf32, #tpu.memory_space<vmem>>) offsets(%dma_start3A_365 : memref<128xi32, #tpu.memory_space<vmem>>) semaphore(%arg19 : memref<!tpu.dma_semaphore, #tpu.memory_space<semaphore_mem>>)
      %dma_start3A_369 = arith.constant 128 : i32
      %dma_start3A_370 = arith.constant 0 : i32
      %dma_start3A_371 = tpu.memref_slice %arg13[%dma_start3A_369, %dma_start3A_370] : memref<200x128xf32, #tpu.memory_space<vmem>> -> memref<72x128xf32, #tpu.memory_space<vmem>>
      %dma_start3A_372 = arith.constant 128 : i32
      %dma_start3A_373 = tpu.memref_slice %arg9[%dma_start3A_372] : memref<200xi32, #tpu.memory_space<vmem>> -> memref<72xi32, #tpu.memory_space<vmem>>
      %dma_start3A_374 = arith.constant 0 : i32
      %dma_start3A_375 = arith.constant 0 : i32
      %dma_start3A_376 = tpu.memref_slice %arg5[%dma_start3A_374, %dma_start3A_375] : memref<100002x128xf32, #tpu.memory_space<hbm>> -> memref<100002x128xf32, #tpu.memory_space<hbm>>
      tpu.enqueue_indirect_dma source(%dma_start3A_376 : memref<100002x128xf32, #tpu.memory_space<hbm>>) target(%dma_start3A_371 : memref<72x128xf32, #tpu.memory_space<vmem>>) offsets(%dma_start3A_373 : memref<72xi32, #tpu.memory_space<vmem>>) semaphore(%arg19 : memref<!tpu.dma_semaphore, #tpu.memory_space<semaphore_mem>>)
      %dma_wait3A_377 = arith.constant 0 : i32
      %dma_wait3A_378 = arith.constant 0 : i32
      %dma_wait3A_379 = tpu.memref_slice %arg12[%dma_wait3A_377, %dma_wait3A_378] : memref<200x128xf32, #tpu.memory_space<vmem>> -> memref<128x128xf32, #tpu.memory_space<vmem>>
      %dma_wait3A_380 = arith.constant 0 : i32
      %dma_wait3A_381 = tpu.memref_slice %arg8[%dma_wait3A_380] : memref<200xi32, #tpu.memory_space<vmem>> -> memref<128xi32, #tpu.memory_space<vmem>>
      %dma_wait3A_382 = arith.constant 0 : i32
      %dma_wait3A_383 = arith.constant 0 : i32
      %dma_wait3A_384 = tpu.memref_slice %arg4[%dma_wait3A_382, %dma_wait3A_383] : memref<100002x128xf32, #tpu.memory_space<hbm>> -> memref<100002x128xf32, #tpu.memory_space<hbm>>
      tpu.wait_indirect_dma semaphore(%arg20 : memref<!tpu.dma_semaphore, #tpu.memory_space<semaphore_mem>>) src(%dma_wait3A_384 : memref<100002x128xf32, #tpu.memory_space<hbm>>) dst(%dma_wait3A_379 : memref<128x128xf32, #tpu.memory_space<vmem>>)
      %dma_wait3A_385 = arith.constant 128 : i32
      %dma_wait3A_386 = arith.constant 0 : i32
      %dma_wait3A_387 = tpu.memref_slice %arg12[%dma_wait3A_385, %dma_wait3A_386] : memref<200x128xf32, #tpu.memory_space<vmem>> -> memref<72x128xf32, #tpu.memory_space<vmem>>
      %dma_wait3A_388 = arith.constant 128 : i32
      %dma_wait3A_389 = tpu.memref_slice %arg8[%dma_wait3A_388] : memref<200xi32, #tpu.memory_space<vmem>> -> memref<72xi32, #tpu.memory_space<vmem>>
      %dma_wait3A_390 = arith.constant 0 : i32
      %dma_wait3A_391 = arith.constant 0 : i32
      %dma_wait3A_392 = tpu.memref_slice %arg4[%dma_wait3A_390, %dma_wait3A_391] : memref<100002x128xf32, #tpu.memory_space<hbm>> -> memref<100002x128xf32, #tpu.memory_space<hbm>>
      tpu.wait_indirect_dma semaphore(%arg20 : memref<!tpu.dma_semaphore, #tpu.memory_space<semaphore_mem>>) src(%dma_wait3A_392 : memref<100002x128xf32, #tpu.memory_space<hbm>>) dst(%dma_wait3A_387 : memref<72x128xf32, #tpu.memory_space<vmem>>)
      %dma_wait3A_393 = arith.constant 0 : i32
      %dma_wait3A_394 = arith.constant 0 : i32
      %dma_wait3A_395 = tpu.memref_slice %arg14[%dma_wait3A_393, %dma_wait3A_394] : memref<200x128xf32, #tpu.memory_space<vmem>> -> memref<128x128xf32, #tpu.memory_space<vmem>>
      %dma_wait3A_396 = arith.constant 0 : i32
      %dma_wait3A_397 = tpu.memref_slice %arg10[%dma_wait3A_396] : memref<200xi32, #tpu.memory_space<vmem>> -> memref<128xi32, #tpu.memory_space<vmem>>
      %dma_wait3A_398 = arith.constant 0 : i32
      %dma_wait3A_399 = arith.constant 0 : i32
      %dma_wait3A_400 = tpu.memref_slice %arg5[%dma_wait3A_398, %dma_wait3A_399] : memref<100002x128xf32, #tpu.memory_space<hbm>> -> memref<100002x128xf32, #tpu.memory_space<hbm>>
      tpu.wait_indirect_dma semaphore(%arg20 : memref<!tpu.dma_semaphore, #tpu.memory_space<semaphore_mem>>) src(%dma_wait3A_400 : memref<100002x128xf32, #tpu.memory_space<hbm>>) dst(%dma_wait3A_395 : memref<128x128xf32, #tpu.memory_space<vmem>>)
      %dma_wait3A_401 = arith.constant 128 : i32
      %dma_wait3A_402 = arith.constant 0 : i32
      %dma_wait3A_403 = tpu.memref_slice %arg14[%dma_wait3A_401, %dma_wait3A_402] : memref<200x128xf32, #tpu.memory_space<vmem>> -> memref<72x128xf32, #tpu.memory_space<vmem>>
      %dma_wait3A_404 = arith.constant 128 : i32
      %dma_wait3A_405 = tpu.memref_slice %arg10[%dma_wait3A_404] : memref<200xi32, #tpu.memory_space<vmem>> -> memref<72xi32, #tpu.memory_space<vmem>>
      %dma_wait3A_406 = arith.constant 0 : i32
      %dma_wait3A_407 = arith.constant 0 : i32
      %dma_wait3A_408 = tpu.memref_slice %arg5[%dma_wait3A_406, %dma_wait3A_407] : memref<100002x128xf32, #tpu.memory_space<hbm>> -> memref<100002x128xf32, #tpu.memory_space<hbm>>
      tpu.wait_indirect_dma semaphore(%arg20 : memref<!tpu.dma_semaphore, #tpu.memory_space<semaphore_mem>>) src(%dma_wait3A_408 : memref<100002x128xf32, #tpu.memory_space<hbm>>) dst(%dma_wait3A_403 : memref<72x128xf32, #tpu.memory_space<vmem>>)
      %add3A_409 = arith.constant 2 : i32
      %add3A_410 = arith.addi %add3A_336, %add3A_409 : i32
      %add3A_411 = arith.addi %mul3A_2, %add3A_410 : i32
      %mul3A_412 = arith.constant 200 : i32
      %mul3A_413 = arith.muli %add3A_411, %mul3A_412 : i32
      %multiple_of3A_414 = tpu.assume_multiple %mul3A_413, 200 : i32
      %dma_start3A_415 = tpu.memref_slice %arg2[%multiple_of3A_414] : memref<819200xi32, #tpu.memory_space<hbm>> -> memref<200xi32, #tpu.memory_space<hbm>>
      %dma_start3A_416 = tpu.memref_slice %arg2[%multiple_of3A_414] : memref<819200xi32, #tpu.memory_space<hbm>> -> memref<200xi32, #tpu.memory_space<hbm>>
      tpu.enqueue_dma source(%dma_start3A_416 : memref<200xi32, #tpu.memory_space<hbm>>) target(%arg8 : memref<200xi32, #tpu.memory_space<vmem>>) target_semaphore(%arg18 : memref<!tpu.dma_semaphore, #tpu.memory_space<semaphore_mem>>)
      %dma_start3A_417 = tpu.memref_slice %arg3[%multiple_of3A_414] : memref<819200xi32, #tpu.memory_space<hbm>> -> memref<200xi32, #tpu.memory_space<hbm>>
      %dma_start3A_418 = tpu.memref_slice %arg3[%multiple_of3A_414] : memref<819200xi32, #tpu.memory_space<hbm>> -> memref<200xi32, #tpu.memory_space<hbm>>
      tpu.enqueue_dma source(%dma_start3A_418 : memref<200xi32, #tpu.memory_space<hbm>>) target(%arg10 : memref<200xi32, #tpu.memory_space<vmem>>) target_semaphore(%arg18 : memref<!tpu.dma_semaphore, #tpu.memory_space<semaphore_mem>>)
      %convert_element_type3A_419 = arith.extui %ge3A_232 : i1 to i32
      %cond3A_420 = arith.constant 0 : i32
      %cond3A_421 = arith.cmpi ne, %convert_element_type3A_419, %cond3A_420 : i32
      scf.if %cond3A_421 {
        %dma_wait3A_437 = arith.constant 0 : i32
        %dma_wait3A_438 = arith.constant 0 : i32
        %dma_wait3A_439 = tpu.memref_slice %arg6[%mul3A_2, %dma_wait3A_437, %dma_wait3A_438] : memref<4096x50x128xf32, #tpu.memory_space<hbm>> -> memref<1x50x128xf32, #tpu.memory_space<hbm>>
        %dma_wait3A_440 = tpu.memref_squeeze %dma_wait3A_439 : memref<1x50x128xf32, #tpu.memory_space<hbm>> -> memref<50x128xf32, #tpu.memory_space<hbm>>
        %dma_wait3A_441 = arith.constant 0 : i32
        %dma_wait3A_442 = arith.constant 0 : i32
        %dma_wait3A_443 = tpu.memref_slice %arg6[%mul3A_2, %dma_wait3A_441, %dma_wait3A_442] : memref<4096x50x128xf32, #tpu.memory_space<hbm>> -> memref<1x50x128xf32, #tpu.memory_space<hbm>>
        %dma_wait3A_444 = tpu.memref_squeeze %dma_wait3A_443 : memref<1x50x128xf32, #tpu.memory_space<hbm>> -> memref<50x128xf32, #tpu.memory_space<hbm>>
        tpu.wait_dma2 semaphore(%arg22 : memref<!tpu.dma_semaphore, #tpu.memory_space<semaphore_mem>>) src(%arg16 : memref<50x128xf32, #tpu.memory_space<vmem>>) dst(%dma_wait3A_444 : memref<50x128xf32, #tpu.memory_space<hbm>>)
      } else {
      }
      %scan3A_422 = arith.constant 0 : i32
      %scan3A_423 = arith.constant 0 : i32
      %scan3A_424 = arith.constant 50 : i32
      %scan3A_425 = arith.addi %scan3A_423, %scan3A_424 : i32
      %scan3A_426 = arith.constant 1 : i32
      scf.for %scan3A_437 = %scan3A_423 to %scan3A_425 step %scan3A_426  : i32 {
        %mul3A_438 = arith.constant 4 : i32
        %mul3A_439 = arith.muli %scan3A_437, %mul3A_438 : i32
        %get3A = arith.index_cast %mul3A_439 : i32 to index
        %get3A_440 = arith.constant 0 : index
        %get3A_441 = tpu.vector_load %arg12[%get3A, %get3A_440] {strides = array<i32>} : memref<200x128xf32, #tpu.memory_space<vmem>>, vector<1x16xf32>,
        %get3A_442 = vector.shape_cast %get3A_441 : vector<1x16xf32> to vector<16xf32>
        %add3A_443 = arith.constant 1 : i32
        %add3A_444 = arith.addi %mul3A_439, %add3A_443 : i32
        %get3A_445 = arith.index_cast %add3A_444 : i32 to index
        %get3A_446 = arith.constant 0 : index
        %get3A_447 = tpu.vector_load %arg12[%get3A_445, %get3A_446] {strides = array<i32>} : memref<200x128xf32, #tpu.memory_space<vmem>>, vector<1x16xf32>,
        %get3A_448 = vector.shape_cast %get3A_447 : vector<1x16xf32> to vector<16xf32>
        %add3A_449 = arith.addf %get3A_442, %get3A_448 : vector<16xf32>
        %add3A_450 = arith.constant 2 : i32
        %add3A_451 = arith.addi %mul3A_439, %add3A_450 : i32
        %get3A_452 = arith.index_cast %add3A_451 : i32 to index
        %get3A_453 = arith.constant 0 : index
        %get3A_454 = tpu.vector_load %arg12[%get3A_452, %get3A_453] {strides = array<i32>} : memref<200x128xf32, #tpu.memory_space<vmem>>, vector<1x16xf32>,
        %get3A_455 = vector.shape_cast %get3A_454 : vector<1x16xf32> to vector<16xf32>
        %add3A_456 = arith.addf %add3A_449, %get3A_455 : vector<16xf32>
        %add3A_457 = arith.constant 3 : i32
        %add3A_458 = arith.addi %mul3A_439, %add3A_457 : i32
        %get3A_459 = arith.index_cast %add3A_458 : i32 to index
        %get3A_460 = arith.constant 0 : index
        %get3A_461 = tpu.vector_load %arg12[%get3A_459, %get3A_460] {strides = array<i32>} : memref<200x128xf32, #tpu.memory_space<vmem>>, vector<1x16xf32>,
        %get3A_462 = vector.shape_cast %get3A_461 : vector<1x16xf32> to vector<16xf32>
        %add3A_463 = arith.addf %add3A_456, %get3A_462 : vector<16xf32>
        %get3A_464 = arith.index_cast %mul3A_439 : i32 to index
        %get3A_465 = arith.constant 0 : index
        %get3A_466 = tpu.vector_load %arg14[%get3A_464, %get3A_465] {strides = array<i32>} : memref<200x128xf32, #tpu.memory_space<vmem>>, vector<1x16xf32>,
        %get3A_467 = vector.shape_cast %get3A_466 : vector<1x16xf32> to vector<16xf32>
        %add3A_468 = arith.addf %add3A_463, %get3A_467 : vector<16xf32>
        %add3A_469 = arith.constant 1 : i32
        %add3A_470 = arith.addi %mul3A_439, %add3A_469 : i32
        %get3A_471 = arith.index_cast %add3A_470 : i32 to index
        %get3A_472 = arith.constant 0 : index
        %get3A_473 = tpu.vector_load %arg14[%get3A_471, %get3A_472] {strides = array<i32>} : memref<200x128xf32, #tpu.memory_space<vmem>>, vector<1x16xf32>,
        %get3A_474 = vector.shape_cast %get3A_473 : vector<1x16xf32> to vector<16xf32>
        %add3A_475 = arith.addf %add3A_468, %get3A_474 : vector<16xf32>
        %add3A_476 = arith.constant 2 : i32
        %add3A_477 = arith.addi %mul3A_439, %add3A_476 : i32
        %get3A_478 = arith.index_cast %add3A_477 : i32 to index
        %get3A_479 = arith.constant 0 : index
        %get3A_480 = tpu.vector_load %arg14[%get3A_478, %get3A_479] {strides = array<i32>} : memref<200x128xf32, #tpu.memory_space<vmem>>, vector<1x16xf32>,
        %get3A_481 = vector.shape_cast %get3A_480 : vector<1x16xf32> to vector<16xf32>
        %add3A_482 = arith.addf %add3A_475, %get3A_481 : vector<16xf32>
        %add3A_483 = arith.constant 3 : i32
        %add3A_484 = arith.addi %mul3A_439, %add3A_483 : i32
        %get3A_485 = arith.index_cast %add3A_484 : i32 to index
        %get3A_486 = arith.constant 0 : index
        %get3A_487 = tpu.vector_load %arg14[%get3A_485, %get3A_486] {strides = array<i32>} : memref<200x128xf32, #tpu.memory_space<vmem>>, vector<1x16xf32>,
        %get3A_488 = vector.shape_cast %get3A_487 : vector<1x16xf32> to vector<16xf32>
        %add3A_489 = arith.addf %add3A_482, %get3A_488 : vector<16xf32>
        %swap3A = arith.index_cast %scan3A_437 : i32 to index
        %swap3A_490 = arith.constant 0 : index
        %swap3A_491 = tpu.vector_load %arg16[%swap3A, %swap3A_490] {strides = array<i32>} : memref<50x128xf32, #tpu.memory_space<vmem>>, vector<1x16xf32>,
        %swap3A_492 = vector.shape_cast %swap3A_491 : vector<1x16xf32> to vector<16xf32>
        %swap3A_493 = vector.shape_cast %add3A_489 : vector<16xf32> to vector<1x16xf32>
        tpu.vector_store %arg16[%swap3A, %swap3A_490], %swap3A_493 {strides = array<i32>} : memref<50x128xf32, #tpu.memory_space<vmem>>, vector<1x16xf32>,
        %get3A_494 = arith.index_cast %mul3A_439 : i32 to index
        %get3A_495 = arith.constant 16 : index
        %get3A_496 = tpu.vector_load %arg12[%get3A_494, %get3A_495] {strides = array<i32>} : memref<200x128xf32, #tpu.memory_space<vmem>>, vector<1x16xf32>,
        %get3A_497 = vector.shape_cast %get3A_496 : vector<1x16xf32> to vector<16xf32>
        %add3A_498 = arith.constant 1 : i32
        %add3A_499 = arith.addi %mul3A_439, %add3A_498 : i32
        %get3A_500 = arith.index_cast %add3A_499 : i32 to index
        %get3A_501 = arith.constant 16 : index
        %get3A_502 = tpu.vector_load %arg12[%get3A_500, %get3A_501] {strides = array<i32>} : memref<200x128xf32, #tpu.memory_space<vmem>>, vector<1x16xf32>,
        %get3A_503 = vector.shape_cast %get3A_502 : vector<1x16xf32> to vector<16xf32>
        %add3A_504 = arith.addf %get3A_497, %get3A_503 : vector<16xf32>
        %add3A_505 = arith.constant 2 : i32
        %add3A_506 = arith.addi %mul3A_439, %add3A_505 : i32
        %get3A_507 = arith.index_cast %add3A_506 : i32 to index
        %get3A_508 = arith.constant 16 : index
        %get3A_509 = tpu.vector_load %arg12[%get3A_507, %get3A_508] {strides = array<i32>} : memref<200x128xf32, #tpu.memory_space<vmem>>, vector<1x16xf32>,
        %get3A_510 = vector.shape_cast %get3A_509 : vector<1x16xf32> to vector<16xf32>
        %add3A_511 = arith.addf %add3A_504, %get3A_510 : vector<16xf32>
        %add3A_512 = arith.constant 3 : i32
        %add3A_513 = arith.addi %mul3A_439, %add3A_512 : i32
        %get3A_514 = arith.index_cast %add3A_513 : i32 to index
        %get3A_515 = arith.constant 16 : index
        %get3A_516 = tpu.vector_load %arg12[%get3A_514, %get3A_515] {strides = array<i32>} : memref<200x128xf32, #tpu.memory_space<vmem>>, vector<1x16xf32>,
        %get3A_517 = vector.shape_cast %get3A_516 : vector<1x16xf32> to vector<16xf32>
        %add3A_518 = arith.addf %add3A_511, %get3A_517 : vector<16xf32>
        %get3A_519 = arith.index_cast %mul3A_439 : i32 to index
        %get3A_520 = arith.constant 16 : index
        %get3A_521 = tpu.vector_load %arg14[%get3A_519, %get3A_520] {strides = array<i32>} : memref<200x128xf32, #tpu.memory_space<vmem>>, vector<1x16xf32>,
        %get3A_522 = vector.shape_cast %get3A_521 : vector<1x16xf32> to vector<16xf32>
        %add3A_523 = arith.addf %add3A_518, %get3A_522 : vector<16xf32>
        %add3A_524 = arith.constant 1 : i32
        %add3A_525 = arith.addi %mul3A_439, %add3A_524 : i32
        %get3A_526 = arith.index_cast %add3A_525 : i32 to index
        %get3A_527 = arith.constant 16 : index
        %get3A_528 = tpu.vector_load %arg14[%get3A_526, %get3A_527] {strides = array<i32>} : memref<200x128xf32, #tpu.memory_space<vmem>>, vector<1x16xf32>,
        %get3A_529 = vector.shape_cast %get3A_528 : vector<1x16xf32> to vector<16xf32>
        %add3A_530 = arith.addf %add3A_523, %get3A_529 : vector<16xf32>
        %add3A_531 = arith.constant 2 : i32
        %add3A_532 = arith.addi %mul3A_439, %add3A_531 : i32
        %get3A_533 = arith.index_cast %add3A_532 : i32 to index
        %get3A_534 = arith.constant 16 : index
        %get3A_535 = tpu.vector_load %arg14[%get3A_533, %get3A_534] {strides = array<i32>} : memref<200x128xf32, #tpu.memory_space<vmem>>, vector<1x16xf32>,
        %get3A_536 = vector.shape_cast %get3A_535 : vector<1x16xf32> to vector<16xf32>
        %add3A_537 = arith.addf %add3A_530, %get3A_536 : vector<16xf32>
        %add3A_538 = arith.constant 3 : i32
        %add3A_539 = arith.addi %mul3A_439, %add3A_538 : i32
        %get3A_540 = arith.index_cast %add3A_539 : i32 to index
        %get3A_541 = arith.constant 16 : index
        %get3A_542 = tpu.vector_load %arg14[%get3A_540, %get3A_541] {strides = array<i32>} : memref<200x128xf32, #tpu.memory_space<vmem>>, vector<1x16xf32>,
        %get3A_543 = vector.shape_cast %get3A_542 : vector<1x16xf32> to vector<16xf32>
        %add3A_544 = arith.addf %add3A_537, %get3A_543 : vector<16xf32>
        %swap3A_545 = arith.index_cast %scan3A_437 : i32 to index
        %swap3A_546 = arith.constant 16 : index
        %swap3A_547 = tpu.vector_load %arg16[%swap3A_545, %swap3A_546] {strides = array<i32>} : memref<50x128xf32, #tpu.memory_space<vmem>>, vector<1x16xf32>,
        %swap3A_548 = vector.shape_cast %swap3A_547 : vector<1x16xf32> to vector<16xf32>
        %swap3A_549 = vector.shape_cast %add3A_544 : vector<16xf32> to vector<1x16xf32>
        tpu.vector_store %arg16[%swap3A_545, %swap3A_546], %swap3A_549 {strides = array<i32>} : memref<50x128xf32, #tpu.memory_space<vmem>>, vector<1x16xf32>,
        %get3A_550 = arith.index_cast %mul3A_439 : i32 to index
        %get3A_551 = arith.constant 32 : index
        %get3A_552 = tpu.vector_load %arg12[%get3A_550, %get3A_551] {strides = array<i32>} : memref<200x128xf32, #tpu.memory_space<vmem>>, vector<1x16xf32>,
        %get3A_553 = vector.shape_cast %get3A_552 : vector<1x16xf32> to vector<16xf32>
        %add3A_554 = arith.constant 1 : i32
        %add3A_555 = arith.addi %mul3A_439, %add3A_554 : i32
        %get3A_556 = arith.index_cast %add3A_555 : i32 to index
        %get3A_557 = arith.constant 32 : index
        %get3A_558 = tpu.vector_load %arg12[%get3A_556, %get3A_557] {strides = array<i32>} : memref<200x128xf32, #tpu.memory_space<vmem>>, vector<1x16xf32>,
        %get3A_559 = vector.shape_cast %get3A_558 : vector<1x16xf32> to vector<16xf32>
        %add3A_560 = arith.addf %get3A_553, %get3A_559 : vector<16xf32>
        %add3A_561 = arith.constant 2 : i32
        %add3A_562 = arith.addi %mul3A_439, %add3A_561 : i32
        %get3A_563 = arith.index_cast %add3A_562 : i32 to index
        %get3A_564 = arith.constant 32 : index
        %get3A_565 = tpu.vector_load %arg12[%get3A_563, %get3A_564] {strides = array<i32>} : memref<200x128xf32, #tpu.memory_space<vmem>>, vector<1x16xf32>,
        %get3A_566 = vector.shape_cast %get3A_565 : vector<1x16xf32> to vector<16xf32>
        %add3A_567 = arith.addf %add3A_560, %get3A_566 : vector<16xf32>
        %add3A_568 = arith.constant 3 : i32
        %add3A_569 = arith.addi %mul3A_439, %add3A_568 : i32
        %get3A_570 = arith.index_cast %add3A_569 : i32 to index
        %get3A_571 = arith.constant 32 : index
        %get3A_572 = tpu.vector_load %arg12[%get3A_570, %get3A_571] {strides = array<i32>} : memref<200x128xf32, #tpu.memory_space<vmem>>, vector<1x16xf32>,
        %get3A_573 = vector.shape_cast %get3A_572 : vector<1x16xf32> to vector<16xf32>
        %add3A_574 = arith.addf %add3A_567, %get3A_573 : vector<16xf32>
        %get3A_575 = arith.index_cast %mul3A_439 : i32 to index
        %get3A_576 = arith.constant 32 : index
        %get3A_577 = tpu.vector_load %arg14[%get3A_575, %get3A_576] {strides = array<i32>} : memref<200x128xf32, #tpu.memory_space<vmem>>, vector<1x16xf32>,
        %get3A_578 = vector.shape_cast %get3A_577 : vector<1x16xf32> to vector<16xf32>
        %add3A_579 = arith.addf %add3A_574, %get3A_578 : vector<16xf32>
        %add3A_580 = arith.constant 1 : i32
        %add3A_581 = arith.addi %mul3A_439, %add3A_580 : i32
        %get3A_582 = arith.index_cast %add3A_581 : i32 to index
        %get3A_583 = arith.constant 32 : index
        %get3A_584 = tpu.vector_load %arg14[%get3A_582, %get3A_583] {strides = array<i32>} : memref<200x128xf32, #tpu.memory_space<vmem>>, vector<1x16xf32>,
        %get3A_585 = vector.shape_cast %get3A_584 : vector<1x16xf32> to vector<16xf32>
        %add3A_586 = arith.addf %add3A_579, %get3A_585 : vector<16xf32>
        %add3A_587 = arith.constant 2 : i32
        %add3A_588 = arith.addi %mul3A_439, %add3A_587 : i32
        %get3A_589 = arith.index_cast %add3A_588 : i32 to index
        %get3A_590 = arith.constant 32 : index
        %get3A_591 = tpu.vector_load %arg14[%get3A_589, %get3A_590] {strides = array<i32>} : memref<200x128xf32, #tpu.memory_space<vmem>>, vector<1x16xf32>,
        %get3A_592 = vector.shape_cast %get3A_591 : vector<1x16xf32> to vector<16xf32>
        %add3A_593 = arith.addf %add3A_586, %get3A_592 : vector<16xf32>
        %add3A_594 = arith.constant 3 : i32
        %add3A_595 = arith.addi %mul3A_439, %add3A_594 : i32
        %get3A_596 = arith.index_cast %add3A_595 : i32 to index
        %get3A_597 = arith.constant 32 : index
        %get3A_598 = tpu.vector_load %arg14[%get3A_596, %get3A_597] {strides = array<i32>} : memref<200x128xf32, #tpu.memory_space<vmem>>, vector<1x16xf32>,
        %get3A_599 = vector.shape_cast %get3A_598 : vector<1x16xf32> to vector<16xf32>
        %add3A_600 = arith.addf %add3A_593, %get3A_599 : vector<16xf32>
        %swap3A_601 = arith.index_cast %scan3A_437 : i32 to index
        %swap3A_602 = arith.constant 32 : index
        %swap3A_603 = tpu.vector_load %arg16[%swap3A_601, %swap3A_602] {strides = array<i32>} : memref<50x128xf32, #tpu.memory_space<vmem>>, vector<1x16xf32>,
        %swap3A_604 = vector.shape_cast %swap3A_603 : vector<1x16xf32> to vector<16xf32>
        %swap3A_605 = vector.shape_cast %add3A_600 : vector<16xf32> to vector<1x16xf32>
        tpu.vector_store %arg16[%swap3A_601, %swap3A_602], %swap3A_605 {strides = array<i32>} : memref<50x128xf32, #tpu.memory_space<vmem>>, vector<1x16xf32>,
        %get3A_606 = arith.index_cast %mul3A_439 : i32 to index
        %get3A_607 = arith.constant 48 : index
        %get3A_608 = tpu.vector_load %arg12[%get3A_606, %get3A_607] {strides = array<i32>} : memref<200x128xf32, #tpu.memory_space<vmem>>, vector<1x16xf32>,
        %get3A_609 = vector.shape_cast %get3A_608 : vector<1x16xf32> to vector<16xf32>
        %add3A_610 = arith.constant 1 : i32
        %add3A_611 = arith.addi %mul3A_439, %add3A_610 : i32
        %get3A_612 = arith.index_cast %add3A_611 : i32 to index
        %get3A_613 = arith.constant 48 : index
        %get3A_614 = tpu.vector_load %arg12[%get3A_612, %get3A_613] {strides = array<i32>} : memref<200x128xf32, #tpu.memory_space<vmem>>, vector<1x16xf32>,
        %get3A_615 = vector.shape_cast %get3A_614 : vector<1x16xf32> to vector<16xf32>
        %add3A_616 = arith.addf %get3A_609, %get3A_615 : vector<16xf32>
        %add3A_617 = arith.constant 2 : i32
        %add3A_618 = arith.addi %mul3A_439, %add3A_617 : i32
        %get3A_619 = arith.index_cast %add3A_618 : i32 to index
        %get3A_620 = arith.constant 48 : index
        %get3A_621 = tpu.vector_load %arg12[%get3A_619, %get3A_620] {strides = array<i32>} : memref<200x128xf32, #tpu.memory_space<vmem>>, vector<1x16xf32>,
        %get3A_622 = vector.shape_cast %get3A_621 : vector<1x16xf32> to vector<16xf32>
        %add3A_623 = arith.addf %add3A_616, %get3A_622 : vector<16xf32>
        %add3A_624 = arith.constant 3 : i32
        %add3A_625 = arith.addi %mul3A_439, %add3A_624 : i32
        %get3A_626 = arith.index_cast %add3A_625 : i32 to index
        %get3A_627 = arith.constant 48 : index
        %get3A_628 = tpu.vector_load %arg12[%get3A_626, %get3A_627] {strides = array<i32>} : memref<200x128xf32, #tpu.memory_space<vmem>>, vector<1x16xf32>,
        %get3A_629 = vector.shape_cast %get3A_628 : vector<1x16xf32> to vector<16xf32>
        %add3A_630 = arith.addf %add3A_623, %get3A_629 : vector<16xf32>
        %get3A_631 = arith.index_cast %mul3A_439 : i32 to index
        %get3A_632 = arith.constant 48 : index
        %get3A_633 = tpu.vector_load %arg14[%get3A_631, %get3A_632] {strides = array<i32>} : memref<200x128xf32, #tpu.memory_space<vmem>>, vector<1x16xf32>,
        %get3A_634 = vector.shape_cast %get3A_633 : vector<1x16xf32> to vector<16xf32>
        %add3A_635 = arith.addf %add3A_630, %get3A_634 : vector<16xf32>
        %add3A_636 = arith.constant 1 : i32
        %add3A_637 = arith.addi %mul3A_439, %add3A_636 : i32
        %get3A_638 = arith.index_cast %add3A_637 : i32 to index
        %get3A_639 = arith.constant 48 : index
        %get3A_640 = tpu.vector_load %arg14[%get3A_638, %get3A_639] {strides = array<i32>} : memref<200x128xf32, #tpu.memory_space<vmem>>, vector<1x16xf32>,
        %get3A_641 = vector.shape_cast %get3A_640 : vector<1x16xf32> to vector<16xf32>
        %add3A_642 = arith.addf %add3A_635, %get3A_641 : vector<16xf32>
        %add3A_643 = arith.constant 2 : i32
        %add3A_644 = arith.addi %mul3A_439, %add3A_643 : i32
        %get3A_645 = arith.index_cast %add3A_644 : i32 to index
        %get3A_646 = arith.constant 48 : index
        %get3A_647 = tpu.vector_load %arg14[%get3A_645, %get3A_646] {strides = array<i32>} : memref<200x128xf32, #tpu.memory_space<vmem>>, vector<1x16xf32>,
        %get3A_648 = vector.shape_cast %get3A_647 : vector<1x16xf32> to vector<16xf32>
        %add3A_649 = arith.addf %add3A_642, %get3A_648 : vector<16xf32>
        %add3A_650 = arith.constant 3 : i32
        %add3A_651 = arith.addi %mul3A_439, %add3A_650 : i32
        %get3A_652 = arith.index_cast %add3A_651 : i32 to index
        %get3A_653 = arith.constant 48 : index
        %get3A_654 = tpu.vector_load %arg14[%get3A_652, %get3A_653] {strides = array<i32>} : memref<200x128xf32, #tpu.memory_space<vmem>>, vector<1x16xf32>,
        %get3A_655 = vector.shape_cast %get3A_654 : vector<1x16xf32> to vector<16xf32>
        %add3A_656 = arith.addf %add3A_649, %get3A_655 : vector<16xf32>
        %swap3A_657 = arith.index_cast %scan3A_437 : i32 to index
        %swap3A_658 = arith.constant 48 : index
        %swap3A_659 = tpu.vector_load %arg16[%swap3A_657, %swap3A_658] {strides = array<i32>} : memref<50x128xf32, #tpu.memory_space<vmem>>, vector<1x16xf32>,
        %swap3A_660 = vector.shape_cast %swap3A_659 : vector<1x16xf32> to vector<16xf32>
        %swap3A_661 = vector.shape_cast %add3A_656 : vector<16xf32> to vector<1x16xf32>
        tpu.vector_store %arg16[%swap3A_657, %swap3A_658], %swap3A_661 {strides = array<i32>} : memref<50x128xf32, #tpu.memory_space<vmem>>, vector<1x16xf32>,
        %get3A_662 = arith.index_cast %mul3A_439 : i32 to index
        %get3A_663 = arith.constant 64 : index
        %get3A_664 = tpu.vector_load %arg12[%get3A_662, %get3A_663] {strides = array<i32>} : memref<200x128xf32, #tpu.memory_space<vmem>>, vector<1x16xf32>,
        %get3A_665 = vector.shape_cast %get3A_664 : vector<1x16xf32> to vector<16xf32>
        %add3A_666 = arith.constant 1 : i32
        %add3A_667 = arith.addi %mul3A_439, %add3A_666 : i32
        %get3A_668 = arith.index_cast %add3A_667 : i32 to index
        %get3A_669 = arith.constant 64 : index
        %get3A_670 = tpu.vector_load %arg12[%get3A_668, %get3A_669] {strides = array<i32>} : memref<200x128xf32, #tpu.memory_space<vmem>>, vector<1x16xf32>,
        %get3A_671 = vector.shape_cast %get3A_670 : vector<1x16xf32> to vector<16xf32>
        %add3A_672 = arith.addf %get3A_665, %get3A_671 : vector<16xf32>
        %add3A_673 = arith.constant 2 : i32
        %add3A_674 = arith.addi %mul3A_439, %add3A_673 : i32
        %get3A_675 = arith.index_cast %add3A_674 : i32 to index
        %get3A_676 = arith.constant 64 : index
        %get3A_677 = tpu.vector_load %arg12[%get3A_675, %get3A_676] {strides = array<i32>} : memref<200x128xf32, #tpu.memory_space<vmem>>, vector<1x16xf32>,
        %get3A_678 = vector.shape_cast %get3A_677 : vector<1x16xf32> to vector<16xf32>
        %add3A_679 = arith.addf %add3A_672, %get3A_678 : vector<16xf32>
        %add3A_680 = arith.constant 3 : i32
        %add3A_681 = arith.addi %mul3A_439, %add3A_680 : i32
        %get3A_682 = arith.index_cast %add3A_681 : i32 to index
        %get3A_683 = arith.constant 64 : index
        %get3A_684 = tpu.vector_load %arg12[%get3A_682, %get3A_683] {strides = array<i32>} : memref<200x128xf32, #tpu.memory_space<vmem>>, vector<1x16xf32>,
        %get3A_685 = vector.shape_cast %get3A_684 : vector<1x16xf32> to vector<16xf32>
        %add3A_686 = arith.addf %add3A_679, %get3A_685 : vector<16xf32>
        %get3A_687 = arith.index_cast %mul3A_439 : i32 to index
        %get3A_688 = arith.constant 64 : index
        %get3A_689 = tpu.vector_load %arg14[%get3A_687, %get3A_688] {strides = array<i32>} : memref<200x128xf32, #tpu.memory_space<vmem>>, vector<1x16xf32>,
        %get3A_690 = vector.shape_cast %get3A_689 : vector<1x16xf32> to vector<16xf32>
        %add3A_691 = arith.addf %add3A_686, %get3A_690 : vector<16xf32>
        %add3A_692 = arith.constant 1 : i32
        %add3A_693 = arith.addi %mul3A_439, %add3A_692 : i32
        %get3A_694 = arith.index_cast %add3A_693 : i32 to index
        %get3A_695 = arith.constant 64 : index
        %get3A_696 = tpu.vector_load %arg14[%get3A_694, %get3A_695] {strides = array<i32>} : memref<200x128xf32, #tpu.memory_space<vmem>>, vector<1x16xf32>,
        %get3A_697 = vector.shape_cast %get3A_696 : vector<1x16xf32> to vector<16xf32>
        %add3A_698 = arith.addf %add3A_691, %get3A_697 : vector<16xf32>
        %add3A_699 = arith.constant 2 : i32
        %add3A_700 = arith.addi %mul3A_439, %add3A_699 : i32
        %get3A_701 = arith.index_cast %add3A_700 : i32 to index
        %get3A_702 = arith.constant 64 : index
        %get3A_703 = tpu.vector_load %arg14[%get3A_701, %get3A_702] {strides = array<i32>} : memref<200x128xf32, #tpu.memory_space<vmem>>, vector<1x16xf32>,
        %get3A_704 = vector.shape_cast %get3A_703 : vector<1x16xf32> to vector<16xf32>
        %add3A_705 = arith.addf %add3A_698, %get3A_704 : vector<16xf32>
        %add3A_706 = arith.constant 3 : i32
        %add3A_707 = arith.addi %mul3A_439, %add3A_706 : i32
        %get3A_708 = arith.index_cast %add3A_707 : i32 to index
        %get3A_709 = arith.constant 64 : index
        %get3A_710 = tpu.vector_load %arg14[%get3A_708, %get3A_709] {strides = array<i32>} : memref<200x128xf32, #tpu.memory_space<vmem>>, vector<1x16xf32>,
        %get3A_711 = vector.shape_cast %get3A_710 : vector<1x16xf32> to vector<16xf32>
        %add3A_712 = arith.addf %add3A_705, %get3A_711 : vector<16xf32>
        %swap3A_713 = arith.index_cast %scan3A_437 : i32 to index
        %swap3A_714 = arith.constant 64 : index
        %swap3A_715 = tpu.vector_load %arg16[%swap3A_713, %swap3A_714] {strides = array<i32>} : memref<50x128xf32, #tpu.memory_space<vmem>>, vector<1x16xf32>,
        %swap3A_716 = vector.shape_cast %swap3A_715 : vector<1x16xf32> to vector<16xf32>
        %swap3A_717 = vector.shape_cast %add3A_712 : vector<16xf32> to vector<1x16xf32>
        tpu.vector_store %arg16[%swap3A_713, %swap3A_714], %swap3A_717 {strides = array<i32>} : memref<50x128xf32, #tpu.memory_space<vmem>>, vector<1x16xf32>,
        %get3A_718 = arith.index_cast %mul3A_439 : i32 to index
        %get3A_719 = arith.constant 80 : index
        %get3A_720 = tpu.vector_load %arg12[%get3A_718, %get3A_719] {strides = array<i32>} : memref<200x128xf32, #tpu.memory_space<vmem>>, vector<1x16xf32>,
        %get3A_721 = vector.shape_cast %get3A_720 : vector<1x16xf32> to vector<16xf32>
        %add3A_722 = arith.constant 1 : i32
        %add3A_723 = arith.addi %mul3A_439, %add3A_722 : i32
        %get3A_724 = arith.index_cast %add3A_723 : i32 to index
        %get3A_725 = arith.constant 80 : index
        %get3A_726 = tpu.vector_load %arg12[%get3A_724, %get3A_725] {strides = array<i32>} : memref<200x128xf32, #tpu.memory_space<vmem>>, vector<1x16xf32>,
        %get3A_727 = vector.shape_cast %get3A_726 : vector<1x16xf32> to vector<16xf32>
        %add3A_728 = arith.addf %get3A_721, %get3A_727 : vector<16xf32>
        %add3A_729 = arith.constant 2 : i32
        %add3A_730 = arith.addi %mul3A_439, %add3A_729 : i32
        %get3A_731 = arith.index_cast %add3A_730 : i32 to index
        %get3A_732 = arith.constant 80 : index
        %get3A_733 = tpu.vector_load %arg12[%get3A_731, %get3A_732] {strides = array<i32>} : memref<200x128xf32, #tpu.memory_space<vmem>>, vector<1x16xf32>,
        %get3A_734 = vector.shape_cast %get3A_733 : vector<1x16xf32> to vector<16xf32>
        %add3A_735 = arith.addf %add3A_728, %get3A_734 : vector<16xf32>
        %add3A_736 = arith.constant 3 : i32
        %add3A_737 = arith.addi %mul3A_439, %add3A_736 : i32
        %get3A_738 = arith.index_cast %add3A_737 : i32 to index
        %get3A_739 = arith.constant 80 : index
        %get3A_740 = tpu.vector_load %arg12[%get3A_738, %get3A_739] {strides = array<i32>} : memref<200x128xf32, #tpu.memory_space<vmem>>, vector<1x16xf32>,
        %get3A_741 = vector.shape_cast %get3A_740 : vector<1x16xf32> to vector<16xf32>
        %add3A_742 = arith.addf %add3A_735, %get3A_741 : vector<16xf32>
        %get3A_743 = arith.index_cast %mul3A_439 : i32 to index
        %get3A_744 = arith.constant 80 : index
        %get3A_745 = tpu.vector_load %arg14[%get3A_743, %get3A_744] {strides = array<i32>} : memref<200x128xf32, #tpu.memory_space<vmem>>, vector<1x16xf32>,
        %get3A_746 = vector.shape_cast %get3A_745 : vector<1x16xf32> to vector<16xf32>
        %add3A_747 = arith.addf %add3A_742, %get3A_746 : vector<16xf32>
        %add3A_748 = arith.constant 1 : i32
        %add3A_749 = arith.addi %mul3A_439, %add3A_748 : i32
        %get3A_750 = arith.index_cast %add3A_749 : i32 to index
        %get3A_751 = arith.constant 80 : index
        %get3A_752 = tpu.vector_load %arg14[%get3A_750, %get3A_751] {strides = array<i32>} : memref<200x128xf32, #tpu.memory_space<vmem>>, vector<1x16xf32>,
        %get3A_753 = vector.shape_cast %get3A_752 : vector<1x16xf32> to vector<16xf32>
        %add3A_754 = arith.addf %add3A_747, %get3A_753 : vector<16xf32>
        %add3A_755 = arith.constant 2 : i32
        %add3A_756 = arith.addi %mul3A_439, %add3A_755 : i32
        %get3A_757 = arith.index_cast %add3A_756 : i32 to index
        %get3A_758 = arith.constant 80 : index
        %get3A_759 = tpu.vector_load %arg14[%get3A_757, %get3A_758] {strides = array<i32>} : memref<200x128xf32, #tpu.memory_space<vmem>>, vector<1x16xf32>,
        %get3A_760 = vector.shape_cast %get3A_759 : vector<1x16xf32> to vector<16xf32>
        %add3A_761 = arith.addf %add3A_754, %get3A_760 : vector<16xf32>
        %add3A_762 = arith.constant 3 : i32
        %add3A_763 = arith.addi %mul3A_439, %add3A_762 : i32
        %get3A_764 = arith.index_cast %add3A_763 : i32 to index
        %get3A_765 = arith.constant 80 : index
        %get3A_766 = tpu.vector_load %arg14[%get3A_764, %get3A_765] {strides = array<i32>} : memref<200x128xf32, #tpu.memory_space<vmem>>, vector<1x16xf32>,
        %get3A_767 = vector.shape_cast %get3A_766 : vector<1x16xf32> to vector<16xf32>
        %add3A_768 = arith.addf %add3A_761, %get3A_767 : vector<16xf32>
        %swap3A_769 = arith.index_cast %scan3A_437 : i32 to index
        %swap3A_770 = arith.constant 80 : index
        %swap3A_771 = tpu.vector_load %arg16[%swap3A_769, %swap3A_770] {strides = array<i32>} : memref<50x128xf32, #tpu.memory_space<vmem>>, vector<1x16xf32>,
        %swap3A_772 = vector.shape_cast %swap3A_771 : vector<1x16xf32> to vector<16xf32>
        %swap3A_773 = vector.shape_cast %add3A_768 : vector<16xf32> to vector<1x16xf32>
        tpu.vector_store %arg16[%swap3A_769, %swap3A_770], %swap3A_773 {strides = array<i32>} : memref<50x128xf32, #tpu.memory_space<vmem>>, vector<1x16xf32>,
        %get3A_774 = arith.index_cast %mul3A_439 : i32 to index
        %get3A_775 = arith.constant 96 : index
        %get3A_776 = tpu.vector_load %arg12[%get3A_774, %get3A_775] {strides = array<i32>} : memref<200x128xf32, #tpu.memory_space<vmem>>, vector<1x16xf32>,
        %get3A_777 = vector.shape_cast %get3A_776 : vector<1x16xf32> to vector<16xf32>
        %add3A_778 = arith.constant 1 : i32
        %add3A_779 = arith.addi %mul3A_439, %add3A_778 : i32
        %get3A_780 = arith.index_cast %add3A_779 : i32 to index
        %get3A_781 = arith.constant 96 : index
        %get3A_782 = tpu.vector_load %arg12[%get3A_780, %get3A_781] {strides = array<i32>} : memref<200x128xf32, #tpu.memory_space<vmem>>, vector<1x16xf32>,
        %get3A_783 = vector.shape_cast %get3A_782 : vector<1x16xf32> to vector<16xf32>
        %add3A_784 = arith.addf %get3A_777, %get3A_783 : vector<16xf32>
        %add3A_785 = arith.constant 2 : i32
        %add3A_786 = arith.addi %mul3A_439, %add3A_785 : i32
        %get3A_787 = arith.index_cast %add3A_786 : i32 to index
        %get3A_788 = arith.constant 96 : index
        %get3A_789 = tpu.vector_load %arg12[%get3A_787, %get3A_788] {strides = array<i32>} : memref<200x128xf32, #tpu.memory_space<vmem>>, vector<1x16xf32>,
        %get3A_790 = vector.shape_cast %get3A_789 : vector<1x16xf32> to vector<16xf32>
        %add3A_791 = arith.addf %add3A_784, %get3A_790 : vector<16xf32>
        %add3A_792 = arith.constant 3 : i32
        %add3A_793 = arith.addi %mul3A_439, %add3A_792 : i32
        %get3A_794 = arith.index_cast %add3A_793 : i32 to index
        %get3A_795 = arith.constant 96 : index
        %get3A_796 = tpu.vector_load %arg12[%get3A_794, %get3A_795] {strides = array<i32>} : memref<200x128xf32, #tpu.memory_space<vmem>>, vector<1x16xf32>,
        %get3A_797 = vector.shape_cast %get3A_796 : vector<1x16xf32> to vector<16xf32>
        %add3A_798 = arith.addf %add3A_791, %get3A_797 : vector<16xf32>
        %get3A_799 = arith.index_cast %mul3A_439 : i32 to index
        %get3A_800 = arith.constant 96 : index
        %get3A_801 = tpu.vector_load %arg14[%get3A_799, %get3A_800] {strides = array<i32>} : memref<200x128xf32, #tpu.memory_space<vmem>>, vector<1x16xf32>,
        %get3A_802 = vector.shape_cast %get3A_801 : vector<1x16xf32> to vector<16xf32>
        %add3A_803 = arith.addf %add3A_798, %get3A_802 : vector<16xf32>
        %add3A_804 = arith.constant 1 : i32
        %add3A_805 = arith.addi %mul3A_439, %add3A_804 : i32
        %get3A_806 = arith.index_cast %add3A_805 : i32 to index
        %get3A_807 = arith.constant 96 : index
        %get3A_808 = tpu.vector_load %arg14[%get3A_806, %get3A_807] {strides = array<i32>} : memref<200x128xf32, #tpu.memory_space<vmem>>, vector<1x16xf32>,
        %get3A_809 = vector.shape_cast %get3A_808 : vector<1x16xf32> to vector<16xf32>
        %add3A_810 = arith.addf %add3A_803, %get3A_809 : vector<16xf32>
        %add3A_811 = arith.constant 2 : i32
        %add3A_812 = arith.addi %mul3A_439, %add3A_811 : i32
        %get3A_813 = arith.index_cast %add3A_812 : i32 to index
        %get3A_814 = arith.constant 96 : index
        %get3A_815 = tpu.vector_load %arg14[%get3A_813, %get3A_814] {strides = array<i32>} : memref<200x128xf32, #tpu.memory_space<vmem>>, vector<1x16xf32>,
        %get3A_816 = vector.shape_cast %get3A_815 : vector<1x16xf32> to vector<16xf32>
        %add3A_817 = arith.addf %add3A_810, %get3A_816 : vector<16xf32>
        %add3A_818 = arith.constant 3 : i32
        %add3A_819 = arith.addi %mul3A_439, %add3A_818 : i32
        %get3A_820 = arith.index_cast %add3A_819 : i32 to index
        %get3A_821 = arith.constant 96 : index
        %get3A_822 = tpu.vector_load %arg14[%get3A_820, %get3A_821] {strides = array<i32>} : memref<200x128xf32, #tpu.memory_space<vmem>>, vector<1x16xf32>,
        %get3A_823 = vector.shape_cast %get3A_822 : vector<1x16xf32> to vector<16xf32>
        %add3A_824 = arith.addf %add3A_817, %get3A_823 : vector<16xf32>
        %swap3A_825 = arith.index_cast %scan3A_437 : i32 to index
        %swap3A_826 = arith.constant 96 : index
        %swap3A_827 = tpu.vector_load %arg16[%swap3A_825, %swap3A_826] {strides = array<i32>} : memref<50x128xf32, #tpu.memory_space<vmem>>, vector<1x16xf32>,
        %swap3A_828 = vector.shape_cast %swap3A_827 : vector<1x16xf32> to vector<16xf32>
        %swap3A_829 = vector.shape_cast %add3A_824 : vector<16xf32> to vector<1x16xf32>
        tpu.vector_store %arg16[%swap3A_825, %swap3A_826], %swap3A_829 {strides = array<i32>} : memref<50x128xf32, #tpu.memory_space<vmem>>, vector<1x16xf32>,
        %get3A_830 = arith.index_cast %mul3A_439 : i32 to index
        %get3A_831 = arith.constant 112 : index
        %get3A_832 = tpu.vector_load %arg12[%get3A_830, %get3A_831] {strides = array<i32>} : memref<200x128xf32, #tpu.memory_space<vmem>>, vector<1x16xf32>,
        %get3A_833 = vector.shape_cast %get3A_832 : vector<1x16xf32> to vector<16xf32>
        %add3A_834 = arith.constant 1 : i32
        %add3A_835 = arith.addi %mul3A_439, %add3A_834 : i32
        %get3A_836 = arith.index_cast %add3A_835 : i32 to index
        %get3A_837 = arith.constant 112 : index
        %get3A_838 = tpu.vector_load %arg12[%get3A_836, %get3A_837] {strides = array<i32>} : memref<200x128xf32, #tpu.memory_space<vmem>>, vector<1x16xf32>,
        %get3A_839 = vector.shape_cast %get3A_838 : vector<1x16xf32> to vector<16xf32>
        %add3A_840 = arith.addf %get3A_833, %get3A_839 : vector<16xf32>
        %add3A_841 = arith.constant 2 : i32
        %add3A_842 = arith.addi %mul3A_439, %add3A_841 : i32
        %get3A_843 = arith.index_cast %add3A_842 : i32 to index
        %get3A_844 = arith.constant 112 : index
        %get3A_845 = tpu.vector_load %arg12[%get3A_843, %get3A_844] {strides = array<i32>} : memref<200x128xf32, #tpu.memory_space<vmem>>, vector<1x16xf32>,
        %get3A_846 = vector.shape_cast %get3A_845 : vector<1x16xf32> to vector<16xf32>
        %add3A_847 = arith.addf %add3A_840, %get3A_846 : vector<16xf32>
        %add3A_848 = arith.constant 3 : i32
        %add3A_849 = arith.addi %mul3A_439, %add3A_848 : i32
        %get3A_850 = arith.index_cast %add3A_849 : i32 to index
        %get3A_851 = arith.constant 112 : index
        %get3A_852 = tpu.vector_load %arg12[%get3A_850, %get3A_851] {strides = array<i32>} : memref<200x128xf32, #tpu.memory_space<vmem>>, vector<1x16xf32>,
        %get3A_853 = vector.shape_cast %get3A_852 : vector<1x16xf32> to vector<16xf32>
        %add3A_854 = arith.addf %add3A_847, %get3A_853 : vector<16xf32>
        %get3A_855 = arith.index_cast %mul3A_439 : i32 to index
        %get3A_856 = arith.constant 112 : index
        %get3A_857 = tpu.vector_load %arg14[%get3A_855, %get3A_856] {strides = array<i32>} : memref<200x128xf32, #tpu.memory_space<vmem>>, vector<1x16xf32>,
        %get3A_858 = vector.shape_cast %get3A_857 : vector<1x16xf32> to vector<16xf32>
        %add3A_859 = arith.addf %add3A_854, %get3A_858 : vector<16xf32>
        %add3A_860 = arith.constant 1 : i32
        %add3A_861 = arith.addi %mul3A_439, %add3A_860 : i32
        %get3A_862 = arith.index_cast %add3A_861 : i32 to index
        %get3A_863 = arith.constant 112 : index
        %get3A_864 = tpu.vector_load %arg14[%get3A_862, %get3A_863] {strides = array<i32>} : memref<200x128xf32, #tpu.memory_space<vmem>>, vector<1x16xf32>,
        %get3A_865 = vector.shape_cast %get3A_864 : vector<1x16xf32> to vector<16xf32>
        %add3A_866 = arith.addf %add3A_859, %get3A_865 : vector<16xf32>
        %add3A_867 = arith.constant 2 : i32
        %add3A_868 = arith.addi %mul3A_439, %add3A_867 : i32
        %get3A_869 = arith.index_cast %add3A_868 : i32 to index
        %get3A_870 = arith.constant 112 : index
        %get3A_871 = tpu.vector_load %arg14[%get3A_869, %get3A_870] {strides = array<i32>} : memref<200x128xf32, #tpu.memory_space<vmem>>, vector<1x16xf32>,
        %get3A_872 = vector.shape_cast %get3A_871 : vector<1x16xf32> to vector<16xf32>
        %add3A_873 = arith.addf %add3A_866, %get3A_872 : vector<16xf32>
        %add3A_874 = arith.constant 3 : i32
        %add3A_875 = arith.addi %mul3A_439, %add3A_874 : i32
        %get3A_876 = arith.index_cast %add3A_875 : i32 to index
        %get3A_877 = arith.constant 112 : index
        %get3A_878 = tpu.vector_load %arg14[%get3A_876, %get3A_877] {strides = array<i32>} : memref<200x128xf32, #tpu.memory_space<vmem>>, vector<1x16xf32>,
        %get3A_879 = vector.shape_cast %get3A_878 : vector<1x16xf32> to vector<16xf32>
        %add3A_880 = arith.addf %add3A_873, %get3A_879 : vector<16xf32>
        %swap3A_881 = arith.index_cast %scan3A_437 : i32 to index
        %swap3A_882 = arith.constant 112 : index
        %swap3A_883 = tpu.vector_load %arg16[%swap3A_881, %swap3A_882] {strides = array<i32>} : memref<50x128xf32, #tpu.memory_space<vmem>>, vector<1x16xf32>,
        %swap3A_884 = vector.shape_cast %swap3A_883 : vector<1x16xf32> to vector<16xf32>
        %swap3A_885 = vector.shape_cast %add3A_880 : vector<16xf32> to vector<1x16xf32>
        tpu.vector_store %arg16[%swap3A_881, %swap3A_882], %swap3A_885 {strides = array<i32>} : memref<50x128xf32, #tpu.memory_space<vmem>>, vector<1x16xf32>,
      }
      %scan3A_427 = arith.constant 50 : i32
      %add3A_428 = arith.addi %mul3A_2, %add3A_336 : i32
      %dma_start3A_429 = arith.constant 0 : i32
      %dma_start3A_430 = arith.constant 0 : i32
      %dma_start3A_431 = tpu.memref_slice %arg6[%add3A_428, %dma_start3A_429, %dma_start3A_430] : memref<4096x50x128xf32, #tpu.memory_space<hbm>> -> memref<1x50x128xf32, #tpu.memory_space<hbm>>
      %dma_start3A_432 = tpu.memref_squeeze %dma_start3A_431 : memref<1x50x128xf32, #tpu.memory_space<hbm>> -> memref<50x128xf32, #tpu.memory_space<hbm>>
      %dma_start3A_433 = arith.constant 0 : i32
      %dma_start3A_434 = arith.constant 0 : i32
      %dma_start3A_435 = tpu.memref_slice %arg6[%add3A_428, %dma_start3A_433, %dma_start3A_434] : memref<4096x50x128xf32, #tpu.memory_space<hbm>> -> memref<1x50x128xf32, #tpu.memory_space<hbm>>
      %dma_start3A_436 = tpu.memref_squeeze %dma_start3A_435 : memref<1x50x128xf32, #tpu.memory_space<hbm>> -> memref<50x128xf32, #tpu.memory_space<hbm>>
      tpu.enqueue_dma source(%arg16 : memref<50x128xf32, #tpu.memory_space<vmem>>) target(%dma_start3A_436 : memref<50x128xf32, #tpu.memory_space<hbm>>) target_semaphore(%arg22 : memref<!tpu.dma_semaphore, #tpu.memory_space<semaphore_mem>>)
    }
    %scan3A_62 = arith.constant 63 : i32
    %dma_wait3A_63 = arith.constant 0 : i32
    %dma_wait3A_64 = tpu.memref_slice %arg2[%dma_wait3A_63] : memref<819200xi32, #tpu.memory_space<hbm>> -> memref<200xi32, #tpu.memory_space<hbm>>
    %dma_wait3A_65 = arith.constant 0 : i32
    %dma_wait3A_66 = tpu.memref_slice %arg2[%dma_wait3A_65] : memref<819200xi32, #tpu.memory_space<hbm>> -> memref<200xi32, #tpu.memory_space<hbm>>
    tpu.wait_dma2 semaphore(%arg18 : memref<!tpu.dma_semaphore, #tpu.memory_space<semaphore_mem>>) src(%dma_wait3A_66 : memref<200xi32, #tpu.memory_space<hbm>>) dst(%arg8 : memref<200xi32, #tpu.memory_space<vmem>>)
    %dma_wait3A_67 = arith.constant 0 : i32
    %dma_wait3A_68 = tpu.memref_slice %arg3[%dma_wait3A_67] : memref<819200xi32, #tpu.memory_space<hbm>> -> memref<200xi32, #tpu.memory_space<hbm>>
    %dma_wait3A_69 = arith.constant 0 : i32
    %dma_wait3A_70 = tpu.memref_slice %arg3[%dma_wait3A_69] : memref<819200xi32, #tpu.memory_space<hbm>> -> memref<200xi32, #tpu.memory_space<hbm>>
    tpu.wait_dma2 semaphore(%arg18 : memref<!tpu.dma_semaphore, #tpu.memory_space<semaphore_mem>>) src(%dma_wait3A_70 : memref<200xi32, #tpu.memory_space<hbm>>) dst(%arg10 : memref<200xi32, #tpu.memory_space<vmem>>)
    %dma_start3A_71 = arith.constant 0 : i32
    %dma_start3A_72 = arith.constant 0 : i32
    %dma_start3A_73 = tpu.memref_slice %arg12[%dma_start3A_71, %dma_start3A_72] : memref<200x128xf32, #tpu.memory_space<vmem>> -> memref<128x128xf32, #tpu.memory_space<vmem>>
    %dma_start3A_74 = arith.constant 0 : i32
    %dma_start3A_75 = tpu.memref_slice %arg8[%dma_start3A_74] : memref<200xi32, #tpu.memory_space<vmem>> -> memref<128xi32, #tpu.memory_space<vmem>>
    %dma_start3A_76 = arith.constant 0 : i32
    %dma_start3A_77 = arith.constant 0 : i32
    %dma_start3A_78 = tpu.memref_slice %arg4[%dma_start3A_76, %dma_start3A_77] : memref<100002x128xf32, #tpu.memory_space<hbm>> -> memref<100002x128xf32, #tpu.memory_space<hbm>>
    tpu.enqueue_indirect_dma source(%dma_start3A_78 : memref<100002x128xf32, #tpu.memory_space<hbm>>) target(%dma_start3A_73 : memref<128x128xf32, #tpu.memory_space<vmem>>) offsets(%dma_start3A_75 : memref<128xi32, #tpu.memory_space<vmem>>) semaphore(%arg20 : memref<!tpu.dma_semaphore, #tpu.memory_space<semaphore_mem>>)
    %dma_start3A_79 = arith.constant 128 : i32
    %dma_start3A_80 = arith.constant 0 : i32
    %dma_start3A_81 = tpu.memref_slice %arg12[%dma_start3A_79, %dma_start3A_80] : memref<200x128xf32, #tpu.memory_space<vmem>> -> memref<72x128xf32, #tpu.memory_space<vmem>>
    %dma_start3A_82 = arith.constant 128 : i32
    %dma_start3A_83 = tpu.memref_slice %arg8[%dma_start3A_82] : memref<200xi32, #tpu.memory_space<vmem>> -> memref<72xi32, #tpu.memory_space<vmem>>
    %dma_start3A_84 = arith.constant 0 : i32
    %dma_start3A_85 = arith.constant 0 : i32
    %dma_start3A_86 = tpu.memref_slice %arg4[%dma_start3A_84, %dma_start3A_85] : memref<100002x128xf32, #tpu.memory_space<hbm>> -> memref<100002x128xf32, #tpu.memory_space<hbm>>
    tpu.enqueue_indirect_dma source(%dma_start3A_86 : memref<100002x128xf32, #tpu.memory_space<hbm>>) target(%dma_start3A_81 : memref<72x128xf32, #tpu.memory_space<vmem>>) offsets(%dma_start3A_83 : memref<72xi32, #tpu.memory_space<vmem>>) semaphore(%arg20 : memref<!tpu.dma_semaphore, #tpu.memory_space<semaphore_mem>>)
    %dma_start3A_87 = arith.constant 0 : i32
    %dma_start3A_88 = arith.constant 0 : i32
    %dma_start3A_89 = tpu.memref_slice %arg14[%dma_start3A_87, %dma_start3A_88] : memref<200x128xf32, #tpu.memory_space<vmem>> -> memref<128x128xf32, #tpu.memory_space<vmem>>
    %dma_start3A_90 = arith.constant 0 : i32
    %dma_start3A_91 = tpu.memref_slice %arg10[%dma_start3A_90] : memref<200xi32, #tpu.memory_space<vmem>> -> memref<128xi32, #tpu.memory_space<vmem>>
    %dma_start3A_92 = arith.constant 0 : i32
    %dma_start3A_93 = arith.constant 0 : i32
    %dma_start3A_94 = tpu.memref_slice %arg5[%dma_start3A_92, %dma_start3A_93] : memref<100002x128xf32, #tpu.memory_space<hbm>> -> memref<100002x128xf32, #tpu.memory_space<hbm>>
    tpu.enqueue_indirect_dma source(%dma_start3A_94 : memref<100002x128xf32, #tpu.memory_space<hbm>>) target(%dma_start3A_89 : memref<128x128xf32, #tpu.memory_space<vmem>>) offsets(%dma_start3A_91 : memref<128xi32, #tpu.memory_space<vmem>>) semaphore(%arg20 : memref<!tpu.dma_semaphore, #tpu.memory_space<semaphore_mem>>)
    %dma_start3A_95 = arith.constant 128 : i32
    %dma_start3A_96 = arith.constant 0 : i32
    %dma_start3A_97 = tpu.memref_slice %arg14[%dma_start3A_95, %dma_start3A_96] : memref<200x128xf32, #tpu.memory_space<vmem>> -> memref<72x128xf32, #tpu.memory_space<vmem>>
    %dma_start3A_98 = arith.constant 128 : i32
    %dma_start3A_99 = tpu.memref_slice %arg10[%dma_start3A_98] : memref<200xi32, #tpu.memory_space<vmem>> -> memref<72xi32, #tpu.memory_space<vmem>>
    %dma_start3A_100 = arith.constant 0 : i32
    %dma_start3A_101 = arith.constant 0 : i32
    %dma_start3A_102 = tpu.memref_slice %arg5[%dma_start3A_100, %dma_start3A_101] : memref<100002x128xf32, #tpu.memory_space<hbm>> -> memref<100002x128xf32, #tpu.memory_space<hbm>>
    tpu.enqueue_indirect_dma source(%dma_start3A_102 : memref<100002x128xf32, #tpu.memory_space<hbm>>) target(%dma_start3A_97 : memref<72x128xf32, #tpu.memory_space<vmem>>) offsets(%dma_start3A_99 : memref<72xi32, #tpu.memory_space<vmem>>) semaphore(%arg20 : memref<!tpu.dma_semaphore, #tpu.memory_space<semaphore_mem>>)
    %dma_wait3A_103 = arith.constant 0 : i32
    %dma_wait3A_104 = arith.constant 0 : i32
    %dma_wait3A_105 = tpu.memref_slice %arg11[%dma_wait3A_103, %dma_wait3A_104] : memref<200x128xf32, #tpu.memory_space<vmem>> -> memref<128x128xf32, #tpu.memory_space<vmem>>
    %dma_wait3A_106 = arith.constant 0 : i32
    %dma_wait3A_107 = tpu.memref_slice %arg7[%dma_wait3A_106] : memref<200xi32, #tpu.memory_space<vmem>> -> memref<128xi32, #tpu.memory_space<vmem>>
    %dma_wait3A_108 = arith.constant 0 : i32
    %dma_wait3A_109 = arith.constant 0 : i32
    %dma_wait3A_110 = tpu.memref_slice %arg4[%dma_wait3A_108, %dma_wait3A_109] : memref<100002x128xf32, #tpu.memory_space<hbm>> -> memref<100002x128xf32, #tpu.memory_space<hbm>>
    tpu.wait_indirect_dma semaphore(%arg19 : memref<!tpu.dma_semaphore, #tpu.memory_space<semaphore_mem>>) src(%dma_wait3A_110 : memref<100002x128xf32, #tpu.memory_space<hbm>>) dst(%dma_wait3A_105 : memref<128x128xf32, #tpu.memory_space<vmem>>)
    %dma_wait3A_111 = arith.constant 128 : i32
    %dma_wait3A_112 = arith.constant 0 : i32
    %dma_wait3A_113 = tpu.memref_slice %arg11[%dma_wait3A_111, %dma_wait3A_112] : memref<200x128xf32, #tpu.memory_space<vmem>> -> memref<72x128xf32, #tpu.memory_space<vmem>>
    %dma_wait3A_114 = arith.constant 128 : i32
    %dma_wait3A_115 = tpu.memref_slice %arg7[%dma_wait3A_114] : memref<200xi32, #tpu.memory_space<vmem>> -> memref<72xi32, #tpu.memory_space<vmem>>
    %dma_wait3A_116 = arith.constant 0 : i32
    %dma_wait3A_117 = arith.constant 0 : i32
    %dma_wait3A_118 = tpu.memref_slice %arg4[%dma_wait3A_116, %dma_wait3A_117] : memref<100002x128xf32, #tpu.memory_space<hbm>> -> memref<100002x128xf32, #tpu.memory_space<hbm>>
    tpu.wait_indirect_dma semaphore(%arg19 : memref<!tpu.dma_semaphore, #tpu.memory_space<semaphore_mem>>) src(%dma_wait3A_118 : memref<100002x128xf32, #tpu.memory_space<hbm>>) dst(%dma_wait3A_113 : memref<72x128xf32, #tpu.memory_space<vmem>>)
    %dma_wait3A_119 = arith.constant 0 : i32
    %dma_wait3A_120 = arith.constant 0 : i32
    %dma_wait3A_121 = tpu.memref_slice %arg13[%dma_wait3A_119, %dma_wait3A_120] : memref<200x128xf32, #tpu.memory_space<vmem>> -> memref<128x128xf32, #tpu.memory_space<vmem>>
    %dma_wait3A_122 = arith.constant 0 : i32
    %dma_wait3A_123 = tpu.memref_slice %arg9[%dma_wait3A_122] : memref<200xi32, #tpu.memory_space<vmem>> -> memref<128xi32, #tpu.memory_space<vmem>>
    %dma_wait3A_124 = arith.constant 0 : i32
    %dma_wait3A_125 = arith.constant 0 : i32
    %dma_wait3A_126 = tpu.memref_slice %arg5[%dma_wait3A_124, %dma_wait3A_125] : memref<100002x128xf32, #tpu.memory_space<hbm>> -> memref<100002x128xf32, #tpu.memory_space<hbm>>
    tpu.wait_indirect_dma semaphore(%arg19 : memref<!tpu.dma_semaphore, #tpu.memory_space<semaphore_mem>>) src(%dma_wait3A_126 : memref<100002x128xf32, #tpu.memory_space<hbm>>) dst(%dma_wait3A_121 : memref<128x128xf32, #tpu.memory_space<vmem>>)
    %dma_wait3A_127 = arith.constant 128 : i32
    %dma_wait3A_128 = arith.constant 0 : i32
    %dma_wait3A_129 = tpu.memref_slice %arg13[%dma_wait3A_127, %dma_wait3A_128] : memref<200x128xf32, #tpu.memory_space<vmem>> -> memref<72x128xf32, #tpu.memory_space<vmem>>
    %dma_wait3A_130 = arith.constant 128 : i32
    %dma_wait3A_131 = tpu.memref_slice %arg9[%dma_wait3A_130] : memref<200xi32, #tpu.memory_space<vmem>> -> memref<72xi32, #tpu.memory_space<vmem>>
    %dma_wait3A_132 = arith.constant 0 : i32
    %dma_wait3A_133 = arith.constant 0 : i32
    %dma_wait3A_134 = tpu.memref_slice %arg5[%dma_wait3A_132, %dma_wait3A_133] : memref<100002x128xf32, #tpu.memory_space<hbm>> -> memref<100002x128xf32, #tpu.memory_space<hbm>>
    tpu.wait_indirect_dma semaphore(%arg19 : memref<!tpu.dma_semaphore, #tpu.memory_space<semaphore_mem>>) src(%dma_wait3A_134 : memref<100002x128xf32, #tpu.memory_space<hbm>>) dst(%dma_wait3A_129 : memref<72x128xf32, #tpu.memory_space<vmem>>)
    %dma_wait3A_135 = arith.constant 0 : i32
    %dma_wait3A_136 = arith.constant 0 : i32
    %dma_wait3A_137 = tpu.memref_slice %arg6[%mul3A_2, %dma_wait3A_135, %dma_wait3A_136] : memref<4096x50x128xf32, #tpu.memory_space<hbm>> -> memref<1x50x128xf32, #tpu.memory_space<hbm>>
    %dma_wait3A_138 = tpu.memref_squeeze %dma_wait3A_137 : memref<1x50x128xf32, #tpu.memory_space<hbm>> -> memref<50x128xf32, #tpu.memory_space<hbm>>
    %dma_wait3A_139 = arith.constant 0 : i32
    %dma_wait3A_140 = arith.constant 0 : i32
    %dma_wait3A_141 = tpu.memref_slice %arg6[%mul3A_2, %dma_wait3A_139, %dma_wait3A_140] : memref<4096x50x128xf32, #tpu.memory_space<hbm>> -> memref<1x50x128xf32, #tpu.memory_space<hbm>>
    %dma_wait3A_142 = tpu.memref_squeeze %dma_wait3A_141 : memref<1x50x128xf32, #tpu.memory_space<hbm>> -> memref<50x128xf32, #tpu.memory_space<hbm>>
    tpu.wait_dma2 semaphore(%arg21 : memref<!tpu.dma_semaphore, #tpu.memory_space<semaphore_mem>>) src(%arg15 : memref<50x128xf32, #tpu.memory_space<vmem>>) dst(%dma_wait3A_142 : memref<50x128xf32, #tpu.memory_space<hbm>>)
    %scan3A_143 = arith.constant 0 : i32
    %scan3A_144 = arith.constant 0 : i32
    %scan3A_145 = arith.constant 50 : i32
    %scan3A_146 = arith.addi %scan3A_144, %scan3A_145 : i32
    %scan3A_147 = arith.constant 1 : i32
    scf.for %scan3A_231 = %scan3A_144 to %scan3A_146 step %scan3A_147  : i32 {
      %mul3A_232 = arith.constant 4 : i32
      %mul3A_233 = arith.muli %scan3A_231, %mul3A_232 : i32
      %get3A = arith.index_cast %mul3A_233 : i32 to index
      %get3A_234 = arith.constant 0 : index
      %get3A_235 = tpu.vector_load %arg11[%get3A, %get3A_234] {strides = array<i32>} : memref<200x128xf32, #tpu.memory_space<vmem>>, vector<1x16xf32>,
      %get3A_236 = vector.shape_cast %get3A_235 : vector<1x16xf32> to vector<16xf32>
      %add3A_237 = arith.constant 1 : i32
      %add3A_238 = arith.addi %mul3A_233, %add3A_237 : i32
      %get3A_239 = arith.index_cast %add3A_238 : i32 to index
      %get3A_240 = arith.constant 0 : index
      %get3A_241 = tpu.vector_load %arg11[%get3A_239, %get3A_240] {strides = array<i32>} : memref<200x128xf32, #tpu.memory_space<vmem>>, vector<1x16xf32>,
      %get3A_242 = vector.shape_cast %get3A_241 : vector<1x16xf32> to vector<16xf32>
      %add3A_243 = arith.addf %get3A_236, %get3A_242 : vector<16xf32>
      %add3A_244 = arith.constant 2 : i32
      %add3A_245 = arith.addi %mul3A_233, %add3A_244 : i32
      %get3A_246 = arith.index_cast %add3A_245 : i32 to index
      %get3A_247 = arith.constant 0 : index
      %get3A_248 = tpu.vector_load %arg11[%get3A_246, %get3A_247] {strides = array<i32>} : memref<200x128xf32, #tpu.memory_space<vmem>>, vector<1x16xf32>,
      %get3A_249 = vector.shape_cast %get3A_248 : vector<1x16xf32> to vector<16xf32>
      %add3A_250 = arith.addf %add3A_243, %get3A_249 : vector<16xf32>
      %add3A_251 = arith.constant 3 : i32
      %add3A_252 = arith.addi %mul3A_233, %add3A_251 : i32
      %get3A_253 = arith.index_cast %add3A_252 : i32 to index
      %get3A_254 = arith.constant 0 : index
      %get3A_255 = tpu.vector_load %arg11[%get3A_253, %get3A_254] {strides = array<i32>} : memref<200x128xf32, #tpu.memory_space<vmem>>, vector<1x16xf32>,
      %get3A_256 = vector.shape_cast %get3A_255 : vector<1x16xf32> to vector<16xf32>
      %add3A_257 = arith.addf %add3A_250, %get3A_256 : vector<16xf32>
      %get3A_258 = arith.index_cast %mul3A_233 : i32 to index
      %get3A_259 = arith.constant 0 : index
      %get3A_260 = tpu.vector_load %arg13[%get3A_258, %get3A_259] {strides = array<i32>} : memref<200x128xf32, #tpu.memory_space<vmem>>, vector<1x16xf32>,
      %get3A_261 = vector.shape_cast %get3A_260 : vector<1x16xf32> to vector<16xf32>
      %add3A_262 = arith.addf %add3A_257, %get3A_261 : vector<16xf32>
      %add3A_263 = arith.constant 1 : i32
      %add3A_264 = arith.addi %mul3A_233, %add3A_263 : i32
      %get3A_265 = arith.index_cast %add3A_264 : i32 to index
      %get3A_266 = arith.constant 0 : index
      %get3A_267 = tpu.vector_load %arg13[%get3A_265, %get3A_266] {strides = array<i32>} : memref<200x128xf32, #tpu.memory_space<vmem>>, vector<1x16xf32>,
      %get3A_268 = vector.shape_cast %get3A_267 : vector<1x16xf32> to vector<16xf32>
      %add3A_269 = arith.addf %add3A_262, %get3A_268 : vector<16xf32>
      %add3A_270 = arith.constant 2 : i32
      %add3A_271 = arith.addi %mul3A_233, %add3A_270 : i32
      %get3A_272 = arith.index_cast %add3A_271 : i32 to index
      %get3A_273 = arith.constant 0 : index
      %get3A_274 = tpu.vector_load %arg13[%get3A_272, %get3A_273] {strides = array<i32>} : memref<200x128xf32, #tpu.memory_space<vmem>>, vector<1x16xf32>,
      %get3A_275 = vector.shape_cast %get3A_274 : vector<1x16xf32> to vector<16xf32>
      %add3A_276 = arith.addf %add3A_269, %get3A_275 : vector<16xf32>
      %add3A_277 = arith.constant 3 : i32
      %add3A_278 = arith.addi %mul3A_233, %add3A_277 : i32
      %get3A_279 = arith.index_cast %add3A_278 : i32 to index
      %get3A_280 = arith.constant 0 : index
      %get3A_281 = tpu.vector_load %arg13[%get3A_279, %get3A_280] {strides = array<i32>} : memref<200x128xf32, #tpu.memory_space<vmem>>, vector<1x16xf32>,
      %get3A_282 = vector.shape_cast %get3A_281 : vector<1x16xf32> to vector<16xf32>
      %add3A_283 = arith.addf %add3A_276, %get3A_282 : vector<16xf32>
      %swap3A = arith.index_cast %scan3A_231 : i32 to index
      %swap3A_284 = arith.constant 0 : index
      %swap3A_285 = tpu.vector_load %arg15[%swap3A, %swap3A_284] {strides = array<i32>} : memref<50x128xf32, #tpu.memory_space<vmem>>, vector<1x16xf32>,
      %swap3A_286 = vector.shape_cast %swap3A_285 : vector<1x16xf32> to vector<16xf32>
      %swap3A_287 = vector.shape_cast %add3A_283 : vector<16xf32> to vector<1x16xf32>
      tpu.vector_store %arg15[%swap3A, %swap3A_284], %swap3A_287 {strides = array<i32>} : memref<50x128xf32, #tpu.memory_space<vmem>>, vector<1x16xf32>,
      %get3A_288 = arith.index_cast %mul3A_233 : i32 to index
      %get3A_289 = arith.constant 16 : index
      %get3A_290 = tpu.vector_load %arg11[%get3A_288, %get3A_289] {strides = array<i32>} : memref<200x128xf32, #tpu.memory_space<vmem>>, vector<1x16xf32>,
      %get3A_291 = vector.shape_cast %get3A_290 : vector<1x16xf32> to vector<16xf32>
      %add3A_292 = arith.constant 1 : i32
      %add3A_293 = arith.addi %mul3A_233, %add3A_292 : i32
      %get3A_294 = arith.index_cast %add3A_293 : i32 to index
      %get3A_295 = arith.constant 16 : index
      %get3A_296 = tpu.vector_load %arg11[%get3A_294, %get3A_295] {strides = array<i32>} : memref<200x128xf32, #tpu.memory_space<vmem>>, vector<1x16xf32>,
      %get3A_297 = vector.shape_cast %get3A_296 : vector<1x16xf32> to vector<16xf32>
      %add3A_298 = arith.addf %get3A_291, %get3A_297 : vector<16xf32>
      %add3A_299 = arith.constant 2 : i32
      %add3A_300 = arith.addi %mul3A_233, %add3A_299 : i32
      %get3A_301 = arith.index_cast %add3A_300 : i32 to index
      %get3A_302 = arith.constant 16 : index
      %get3A_303 = tpu.vector_load %arg11[%get3A_301, %get3A_302] {strides = array<i32>} : memref<200x128xf32, #tpu.memory_space<vmem>>, vector<1x16xf32>,
      %get3A_304 = vector.shape_cast %get3A_303 : vector<1x16xf32> to vector<16xf32>
      %add3A_305 = arith.addf %add3A_298, %get3A_304 : vector<16xf32>
      %add3A_306 = arith.constant 3 : i32
      %add3A_307 = arith.addi %mul3A_233, %add3A_306 : i32
      %get3A_308 = arith.index_cast %add3A_307 : i32 to index
      %get3A_309 = arith.constant 16 : index
      %get3A_310 = tpu.vector_load %arg11[%get3A_308, %get3A_309] {strides = array<i32>} : memref<200x128xf32, #tpu.memory_space<vmem>>, vector<1x16xf32>,
      %get3A_311 = vector.shape_cast %get3A_310 : vector<1x16xf32> to vector<16xf32>
      %add3A_312 = arith.addf %add3A_305, %get3A_311 : vector<16xf32>
      %get3A_313 = arith.index_cast %mul3A_233 : i32 to index
      %get3A_314 = arith.constant 16 : index
      %get3A_315 = tpu.vector_load %arg13[%get3A_313, %get3A_314] {strides = array<i32>} : memref<200x128xf32, #tpu.memory_space<vmem>>, vector<1x16xf32>,
      %get3A_316 = vector.shape_cast %get3A_315 : vector<1x16xf32> to vector<16xf32>
      %add3A_317 = arith.addf %add3A_312, %get3A_316 : vector<16xf32>
      %add3A_318 = arith.constant 1 : i32
      %add3A_319 = arith.addi %mul3A_233, %add3A_318 : i32
      %get3A_320 = arith.index_cast %add3A_319 : i32 to index
      %get3A_321 = arith.constant 16 : index
      %get3A_322 = tpu.vector_load %arg13[%get3A_320, %get3A_321] {strides = array<i32>} : memref<200x128xf32, #tpu.memory_space<vmem>>, vector<1x16xf32>,
      %get3A_323 = vector.shape_cast %get3A_322 : vector<1x16xf32> to vector<16xf32>
      %add3A_324 = arith.addf %add3A_317, %get3A_323 : vector<16xf32>
      %add3A_325 = arith.constant 2 : i32
      %add3A_326 = arith.addi %mul3A_233, %add3A_325 : i32
      %get3A_327 = arith.index_cast %add3A_326 : i32 to index
      %get3A_328 = arith.constant 16 : index
      %get3A_329 = tpu.vector_load %arg13[%get3A_327, %get3A_328] {strides = array<i32>} : memref<200x128xf32, #tpu.memory_space<vmem>>, vector<1x16xf32>,
      %get3A_330 = vector.shape_cast %get3A_329 : vector<1x16xf32> to vector<16xf32>
      %add3A_331 = arith.addf %add3A_324, %get3A_330 : vector<16xf32>
      %add3A_332 = arith.constant 3 : i32
      %add3A_333 = arith.addi %mul3A_233, %add3A_332 : i32
      %get3A_334 = arith.index_cast %add3A_333 : i32 to index
      %get3A_335 = arith.constant 16 : index
      %get3A_336 = tpu.vector_load %arg13[%get3A_334, %get3A_335] {strides = array<i32>} : memref<200x128xf32, #tpu.memory_space<vmem>>, vector<1x16xf32>,
      %get3A_337 = vector.shape_cast %get3A_336 : vector<1x16xf32> to vector<16xf32>
      %add3A_338 = arith.addf %add3A_331, %get3A_337 : vector<16xf32>
      %swap3A_339 = arith.index_cast %scan3A_231 : i32 to index
      %swap3A_340 = arith.constant 16 : index
      %swap3A_341 = tpu.vector_load %arg15[%swap3A_339, %swap3A_340] {strides = array<i32>} : memref<50x128xf32, #tpu.memory_space<vmem>>, vector<1x16xf32>,
      %swap3A_342 = vector.shape_cast %swap3A_341 : vector<1x16xf32> to vector<16xf32>
      %swap3A_343 = vector.shape_cast %add3A_338 : vector<16xf32> to vector<1x16xf32>
      tpu.vector_store %arg15[%swap3A_339, %swap3A_340], %swap3A_343 {strides = array<i32>} : memref<50x128xf32, #tpu.memory_space<vmem>>, vector<1x16xf32>,
      %get3A_344 = arith.index_cast %mul3A_233 : i32 to index
      %get3A_345 = arith.constant 32 : index
      %get3A_346 = tpu.vector_load %arg11[%get3A_344, %get3A_345] {strides = array<i32>} : memref<200x128xf32, #tpu.memory_space<vmem>>, vector<1x16xf32>,
      %get3A_347 = vector.shape_cast %get3A_346 : vector<1x16xf32> to vector<16xf32>
      %add3A_348 = arith.constant 1 : i32
      %add3A_349 = arith.addi %mul3A_233, %add3A_348 : i32
      %get3A_350 = arith.index_cast %add3A_349 : i32 to index
      %get3A_351 = arith.constant 32 : index
      %get3A_352 = tpu.vector_load %arg11[%get3A_350, %get3A_351] {strides = array<i32>} : memref<200x128xf32, #tpu.memory_space<vmem>>, vector<1x16xf32>,
      %get3A_353 = vector.shape_cast %get3A_352 : vector<1x16xf32> to vector<16xf32>
      %add3A_354 = arith.addf %get3A_347, %get3A_353 : vector<16xf32>
      %add3A_355 = arith.constant 2 : i32
      %add3A_356 = arith.addi %mul3A_233, %add3A_355 : i32
      %get3A_357 = arith.index_cast %add3A_356 : i32 to index
      %get3A_358 = arith.constant 32 : index
      %get3A_359 = tpu.vector_load %arg11[%get3A_357, %get3A_358] {strides = array<i32>} : memref<200x128xf32, #tpu.memory_space<vmem>>, vector<1x16xf32>,
      %get3A_360 = vector.shape_cast %get3A_359 : vector<1x16xf32> to vector<16xf32>
      %add3A_361 = arith.addf %add3A_354, %get3A_360 : vector<16xf32>
      %add3A_362 = arith.constant 3 : i32
      %add3A_363 = arith.addi %mul3A_233, %add3A_362 : i32
      %get3A_364 = arith.index_cast %add3A_363 : i32 to index
      %get3A_365 = arith.constant 32 : index
      %get3A_366 = tpu.vector_load %arg11[%get3A_364, %get3A_365] {strides = array<i32>} : memref<200x128xf32, #tpu.memory_space<vmem>>, vector<1x16xf32>,
      %get3A_367 = vector.shape_cast %get3A_366 : vector<1x16xf32> to vector<16xf32>
      %add3A_368 = arith.addf %add3A_361, %get3A_367 : vector<16xf32>
      %get3A_369 = arith.index_cast %mul3A_233 : i32 to index
      %get3A_370 = arith.constant 32 : index
      %get3A_371 = tpu.vector_load %arg13[%get3A_369, %get3A_370] {strides = array<i32>} : memref<200x128xf32, #tpu.memory_space<vmem>>, vector<1x16xf32>,
      %get3A_372 = vector.shape_cast %get3A_371 : vector<1x16xf32> to vector<16xf32>
      %add3A_373 = arith.addf %add3A_368, %get3A_372 : vector<16xf32>
      %add3A_374 = arith.constant 1 : i32
      %add3A_375 = arith.addi %mul3A_233, %add3A_374 : i32
      %get3A_376 = arith.index_cast %add3A_375 : i32 to index
      %get3A_377 = arith.constant 32 : index
      %get3A_378 = tpu.vector_load %arg13[%get3A_376, %get3A_377] {strides = array<i32>} : memref<200x128xf32, #tpu.memory_space<vmem>>, vector<1x16xf32>,
      %get3A_379 = vector.shape_cast %get3A_378 : vector<1x16xf32> to vector<16xf32>
      %add3A_380 = arith.addf %add3A_373, %get3A_379 : vector<16xf32>
      %add3A_381 = arith.constant 2 : i32
      %add3A_382 = arith.addi %mul3A_233, %add3A_381 : i32
      %get3A_383 = arith.index_cast %add3A_382 : i32 to index
      %get3A_384 = arith.constant 32 : index
      %get3A_385 = tpu.vector_load %arg13[%get3A_383, %get3A_384] {strides = array<i32>} : memref<200x128xf32, #tpu.memory_space<vmem>>, vector<1x16xf32>,
      %get3A_386 = vector.shape_cast %get3A_385 : vector<1x16xf32> to vector<16xf32>
      %add3A_387 = arith.addf %add3A_380, %get3A_386 : vector<16xf32>
      %add3A_388 = arith.constant 3 : i32
      %add3A_389 = arith.addi %mul3A_233, %add3A_388 : i32
      %get3A_390 = arith.index_cast %add3A_389 : i32 to index
      %get3A_391 = arith.constant 32 : index
      %get3A_392 = tpu.vector_load %arg13[%get3A_390, %get3A_391] {strides = array<i32>} : memref<200x128xf32, #tpu.memory_space<vmem>>, vector<1x16xf32>,
      %get3A_393 = vector.shape_cast %get3A_392 : vector<1x16xf32> to vector<16xf32>
      %add3A_394 = arith.addf %add3A_387, %get3A_393 : vector<16xf32>
      %swap3A_395 = arith.index_cast %scan3A_231 : i32 to index
      %swap3A_396 = arith.constant 32 : index
      %swap3A_397 = tpu.vector_load %arg15[%swap3A_395, %swap3A_396] {strides = array<i32>} : memref<50x128xf32, #tpu.memory_space<vmem>>, vector<1x16xf32>,
      %swap3A_398 = vector.shape_cast %swap3A_397 : vector<1x16xf32> to vector<16xf32>
      %swap3A_399 = vector.shape_cast %add3A_394 : vector<16xf32> to vector<1x16xf32>
      tpu.vector_store %arg15[%swap3A_395, %swap3A_396], %swap3A_399 {strides = array<i32>} : memref<50x128xf32, #tpu.memory_space<vmem>>, vector<1x16xf32>,
      %get3A_400 = arith.index_cast %mul3A_233 : i32 to index
      %get3A_401 = arith.constant 48 : index
      %get3A_402 = tpu.vector_load %arg11[%get3A_400, %get3A_401] {strides = array<i32>} : memref<200x128xf32, #tpu.memory_space<vmem>>, vector<1x16xf32>,
      %get3A_403 = vector.shape_cast %get3A_402 : vector<1x16xf32> to vector<16xf32>
      %add3A_404 = arith.constant 1 : i32
      %add3A_405 = arith.addi %mul3A_233, %add3A_404 : i32
      %get3A_406 = arith.index_cast %add3A_405 : i32 to index
      %get3A_407 = arith.constant 48 : index
      %get3A_408 = tpu.vector_load %arg11[%get3A_406, %get3A_407] {strides = array<i32>} : memref<200x128xf32, #tpu.memory_space<vmem>>, vector<1x16xf32>,
      %get3A_409 = vector.shape_cast %get3A_408 : vector<1x16xf32> to vector<16xf32>
      %add3A_410 = arith.addf %get3A_403, %get3A_409 : vector<16xf32>
      %add3A_411 = arith.constant 2 : i32
      %add3A_412 = arith.addi %mul3A_233, %add3A_411 : i32
      %get3A_413 = arith.index_cast %add3A_412 : i32 to index
      %get3A_414 = arith.constant 48 : index
      %get3A_415 = tpu.vector_load %arg11[%get3A_413, %get3A_414] {strides = array<i32>} : memref<200x128xf32, #tpu.memory_space<vmem>>, vector<1x16xf32>,
      %get3A_416 = vector.shape_cast %get3A_415 : vector<1x16xf32> to vector<16xf32>
      %add3A_417 = arith.addf %add3A_410, %get3A_416 : vector<16xf32>
      %add3A_418 = arith.constant 3 : i32
      %add3A_419 = arith.addi %mul3A_233, %add3A_418 : i32
      %get3A_420 = arith.index_cast %add3A_419 : i32 to index
      %get3A_421 = arith.constant 48 : index
      %get3A_422 = tpu.vector_load %arg11[%get3A_420, %get3A_421] {strides = array<i32>} : memref<200x128xf32, #tpu.memory_space<vmem>>, vector<1x16xf32>,
      %get3A_423 = vector.shape_cast %get3A_422 : vector<1x16xf32> to vector<16xf32>
      %add3A_424 = arith.addf %add3A_417, %get3A_423 : vector<16xf32>
      %get3A_425 = arith.index_cast %mul3A_233 : i32 to index
      %get3A_426 = arith.constant 48 : index
      %get3A_427 = tpu.vector_load %arg13[%get3A_425, %get3A_426] {strides = array<i32>} : memref<200x128xf32, #tpu.memory_space<vmem>>, vector<1x16xf32>,
      %get3A_428 = vector.shape_cast %get3A_427 : vector<1x16xf32> to vector<16xf32>
      %add3A_429 = arith.addf %add3A_424, %get3A_428 : vector<16xf32>
      %add3A_430 = arith.constant 1 : i32
      %add3A_431 = arith.addi %mul3A_233, %add3A_430 : i32
      %get3A_432 = arith.index_cast %add3A_431 : i32 to index
      %get3A_433 = arith.constant 48 : index
      %get3A_434 = tpu.vector_load %arg13[%get3A_432, %get3A_433] {strides = array<i32>} : memref<200x128xf32, #tpu.memory_space<vmem>>, vector<1x16xf32>,
      %get3A_435 = vector.shape_cast %get3A_434 : vector<1x16xf32> to vector<16xf32>
      %add3A_436 = arith.addf %add3A_429, %get3A_435 : vector<16xf32>
      %add3A_437 = arith.constant 2 : i32
      %add3A_438 = arith.addi %mul3A_233, %add3A_437 : i32
      %get3A_439 = arith.index_cast %add3A_438 : i32 to index
      %get3A_440 = arith.constant 48 : index
      %get3A_441 = tpu.vector_load %arg13[%get3A_439, %get3A_440] {strides = array<i32>} : memref<200x128xf32, #tpu.memory_space<vmem>>, vector<1x16xf32>,
      %get3A_442 = vector.shape_cast %get3A_441 : vector<1x16xf32> to vector<16xf32>
      %add3A_443 = arith.addf %add3A_436, %get3A_442 : vector<16xf32>
      %add3A_444 = arith.constant 3 : i32
      %add3A_445 = arith.addi %mul3A_233, %add3A_444 : i32
      %get3A_446 = arith.index_cast %add3A_445 : i32 to index
      %get3A_447 = arith.constant 48 : index
      %get3A_448 = tpu.vector_load %arg13[%get3A_446, %get3A_447] {strides = array<i32>} : memref<200x128xf32, #tpu.memory_space<vmem>>, vector<1x16xf32>,
      %get3A_449 = vector.shape_cast %get3A_448 : vector<1x16xf32> to vector<16xf32>
      %add3A_450 = arith.addf %add3A_443, %get3A_449 : vector<16xf32>
      %swap3A_451 = arith.index_cast %scan3A_231 : i32 to index
      %swap3A_452 = arith.constant 48 : index
      %swap3A_453 = tpu.vector_load %arg15[%swap3A_451, %swap3A_452] {strides = array<i32>} : memref<50x128xf32, #tpu.memory_space<vmem>>, vector<1x16xf32>,
      %swap3A_454 = vector.shape_cast %swap3A_453 : vector<1x16xf32> to vector<16xf32>
      %swap3A_455 = vector.shape_cast %add3A_450 : vector<16xf32> to vector<1x16xf32>
      tpu.vector_store %arg15[%swap3A_451, %swap3A_452], %swap3A_455 {strides = array<i32>} : memref<50x128xf32, #tpu.memory_space<vmem>>, vector<1x16xf32>,
      %get3A_456 = arith.index_cast %mul3A_233 : i32 to index
      %get3A_457 = arith.constant 64 : index
      %get3A_458 = tpu.vector_load %arg11[%get3A_456, %get3A_457] {strides = array<i32>} : memref<200x128xf32, #tpu.memory_space<vmem>>, vector<1x16xf32>,
      %get3A_459 = vector.shape_cast %get3A_458 : vector<1x16xf32> to vector<16xf32>
      %add3A_460 = arith.constant 1 : i32
      %add3A_461 = arith.addi %mul3A_233, %add3A_460 : i32
      %get3A_462 = arith.index_cast %add3A_461 : i32 to index
      %get3A_463 = arith.constant 64 : index
      %get3A_464 = tpu.vector_load %arg11[%get3A_462, %get3A_463] {strides = array<i32>} : memref<200x128xf32, #tpu.memory_space<vmem>>, vector<1x16xf32>,
      %get3A_465 = vector.shape_cast %get3A_464 : vector<1x16xf32> to vector<16xf32>
      %add3A_466 = arith.addf %get3A_459, %get3A_465 : vector<16xf32>
      %add3A_467 = arith.constant 2 : i32
      %add3A_468 = arith.addi %mul3A_233, %add3A_467 : i32
      %get3A_469 = arith.index_cast %add3A_468 : i32 to index
      %get3A_470 = arith.constant 64 : index
      %get3A_471 = tpu.vector_load %arg11[%get3A_469, %get3A_470] {strides = array<i32>} : memref<200x128xf32, #tpu.memory_space<vmem>>, vector<1x16xf32>,
      %get3A_472 = vector.shape_cast %get3A_471 : vector<1x16xf32> to vector<16xf32>
      %add3A_473 = arith.addf %add3A_466, %get3A_472 : vector<16xf32>
      %add3A_474 = arith.constant 3 : i32
      %add3A_475 = arith.addi %mul3A_233, %add3A_474 : i32
      %get3A_476 = arith.index_cast %add3A_475 : i32 to index
      %get3A_477 = arith.constant 64 : index
      %get3A_478 = tpu.vector_load %arg11[%get3A_476, %get3A_477] {strides = array<i32>} : memref<200x128xf32, #tpu.memory_space<vmem>>, vector<1x16xf32>,
      %get3A_479 = vector.shape_cast %get3A_478 : vector<1x16xf32> to vector<16xf32>
      %add3A_480 = arith.addf %add3A_473, %get3A_479 : vector<16xf32>
      %get3A_481 = arith.index_cast %mul3A_233 : i32 to index
      %get3A_482 = arith.constant 64 : index
      %get3A_483 = tpu.vector_load %arg13[%get3A_481, %get3A_482] {strides = array<i32>} : memref<200x128xf32, #tpu.memory_space<vmem>>, vector<1x16xf32>,
      %get3A_484 = vector.shape_cast %get3A_483 : vector<1x16xf32> to vector<16xf32>
      %add3A_485 = arith.addf %add3A_480, %get3A_484 : vector<16xf32>
      %add3A_486 = arith.constant 1 : i32
      %add3A_487 = arith.addi %mul3A_233, %add3A_486 : i32
      %get3A_488 = arith.index_cast %add3A_487 : i32 to index
      %get3A_489 = arith.constant 64 : index
      %get3A_490 = tpu.vector_load %arg13[%get3A_488, %get3A_489] {strides = array<i32>} : memref<200x128xf32, #tpu.memory_space<vmem>>, vector<1x16xf32>,
      %get3A_491 = vector.shape_cast %get3A_490 : vector<1x16xf32> to vector<16xf32>
      %add3A_492 = arith.addf %add3A_485, %get3A_491 : vector<16xf32>
      %add3A_493 = arith.constant 2 : i32
      %add3A_494 = arith.addi %mul3A_233, %add3A_493 : i32
      %get3A_495 = arith.index_cast %add3A_494 : i32 to index
      %get3A_496 = arith.constant 64 : index
      %get3A_497 = tpu.vector_load %arg13[%get3A_495, %get3A_496] {strides = array<i32>} : memref<200x128xf32, #tpu.memory_space<vmem>>, vector<1x16xf32>,
      %get3A_498 = vector.shape_cast %get3A_497 : vector<1x16xf32> to vector<16xf32>
      %add3A_499 = arith.addf %add3A_492, %get3A_498 : vector<16xf32>
      %add3A_500 = arith.constant 3 : i32
      %add3A_501 = arith.addi %mul3A_233, %add3A_500 : i32
      %get3A_502 = arith.index_cast %add3A_501 : i32 to index
      %get3A_503 = arith.constant 64 : index
      %get3A_504 = tpu.vector_load %arg13[%get3A_502, %get3A_503] {strides = array<i32>} : memref<200x128xf32, #tpu.memory_space<vmem>>, vector<1x16xf32>,
      %get3A_505 = vector.shape_cast %get3A_504 : vector<1x16xf32> to vector<16xf32>
      %add3A_506 = arith.addf %add3A_499, %get3A_505 : vector<16xf32>
      %swap3A_507 = arith.index_cast %scan3A_231 : i32 to index
      %swap3A_508 = arith.constant 64 : index
      %swap3A_509 = tpu.vector_load %arg15[%swap3A_507, %swap3A_508] {strides = array<i32>} : memref<50x128xf32, #tpu.memory_space<vmem>>, vector<1x16xf32>,
      %swap3A_510 = vector.shape_cast %swap3A_509 : vector<1x16xf32> to vector<16xf32>
      %swap3A_511 = vector.shape_cast %add3A_506 : vector<16xf32> to vector<1x16xf32>
      tpu.vector_store %arg15[%swap3A_507, %swap3A_508], %swap3A_511 {strides = array<i32>} : memref<50x128xf32, #tpu.memory_space<vmem>>, vector<1x16xf32>,
      %get3A_512 = arith.index_cast %mul3A_233 : i32 to index
      %get3A_513 = arith.constant 80 : index
      %get3A_514 = tpu.vector_load %arg11[%get3A_512, %get3A_513] {strides = array<i32>} : memref<200x128xf32, #tpu.memory_space<vmem>>, vector<1x16xf32>,
      %get3A_515 = vector.shape_cast %get3A_514 : vector<1x16xf32> to vector<16xf32>
      %add3A_516 = arith.constant 1 : i32
      %add3A_517 = arith.addi %mul3A_233, %add3A_516 : i32
      %get3A_518 = arith.index_cast %add3A_517 : i32 to index
      %get3A_519 = arith.constant 80 : index
      %get3A_520 = tpu.vector_load %arg11[%get3A_518, %get3A_519] {strides = array<i32>} : memref<200x128xf32, #tpu.memory_space<vmem>>, vector<1x16xf32>,
      %get3A_521 = vector.shape_cast %get3A_520 : vector<1x16xf32> to vector<16xf32>
      %add3A_522 = arith.addf %get3A_515, %get3A_521 : vector<16xf32>
      %add3A_523 = arith.constant 2 : i32
      %add3A_524 = arith.addi %mul3A_233, %add3A_523 : i32
      %get3A_525 = arith.index_cast %add3A_524 : i32 to index
      %get3A_526 = arith.constant 80 : index
      %get3A_527 = tpu.vector_load %arg11[%get3A_525, %get3A_526] {strides = array<i32>} : memref<200x128xf32, #tpu.memory_space<vmem>>, vector<1x16xf32>,
      %get3A_528 = vector.shape_cast %get3A_527 : vector<1x16xf32> to vector<16xf32>
      %add3A_529 = arith.addf %add3A_522, %get3A_528 : vector<16xf32>
      %add3A_530 = arith.constant 3 : i32
      %add3A_531 = arith.addi %mul3A_233, %add3A_530 : i32
      %get3A_532 = arith.index_cast %add3A_531 : i32 to index
      %get3A_533 = arith.constant 80 : index
      %get3A_534 = tpu.vector_load %arg11[%get3A_532, %get3A_533] {strides = array<i32>} : memref<200x128xf32, #tpu.memory_space<vmem>>, vector<1x16xf32>,
      %get3A_535 = vector.shape_cast %get3A_534 : vector<1x16xf32> to vector<16xf32>
      %add3A_536 = arith.addf %add3A_529, %get3A_535 : vector<16xf32>
      %get3A_537 = arith.index_cast %mul3A_233 : i32 to index
      %get3A_538 = arith.constant 80 : index
      %get3A_539 = tpu.vector_load %arg13[%get3A_537, %get3A_538] {strides = array<i32>} : memref<200x128xf32, #tpu.memory_space<vmem>>, vector<1x16xf32>,
      %get3A_540 = vector.shape_cast %get3A_539 : vector<1x16xf32> to vector<16xf32>
      %add3A_541 = arith.addf %add3A_536, %get3A_540 : vector<16xf32>
      %add3A_542 = arith.constant 1 : i32
      %add3A_543 = arith.addi %mul3A_233, %add3A_542 : i32
      %get3A_544 = arith.index_cast %add3A_543 : i32 to index
      %get3A_545 = arith.constant 80 : index
      %get3A_546 = tpu.vector_load %arg13[%get3A_544, %get3A_545] {strides = array<i32>} : memref<200x128xf32, #tpu.memory_space<vmem>>, vector<1x16xf32>,
      %get3A_547 = vector.shape_cast %get3A_546 : vector<1x16xf32> to vector<16xf32>
      %add3A_548 = arith.addf %add3A_541, %get3A_547 : vector<16xf32>
      %add3A_549 = arith.constant 2 : i32
      %add3A_550 = arith.addi %mul3A_233, %add3A_549 : i32
      %get3A_551 = arith.index_cast %add3A_550 : i32 to index
      %get3A_552 = arith.constant 80 : index
      %get3A_553 = tpu.vector_load %arg13[%get3A_551, %get3A_552] {strides = array<i32>} : memref<200x128xf32, #tpu.memory_space<vmem>>, vector<1x16xf32>,
      %get3A_554 = vector.shape_cast %get3A_553 : vector<1x16xf32> to vector<16xf32>
      %add3A_555 = arith.addf %add3A_548, %get3A_554 : vector<16xf32>
      %add3A_556 = arith.constant 3 : i32
      %add3A_557 = arith.addi %mul3A_233, %add3A_556 : i32
      %get3A_558 = arith.index_cast %add3A_557 : i32 to index
      %get3A_559 = arith.constant 80 : index
      %get3A_560 = tpu.vector_load %arg13[%get3A_558, %get3A_559] {strides = array<i32>} : memref<200x128xf32, #tpu.memory_space<vmem>>, vector<1x16xf32>,
      %get3A_561 = vector.shape_cast %get3A_560 : vector<1x16xf32> to vector<16xf32>
      %add3A_562 = arith.addf %add3A_555, %get3A_561 : vector<16xf32>
      %swap3A_563 = arith.index_cast %scan3A_231 : i32 to index
      %swap3A_564 = arith.constant 80 : index
      %swap3A_565 = tpu.vector_load %arg15[%swap3A_563, %swap3A_564] {strides = array<i32>} : memref<50x128xf32, #tpu.memory_space<vmem>>, vector<1x16xf32>,
      %swap3A_566 = vector.shape_cast %swap3A_565 : vector<1x16xf32> to vector<16xf32>
      %swap3A_567 = vector.shape_cast %add3A_562 : vector<16xf32> to vector<1x16xf32>
      tpu.vector_store %arg15[%swap3A_563, %swap3A_564], %swap3A_567 {strides = array<i32>} : memref<50x128xf32, #tpu.memory_space<vmem>>, vector<1x16xf32>,
      %get3A_568 = arith.index_cast %mul3A_233 : i32 to index
      %get3A_569 = arith.constant 96 : index
      %get3A_570 = tpu.vector_load %arg11[%get3A_568, %get3A_569] {strides = array<i32>} : memref<200x128xf32, #tpu.memory_space<vmem>>, vector<1x16xf32>,
      %get3A_571 = vector.shape_cast %get3A_570 : vector<1x16xf32> to vector<16xf32>
      %add3A_572 = arith.constant 1 : i32
      %add3A_573 = arith.addi %mul3A_233, %add3A_572 : i32
      %get3A_574 = arith.index_cast %add3A_573 : i32 to index
      %get3A_575 = arith.constant 96 : index
      %get3A_576 = tpu.vector_load %arg11[%get3A_574, %get3A_575] {strides = array<i32>} : memref<200x128xf32, #tpu.memory_space<vmem>>, vector<1x16xf32>,
      %get3A_577 = vector.shape_cast %get3A_576 : vector<1x16xf32> to vector<16xf32>
      %add3A_578 = arith.addf %get3A_571, %get3A_577 : vector<16xf32>
      %add3A_579 = arith.constant 2 : i32
      %add3A_580 = arith.addi %mul3A_233, %add3A_579 : i32
      %get3A_581 = arith.index_cast %add3A_580 : i32 to index
      %get3A_582 = arith.constant 96 : index
      %get3A_583 = tpu.vector_load %arg11[%get3A_581, %get3A_582] {strides = array<i32>} : memref<200x128xf32, #tpu.memory_space<vmem>>, vector<1x16xf32>,
      %get3A_584 = vector.shape_cast %get3A_583 : vector<1x16xf32> to vector<16xf32>
      %add3A_585 = arith.addf %add3A_578, %get3A_584 : vector<16xf32>
      %add3A_586 = arith.constant 3 : i32
      %add3A_587 = arith.addi %mul3A_233, %add3A_586 : i32
      %get3A_588 = arith.index_cast %add3A_587 : i32 to index
      %get3A_589 = arith.constant 96 : index
      %get3A_590 = tpu.vector_load %arg11[%get3A_588, %get3A_589] {strides = array<i32>} : memref<200x128xf32, #tpu.memory_space<vmem>>, vector<1x16xf32>,
      %get3A_591 = vector.shape_cast %get3A_590 : vector<1x16xf32> to vector<16xf32>
      %add3A_592 = arith.addf %add3A_585, %get3A_591 : vector<16xf32>
      %get3A_593 = arith.index_cast %mul3A_233 : i32 to index
      %get3A_594 = arith.constant 96 : index
      %get3A_595 = tpu.vector_load %arg13[%get3A_593, %get3A_594] {strides = array<i32>} : memref<200x128xf32, #tpu.memory_space<vmem>>, vector<1x16xf32>,
      %get3A_596 = vector.shape_cast %get3A_595 : vector<1x16xf32> to vector<16xf32>
      %add3A_597 = arith.addf %add3A_592, %get3A_596 : vector<16xf32>
      %add3A_598 = arith.constant 1 : i32
      %add3A_599 = arith.addi %mul3A_233, %add3A_598 : i32
      %get3A_600 = arith.index_cast %add3A_599 : i32 to index
      %get3A_601 = arith.constant 96 : index
      %get3A_602 = tpu.vector_load %arg13[%get3A_600, %get3A_601] {strides = array<i32>} : memref<200x128xf32, #tpu.memory_space<vmem>>, vector<1x16xf32>,
      %get3A_603 = vector.shape_cast %get3A_602 : vector<1x16xf32> to vector<16xf32>
      %add3A_604 = arith.addf %add3A_597, %get3A_603 : vector<16xf32>
      %add3A_605 = arith.constant 2 : i32
      %add3A_606 = arith.addi %mul3A_233, %add3A_605 : i32
      %get3A_607 = arith.index_cast %add3A_606 : i32 to index
      %get3A_608 = arith.constant 96 : index
      %get3A_609 = tpu.vector_load %arg13[%get3A_607, %get3A_608] {strides = array<i32>} : memref<200x128xf32, #tpu.memory_space<vmem>>, vector<1x16xf32>,
      %get3A_610 = vector.shape_cast %get3A_609 : vector<1x16xf32> to vector<16xf32>
      %add3A_611 = arith.addf %add3A_604, %get3A_610 : vector<16xf32>
      %add3A_612 = arith.constant 3 : i32
      %add3A_613 = arith.addi %mul3A_233, %add3A_612 : i32
      %get3A_614 = arith.index_cast %add3A_613 : i32 to index
      %get3A_615 = arith.constant 96 : index
      %get3A_616 = tpu.vector_load %arg13[%get3A_614, %get3A_615] {strides = array<i32>} : memref<200x128xf32, #tpu.memory_space<vmem>>, vector<1x16xf32>,
      %get3A_617 = vector.shape_cast %get3A_616 : vector<1x16xf32> to vector<16xf32>
      %add3A_618 = arith.addf %add3A_611, %get3A_617 : vector<16xf32>
      %swap3A_619 = arith.index_cast %scan3A_231 : i32 to index
      %swap3A_620 = arith.constant 96 : index
      %swap3A_621 = tpu.vector_load %arg15[%swap3A_619, %swap3A_620] {strides = array<i32>} : memref<50x128xf32, #tpu.memory_space<vmem>>, vector<1x16xf32>,
      %swap3A_622 = vector.shape_cast %swap3A_621 : vector<1x16xf32> to vector<16xf32>
      %swap3A_623 = vector.shape_cast %add3A_618 : vector<16xf32> to vector<1x16xf32>
      tpu.vector_store %arg15[%swap3A_619, %swap3A_620], %swap3A_623 {strides = array<i32>} : memref<50x128xf32, #tpu.memory_space<vmem>>, vector<1x16xf32>,
      %get3A_624 = arith.index_cast %mul3A_233 : i32 to index
      %get3A_625 = arith.constant 112 : index
      %get3A_626 = tpu.vector_load %arg11[%get3A_624, %get3A_625] {strides = array<i32>} : memref<200x128xf32, #tpu.memory_space<vmem>>, vector<1x16xf32>,
      %get3A_627 = vector.shape_cast %get3A_626 : vector<1x16xf32> to vector<16xf32>
      %add3A_628 = arith.constant 1 : i32
      %add3A_629 = arith.addi %mul3A_233, %add3A_628 : i32
      %get3A_630 = arith.index_cast %add3A_629 : i32 to index
      %get3A_631 = arith.constant 112 : index
      %get3A_632 = tpu.vector_load %arg11[%get3A_630, %get3A_631] {strides = array<i32>} : memref<200x128xf32, #tpu.memory_space<vmem>>, vector<1x16xf32>,
      %get3A_633 = vector.shape_cast %get3A_632 : vector<1x16xf32> to vector<16xf32>
      %add3A_634 = arith.addf %get3A_627, %get3A_633 : vector<16xf32>
      %add3A_635 = arith.constant 2 : i32
      %add3A_636 = arith.addi %mul3A_233, %add3A_635 : i32
      %get3A_637 = arith.index_cast %add3A_636 : i32 to index
      %get3A_638 = arith.constant 112 : index
      %get3A_639 = tpu.vector_load %arg11[%get3A_637, %get3A_638] {strides = array<i32>} : memref<200x128xf32, #tpu.memory_space<vmem>>, vector<1x16xf32>,
      %get3A_640 = vector.shape_cast %get3A_639 : vector<1x16xf32> to vector<16xf32>
      %add3A_641 = arith.addf %add3A_634, %get3A_640 : vector<16xf32>
      %add3A_642 = arith.constant 3 : i32
      %add3A_643 = arith.addi %mul3A_233, %add3A_642 : i32
      %get3A_644 = arith.index_cast %add3A_643 : i32 to index
      %get3A_645 = arith.constant 112 : index
      %get3A_646 = tpu.vector_load %arg11[%get3A_644, %get3A_645] {strides = array<i32>} : memref<200x128xf32, #tpu.memory_space<vmem>>, vector<1x16xf32>,
      %get3A_647 = vector.shape_cast %get3A_646 : vector<1x16xf32> to vector<16xf32>
      %add3A_648 = arith.addf %add3A_641, %get3A_647 : vector<16xf32>
      %get3A_649 = arith.index_cast %mul3A_233 : i32 to index
      %get3A_650 = arith.constant 112 : index
      %get3A_651 = tpu.vector_load %arg13[%get3A_649, %get3A_650] {strides = array<i32>} : memref<200x128xf32, #tpu.memory_space<vmem>>, vector<1x16xf32>,
      %get3A_652 = vector.shape_cast %get3A_651 : vector<1x16xf32> to vector<16xf32>
      %add3A_653 = arith.addf %add3A_648, %get3A_652 : vector<16xf32>
      %add3A_654 = arith.constant 1 : i32
      %add3A_655 = arith.addi %mul3A_233, %add3A_654 : i32
      %get3A_656 = arith.index_cast %add3A_655 : i32 to index
      %get3A_657 = arith.constant 112 : index
      %get3A_658 = tpu.vector_load %arg13[%get3A_656, %get3A_657] {strides = array<i32>} : memref<200x128xf32, #tpu.memory_space<vmem>>, vector<1x16xf32>,
      %get3A_659 = vector.shape_cast %get3A_658 : vector<1x16xf32> to vector<16xf32>
      %add3A_660 = arith.addf %add3A_653, %get3A_659 : vector<16xf32>
      %add3A_661 = arith.constant 2 : i32
      %add3A_662 = arith.addi %mul3A_233, %add3A_661 : i32
      %get3A_663 = arith.index_cast %add3A_662 : i32 to index
      %get3A_664 = arith.constant 112 : index
      %get3A_665 = tpu.vector_load %arg13[%get3A_663, %get3A_664] {strides = array<i32>} : memref<200x128xf32, #tpu.memory_space<vmem>>, vector<1x16xf32>,
      %get3A_666 = vector.shape_cast %get3A_665 : vector<1x16xf32> to vector<16xf32>
      %add3A_667 = arith.addf %add3A_660, %get3A_666 : vector<16xf32>
      %add3A_668 = arith.constant 3 : i32
      %add3A_669 = arith.addi %mul3A_233, %add3A_668 : i32
      %get3A_670 = arith.index_cast %add3A_669 : i32 to index
      %get3A_671 = arith.constant 112 : index
      %get3A_672 = tpu.vector_load %arg13[%get3A_670, %get3A_671] {strides = array<i32>} : memref<200x128xf32, #tpu.memory_space<vmem>>, vector<1x16xf32>,
      %get3A_673 = vector.shape_cast %get3A_672 : vector<1x16xf32> to vector<16xf32>
      %add3A_674 = arith.addf %add3A_667, %get3A_673 : vector<16xf32>
      %swap3A_675 = arith.index_cast %scan3A_231 : i32 to index
      %swap3A_676 = arith.constant 112 : index
      %swap3A_677 = tpu.vector_load %arg15[%swap3A_675, %swap3A_676] {strides = array<i32>} : memref<50x128xf32, #tpu.memory_space<vmem>>, vector<1x16xf32>,
      %swap3A_678 = vector.shape_cast %swap3A_677 : vector<1x16xf32> to vector<16xf32>
      %swap3A_679 = vector.shape_cast %add3A_674 : vector<16xf32> to vector<1x16xf32>
      tpu.vector_store %arg15[%swap3A_675, %swap3A_676], %swap3A_679 {strides = array<i32>} : memref<50x128xf32, #tpu.memory_space<vmem>>, vector<1x16xf32>,
    }
    %scan3A_148 = arith.constant 50 : i32
    %add3A_149 = arith.constant 126 : i32
    %add3A_150 = arith.addi %mul3A_2, %add3A_149 : i32
    %dma_start3A_151 = arith.constant 0 : i32
    %dma_start3A_152 = arith.constant 0 : i32
    %dma_start3A_153 = tpu.memref_slice %arg6[%add3A_150, %dma_start3A_151, %dma_start3A_152] : memref<4096x50x128xf32, #tpu.memory_space<hbm>> -> memref<1x50x128xf32, #tpu.memory_space<hbm>>
    %dma_start3A_154 = tpu.memref_squeeze %dma_start3A_153 : memref<1x50x128xf32, #tpu.memory_space<hbm>> -> memref<50x128xf32, #tpu.memory_space<hbm>>
    %dma_start3A_155 = arith.constant 0 : i32
    %dma_start3A_156 = arith.constant 0 : i32
    %dma_start3A_157 = tpu.memref_slice %arg6[%add3A_150, %dma_start3A_155, %dma_start3A_156] : memref<4096x50x128xf32, #tpu.memory_space<hbm>> -> memref<1x50x128xf32, #tpu.memory_space<hbm>>
    %dma_start3A_158 = tpu.memref_squeeze %dma_start3A_157 : memref<1x50x128xf32, #tpu.memory_space<hbm>> -> memref<50x128xf32, #tpu.memory_space<hbm>>
    tpu.enqueue_dma source(%arg15 : memref<50x128xf32, #tpu.memory_space<vmem>>) target(%dma_start3A_158 : memref<50x128xf32, #tpu.memory_space<hbm>>) target_semaphore(%arg21 : memref<!tpu.dma_semaphore, #tpu.memory_space<semaphore_mem>>)
    %dma_wait3A_159 = arith.constant 0 : i32
    %dma_wait3A_160 = arith.constant 0 : i32
    %dma_wait3A_161 = tpu.memref_slice %arg12[%dma_wait3A_159, %dma_wait3A_160] : memref<200x128xf32, #tpu.memory_space<vmem>> -> memref<128x128xf32, #tpu.memory_space<vmem>>
    %dma_wait3A_162 = arith.constant 0 : i32
    %dma_wait3A_163 = tpu.memref_slice %arg8[%dma_wait3A_162] : memref<200xi32, #tpu.memory_space<vmem>> -> memref<128xi32, #tpu.memory_space<vmem>>
    %dma_wait3A_164 = arith.constant 0 : i32
    %dma_wait3A_165 = arith.constant 0 : i32
    %dma_wait3A_166 = tpu.memref_slice %arg4[%dma_wait3A_164, %dma_wait3A_165] : memref<100002x128xf32, #tpu.memory_space<hbm>> -> memref<100002x128xf32, #tpu.memory_space<hbm>>
    tpu.wait_indirect_dma semaphore(%arg20 : memref<!tpu.dma_semaphore, #tpu.memory_space<semaphore_mem>>) src(%dma_wait3A_166 : memref<100002x128xf32, #tpu.memory_space<hbm>>) dst(%dma_wait3A_161 : memref<128x128xf32, #tpu.memory_space<vmem>>)
    %dma_wait3A_167 = arith.constant 128 : i32
    %dma_wait3A_168 = arith.constant 0 : i32
    %dma_wait3A_169 = tpu.memref_slice %arg12[%dma_wait3A_167, %dma_wait3A_168] : memref<200x128xf32, #tpu.memory_space<vmem>> -> memref<72x128xf32, #tpu.memory_space<vmem>>
    %dma_wait3A_170 = arith.constant 128 : i32
    %dma_wait3A_171 = tpu.memref_slice %arg8[%dma_wait3A_170] : memref<200xi32, #tpu.memory_space<vmem>> -> memref<72xi32, #tpu.memory_space<vmem>>
    %dma_wait3A_172 = arith.constant 0 : i32
    %dma_wait3A_173 = arith.constant 0 : i32
    %dma_wait3A_174 = tpu.memref_slice %arg4[%dma_wait3A_172, %dma_wait3A_173] : memref<100002x128xf32, #tpu.memory_space<hbm>> -> memref<100002x128xf32, #tpu.memory_space<hbm>>
    tpu.wait_indirect_dma semaphore(%arg20 : memref<!tpu.dma_semaphore, #tpu.memory_space<semaphore_mem>>) src(%dma_wait3A_174 : memref<100002x128xf32, #tpu.memory_space<hbm>>) dst(%dma_wait3A_169 : memref<72x128xf32, #tpu.memory_space<vmem>>)
    %dma_wait3A_175 = arith.constant 0 : i32
    %dma_wait3A_176 = arith.constant 0 : i32
    %dma_wait3A_177 = tpu.memref_slice %arg14[%dma_wait3A_175, %dma_wait3A_176] : memref<200x128xf32, #tpu.memory_space<vmem>> -> memref<128x128xf32, #tpu.memory_space<vmem>>
    %dma_wait3A_178 = arith.constant 0 : i32
    %dma_wait3A_179 = tpu.memref_slice %arg10[%dma_wait3A_178] : memref<200xi32, #tpu.memory_space<vmem>> -> memref<128xi32, #tpu.memory_space<vmem>>
    %dma_wait3A_180 = arith.constant 0 : i32
    %dma_wait3A_181 = arith.constant 0 : i32
    %dma_wait3A_182 = tpu.memref_slice %arg5[%dma_wait3A_180, %dma_wait3A_181] : memref<100002x128xf32, #tpu.memory_space<hbm>> -> memref<100002x128xf32, #tpu.memory_space<hbm>>
    tpu.wait_indirect_dma semaphore(%arg20 : memref<!tpu.dma_semaphore, #tpu.memory_space<semaphore_mem>>) src(%dma_wait3A_182 : memref<100002x128xf32, #tpu.memory_space<hbm>>) dst(%dma_wait3A_177 : memref<128x128xf32, #tpu.memory_space<vmem>>)
    %dma_wait3A_183 = arith.constant 128 : i32
    %dma_wait3A_184 = arith.constant 0 : i32
    %dma_wait3A_185 = tpu.memref_slice %arg14[%dma_wait3A_183, %dma_wait3A_184] : memref<200x128xf32, #tpu.memory_space<vmem>> -> memref<72x128xf32, #tpu.memory_space<vmem>>
    %dma_wait3A_186 = arith.constant 128 : i32
    %dma_wait3A_187 = tpu.memref_slice %arg10[%dma_wait3A_186] : memref<200xi32, #tpu.memory_space<vmem>> -> memref<72xi32, #tpu.memory_space<vmem>>
    %dma_wait3A_188 = arith.constant 0 : i32
    %dma_wait3A_189 = arith.constant 0 : i32
    %dma_wait3A_190 = tpu.memref_slice %arg5[%dma_wait3A_188, %dma_wait3A_189] : memref<100002x128xf32, #tpu.memory_space<hbm>> -> memref<100002x128xf32, #tpu.memory_space<hbm>>
    tpu.wait_indirect_dma semaphore(%arg20 : memref<!tpu.dma_semaphore, #tpu.memory_space<semaphore_mem>>) src(%dma_wait3A_190 : memref<100002x128xf32, #tpu.memory_space<hbm>>) dst(%dma_wait3A_185 : memref<72x128xf32, #tpu.memory_space<vmem>>)
    %dma_wait3A_191 = arith.constant 0 : i32
    %dma_wait3A_192 = arith.constant 0 : i32
    %dma_wait3A_193 = tpu.memref_slice %arg6[%mul3A_2, %dma_wait3A_191, %dma_wait3A_192] : memref<4096x50x128xf32, #tpu.memory_space<hbm>> -> memref<1x50x128xf32, #tpu.memory_space<hbm>>
    %dma_wait3A_194 = tpu.memref_squeeze %dma_wait3A_193 : memref<1x50x128xf32, #tpu.memory_space<hbm>> -> memref<50x128xf32, #tpu.memory_space<hbm>>
    %dma_wait3A_195 = arith.constant 0 : i32
    %dma_wait3A_196 = arith.constant 0 : i32
    %dma_wait3A_197 = tpu.memref_slice %arg6[%mul3A_2, %dma_wait3A_195, %dma_wait3A_196] : memref<4096x50x128xf32, #tpu.memory_space<hbm>> -> memref<1x50x128xf32, #tpu.memory_space<hbm>>
    %dma_wait3A_198 = tpu.memref_squeeze %dma_wait3A_197 : memref<1x50x128xf32, #tpu.memory_space<hbm>> -> memref<50x128xf32, #tpu.memory_space<hbm>>
    tpu.wait_dma2 semaphore(%arg22 : memref<!tpu.dma_semaphore, #tpu.memory_space<semaphore_mem>>) src(%arg16 : memref<50x128xf32, #tpu.memory_space<vmem>>) dst(%dma_wait3A_198 : memref<50x128xf32, #tpu.memory_space<hbm>>)
    %scan3A_199 = arith.constant 0 : i32
    %scan3A_200 = arith.constant 0 : i32
    %scan3A_201 = arith.constant 50 : i32
    %scan3A_202 = arith.addi %scan3A_200, %scan3A_201 : i32
    %scan3A_203 = arith.constant 1 : i32
    scf.for %scan3A_231 = %scan3A_200 to %scan3A_202 step %scan3A_203  : i32 {
      %mul3A_232 = arith.constant 4 : i32
      %mul3A_233 = arith.muli %scan3A_231, %mul3A_232 : i32
      %get3A = arith.index_cast %mul3A_233 : i32 to index
      %get3A_234 = arith.constant 0 : index
      %get3A_235 = tpu.vector_load %arg12[%get3A, %get3A_234] {strides = array<i32>} : memref<200x128xf32, #tpu.memory_space<vmem>>, vector<1x16xf32>,
      %get3A_236 = vector.shape_cast %get3A_235 : vector<1x16xf32> to vector<16xf32>
      %add3A_237 = arith.constant 1 : i32
      %add3A_238 = arith.addi %mul3A_233, %add3A_237 : i32
      %get3A_239 = arith.index_cast %add3A_238 : i32 to index
      %get3A_240 = arith.constant 0 : index
      %get3A_241 = tpu.vector_load %arg12[%get3A_239, %get3A_240] {strides = array<i32>} : memref<200x128xf32, #tpu.memory_space<vmem>>, vector<1x16xf32>,
      %get3A_242 = vector.shape_cast %get3A_241 : vector<1x16xf32> to vector<16xf32>
      %add3A_243 = arith.addf %get3A_236, %get3A_242 : vector<16xf32>
      %add3A_244 = arith.constant 2 : i32
      %add3A_245 = arith.addi %mul3A_233, %add3A_244 : i32
      %get3A_246 = arith.index_cast %add3A_245 : i32 to index
      %get3A_247 = arith.constant 0 : index
      %get3A_248 = tpu.vector_load %arg12[%get3A_246, %get3A_247] {strides = array<i32>} : memref<200x128xf32, #tpu.memory_space<vmem>>, vector<1x16xf32>,
      %get3A_249 = vector.shape_cast %get3A_248 : vector<1x16xf32> to vector<16xf32>
      %add3A_250 = arith.addf %add3A_243, %get3A_249 : vector<16xf32>
      %add3A_251 = arith.constant 3 : i32
      %add3A_252 = arith.addi %mul3A_233, %add3A_251 : i32
      %get3A_253 = arith.index_cast %add3A_252 : i32 to index
      %get3A_254 = arith.constant 0 : index
      %get3A_255 = tpu.vector_load %arg12[%get3A_253, %get3A_254] {strides = array<i32>} : memref<200x128xf32, #tpu.memory_space<vmem>>, vector<1x16xf32>,
      %get3A_256 = vector.shape_cast %get3A_255 : vector<1x16xf32> to vector<16xf32>
      %add3A_257 = arith.addf %add3A_250, %get3A_256 : vector<16xf32>
      %get3A_258 = arith.index_cast %mul3A_233 : i32 to index
      %get3A_259 = arith.constant 0 : index
      %get3A_260 = tpu.vector_load %arg14[%get3A_258, %get3A_259] {strides = array<i32>} : memref<200x128xf32, #tpu.memory_space<vmem>>, vector<1x16xf32>,
      %get3A_261 = vector.shape_cast %get3A_260 : vector<1x16xf32> to vector<16xf32>
      %add3A_262 = arith.addf %add3A_257, %get3A_261 : vector<16xf32>
      %add3A_263 = arith.constant 1 : i32
      %add3A_264 = arith.addi %mul3A_233, %add3A_263 : i32
      %get3A_265 = arith.index_cast %add3A_264 : i32 to index
      %get3A_266 = arith.constant 0 : index
      %get3A_267 = tpu.vector_load %arg14[%get3A_265, %get3A_266] {strides = array<i32>} : memref<200x128xf32, #tpu.memory_space<vmem>>, vector<1x16xf32>,
      %get3A_268 = vector.shape_cast %get3A_267 : vector<1x16xf32> to vector<16xf32>
      %add3A_269 = arith.addf %add3A_262, %get3A_268 : vector<16xf32>
      %add3A_270 = arith.constant 2 : i32
      %add3A_271 = arith.addi %mul3A_233, %add3A_270 : i32
      %get3A_272 = arith.index_cast %add3A_271 : i32 to index
      %get3A_273 = arith.constant 0 : index
      %get3A_274 = tpu.vector_load %arg14[%get3A_272, %get3A_273] {strides = array<i32>} : memref<200x128xf32, #tpu.memory_space<vmem>>, vector<1x16xf32>,
      %get3A_275 = vector.shape_cast %get3A_274 : vector<1x16xf32> to vector<16xf32>
      %add3A_276 = arith.addf %add3A_269, %get3A_275 : vector<16xf32>
      %add3A_277 = arith.constant 3 : i32
      %add3A_278 = arith.addi %mul3A_233, %add3A_277 : i32
      %get3A_279 = arith.index_cast %add3A_278 : i32 to index
      %get3A_280 = arith.constant 0 : index
      %get3A_281 = tpu.vector_load %arg14[%get3A_279, %get3A_280] {strides = array<i32>} : memref<200x128xf32, #tpu.memory_space<vmem>>, vector<1x16xf32>,
      %get3A_282 = vector.shape_cast %get3A_281 : vector<1x16xf32> to vector<16xf32>
      %add3A_283 = arith.addf %add3A_276, %get3A_282 : vector<16xf32>
      %swap3A = arith.index_cast %scan3A_231 : i32 to index
      %swap3A_284 = arith.constant 0 : index
      %swap3A_285 = tpu.vector_load %arg16[%swap3A, %swap3A_284] {strides = array<i32>} : memref<50x128xf32, #tpu.memory_space<vmem>>, vector<1x16xf32>,
      %swap3A_286 = vector.shape_cast %swap3A_285 : vector<1x16xf32> to vector<16xf32>
      %swap3A_287 = vector.shape_cast %add3A_283 : vector<16xf32> to vector<1x16xf32>
      tpu.vector_store %arg16[%swap3A, %swap3A_284], %swap3A_287 {strides = array<i32>} : memref<50x128xf32, #tpu.memory_space<vmem>>, vector<1x16xf32>,
      %get3A_288 = arith.index_cast %mul3A_233 : i32 to index
      %get3A_289 = arith.constant 16 : index
      %get3A_290 = tpu.vector_load %arg12[%get3A_288, %get3A_289] {strides = array<i32>} : memref<200x128xf32, #tpu.memory_space<vmem>>, vector<1x16xf32>,
      %get3A_291 = vector.shape_cast %get3A_290 : vector<1x16xf32> to vector<16xf32>
      %add3A_292 = arith.constant 1 : i32
      %add3A_293 = arith.addi %mul3A_233, %add3A_292 : i32
      %get3A_294 = arith.index_cast %add3A_293 : i32 to index
      %get3A_295 = arith.constant 16 : index
      %get3A_296 = tpu.vector_load %arg12[%get3A_294, %get3A_295] {strides = array<i32>} : memref<200x128xf32, #tpu.memory_space<vmem>>, vector<1x16xf32>,
      %get3A_297 = vector.shape_cast %get3A_296 : vector<1x16xf32> to vector<16xf32>
      %add3A_298 = arith.addf %get3A_291, %get3A_297 : vector<16xf32>
      %add3A_299 = arith.constant 2 : i32
      %add3A_300 = arith.addi %mul3A_233, %add3A_299 : i32
      %get3A_301 = arith.index_cast %add3A_300 : i32 to index
      %get3A_302 = arith.constant 16 : index
      %get3A_303 = tpu.vector_load %arg12[%get3A_301, %get3A_302] {strides = array<i32>} : memref<200x128xf32, #tpu.memory_space<vmem>>, vector<1x16xf32>,
      %get3A_304 = vector.shape_cast %get3A_303 : vector<1x16xf32> to vector<16xf32>
      %add3A_305 = arith.addf %add3A_298, %get3A_304 : vector<16xf32>
      %add3A_306 = arith.constant 3 : i32
      %add3A_307 = arith.addi %mul3A_233, %add3A_306 : i32
      %get3A_308 = arith.index_cast %add3A_307 : i32 to index
      %get3A_309 = arith.constant 16 : index
      %get3A_310 = tpu.vector_load %arg12[%get3A_308, %get3A_309] {strides = array<i32>} : memref<200x128xf32, #tpu.memory_space<vmem>>, vector<1x16xf32>,
      %get3A_311 = vector.shape_cast %get3A_310 : vector<1x16xf32> to vector<16xf32>
      %add3A_312 = arith.addf %add3A_305, %get3A_311 : vector<16xf32>
      %get3A_313 = arith.index_cast %mul3A_233 : i32 to index
      %get3A_314 = arith.constant 16 : index
      %get3A_315 = tpu.vector_load %arg14[%get3A_313, %get3A_314] {strides = array<i32>} : memref<200x128xf32, #tpu.memory_space<vmem>>, vector<1x16xf32>,
      %get3A_316 = vector.shape_cast %get3A_315 : vector<1x16xf32> to vector<16xf32>
      %add3A_317 = arith.addf %add3A_312, %get3A_316 : vector<16xf32>
      %add3A_318 = arith.constant 1 : i32
      %add3A_319 = arith.addi %mul3A_233, %add3A_318 : i32
      %get3A_320 = arith.index_cast %add3A_319 : i32 to index
      %get3A_321 = arith.constant 16 : index
      %get3A_322 = tpu.vector_load %arg14[%get3A_320, %get3A_321] {strides = array<i32>} : memref<200x128xf32, #tpu.memory_space<vmem>>, vector<1x16xf32>,
      %get3A_323 = vector.shape_cast %get3A_322 : vector<1x16xf32> to vector<16xf32>
      %add3A_324 = arith.addf %add3A_317, %get3A_323 : vector<16xf32>
      %add3A_325 = arith.constant 2 : i32
      %add3A_326 = arith.addi %mul3A_233, %add3A_325 : i32
      %get3A_327 = arith.index_cast %add3A_326 : i32 to index
      %get3A_328 = arith.constant 16 : index
      %get3A_329 = tpu.vector_load %arg14[%get3A_327, %get3A_328] {strides = array<i32>} : memref<200x128xf32, #tpu.memory_space<vmem>>, vector<1x16xf32>,
      %get3A_330 = vector.shape_cast %get3A_329 : vector<1x16xf32> to vector<16xf32>
      %add3A_331 = arith.addf %add3A_324, %get3A_330 : vector<16xf32>
      %add3A_332 = arith.constant 3 : i32
      %add3A_333 = arith.addi %mul3A_233, %add3A_332 : i32
      %get3A_334 = arith.index_cast %add3A_333 : i32 to index
      %get3A_335 = arith.constant 16 : index
      %get3A_336 = tpu.vector_load %arg14[%get3A_334, %get3A_335] {strides = array<i32>} : memref<200x128xf32, #tpu.memory_space<vmem>>, vector<1x16xf32>,
      %get3A_337 = vector.shape_cast %get3A_336 : vector<1x16xf32> to vector<16xf32>
      %add3A_338 = arith.addf %add3A_331, %get3A_337 : vector<16xf32>
      %swap3A_339 = arith.index_cast %scan3A_231 : i32 to index
      %swap3A_340 = arith.constant 16 : index
      %swap3A_341 = tpu.vector_load %arg16[%swap3A_339, %swap3A_340] {strides = array<i32>} : memref<50x128xf32, #tpu.memory_space<vmem>>, vector<1x16xf32>,
      %swap3A_342 = vector.shape_cast %swap3A_341 : vector<1x16xf32> to vector<16xf32>
      %swap3A_343 = vector.shape_cast %add3A_338 : vector<16xf32> to vector<1x16xf32>
      tpu.vector_store %arg16[%swap3A_339, %swap3A_340], %swap3A_343 {strides = array<i32>} : memref<50x128xf32, #tpu.memory_space<vmem>>, vector<1x16xf32>,
      %get3A_344 = arith.index_cast %mul3A_233 : i32 to index
      %get3A_345 = arith.constant 32 : index
      %get3A_346 = tpu.vector_load %arg12[%get3A_344, %get3A_345] {strides = array<i32>} : memref<200x128xf32, #tpu.memory_space<vmem>>, vector<1x16xf32>,
      %get3A_347 = vector.shape_cast %get3A_346 : vector<1x16xf32> to vector<16xf32>
      %add3A_348 = arith.constant 1 : i32
      %add3A_349 = arith.addi %mul3A_233, %add3A_348 : i32
      %get3A_350 = arith.index_cast %add3A_349 : i32 to index
      %get3A_351 = arith.constant 32 : index
      %get3A_352 = tpu.vector_load %arg12[%get3A_350, %get3A_351] {strides = array<i32>} : memref<200x128xf32, #tpu.memory_space<vmem>>, vector<1x16xf32>,
      %get3A_353 = vector.shape_cast %get3A_352 : vector<1x16xf32> to vector<16xf32>
      %add3A_354 = arith.addf %get3A_347, %get3A_353 : vector<16xf32>
      %add3A_355 = arith.constant 2 : i32
      %add3A_356 = arith.addi %mul3A_233, %add3A_355 : i32
      %get3A_357 = arith.index_cast %add3A_356 : i32 to index
      %get3A_358 = arith.constant 32 : index
      %get3A_359 = tpu.vector_load %arg12[%get3A_357, %get3A_358] {strides = array<i32>} : memref<200x128xf32, #tpu.memory_space<vmem>>, vector<1x16xf32>,
      %get3A_360 = vector.shape_cast %get3A_359 : vector<1x16xf32> to vector<16xf32>
      %add3A_361 = arith.addf %add3A_354, %get3A_360 : vector<16xf32>
      %add3A_362 = arith.constant 3 : i32
      %add3A_363 = arith.addi %mul3A_233, %add3A_362 : i32
      %get3A_364 = arith.index_cast %add3A_363 : i32 to index
      %get3A_365 = arith.constant 32 : index
      %get3A_366 = tpu.vector_load %arg12[%get3A_364, %get3A_365] {strides = array<i32>} : memref<200x128xf32, #tpu.memory_space<vmem>>, vector<1x16xf32>,
      %get3A_367 = vector.shape_cast %get3A_366 : vector<1x16xf32> to vector<16xf32>
      %add3A_368 = arith.addf %add3A_361, %get3A_367 : vector<16xf32>
      %get3A_369 = arith.index_cast %mul3A_233 : i32 to index
      %get3A_370 = arith.constant 32 : index
      %get3A_371 = tpu.vector_load %arg14[%get3A_369, %get3A_370] {strides = array<i32>} : memref<200x128xf32, #tpu.memory_space<vmem>>, vector<1x16xf32>,
      %get3A_372 = vector.shape_cast %get3A_371 : vector<1x16xf32> to vector<16xf32>
      %add3A_373 = arith.addf %add3A_368, %get3A_372 : vector<16xf32>
      %add3A_374 = arith.constant 1 : i32
      %add3A_375 = arith.addi %mul3A_233, %add3A_374 : i32
      %get3A_376 = arith.index_cast %add3A_375 : i32 to index
      %get3A_377 = arith.constant 32 : index
      %get3A_378 = tpu.vector_load %arg14[%get3A_376, %get3A_377] {strides = array<i32>} : memref<200x128xf32, #tpu.memory_space<vmem>>, vector<1x16xf32>,
      %get3A_379 = vector.shape_cast %get3A_378 : vector<1x16xf32> to vector<16xf32>
      %add3A_380 = arith.addf %add3A_373, %get3A_379 : vector<16xf32>
      %add3A_381 = arith.constant 2 : i32
      %add3A_382 = arith.addi %mul3A_233, %add3A_381 : i32
      %get3A_383 = arith.index_cast %add3A_382 : i32 to index
      %get3A_384 = arith.constant 32 : index
      %get3A_385 = tpu.vector_load %arg14[%get3A_383, %get3A_384] {strides = array<i32>} : memref<200x128xf32, #tpu.memory_space<vmem>>, vector<1x16xf32>,
      %get3A_386 = vector.shape_cast %get3A_385 : vector<1x16xf32> to vector<16xf32>
      %add3A_387 = arith.addf %add3A_380, %get3A_386 : vector<16xf32>
      %add3A_388 = arith.constant 3 : i32
      %add3A_389 = arith.addi %mul3A_233, %add3A_388 : i32
      %get3A_390 = arith.index_cast %add3A_389 : i32 to index
      %get3A_391 = arith.constant 32 : index
      %get3A_392 = tpu.vector_load %arg14[%get3A_390, %get3A_391] {strides = array<i32>} : memref<200x128xf32, #tpu.memory_space<vmem>>, vector<1x16xf32>,
      %get3A_393 = vector.shape_cast %get3A_392 : vector<1x16xf32> to vector<16xf32>
      %add3A_394 = arith.addf %add3A_387, %get3A_393 : vector<16xf32>
      %swap3A_395 = arith.index_cast %scan3A_231 : i32 to index
      %swap3A_396 = arith.constant 32 : index
      %swap3A_397 = tpu.vector_load %arg16[%swap3A_395, %swap3A_396] {strides = array<i32>} : memref<50x128xf32, #tpu.memory_space<vmem>>, vector<1x16xf32>,
      %swap3A_398 = vector.shape_cast %swap3A_397 : vector<1x16xf32> to vector<16xf32>
      %swap3A_399 = vector.shape_cast %add3A_394 : vector<16xf32> to vector<1x16xf32>
      tpu.vector_store %arg16[%swap3A_395, %swap3A_396], %swap3A_399 {strides = array<i32>} : memref<50x128xf32, #tpu.memory_space<vmem>>, vector<1x16xf32>,
      %get3A_400 = arith.index_cast %mul3A_233 : i32 to index
      %get3A_401 = arith.constant 48 : index
      %get3A_402 = tpu.vector_load %arg12[%get3A_400, %get3A_401] {strides = array<i32>} : memref<200x128xf32, #tpu.memory_space<vmem>>, vector<1x16xf32>,
      %get3A_403 = vector.shape_cast %get3A_402 : vector<1x16xf32> to vector<16xf32>
      %add3A_404 = arith.constant 1 : i32
      %add3A_405 = arith.addi %mul3A_233, %add3A_404 : i32
      %get3A_406 = arith.index_cast %add3A_405 : i32 to index
      %get3A_407 = arith.constant 48 : index
      %get3A_408 = tpu.vector_load %arg12[%get3A_406, %get3A_407] {strides = array<i32>} : memref<200x128xf32, #tpu.memory_space<vmem>>, vector<1x16xf32>,
      %get3A_409 = vector.shape_cast %get3A_408 : vector<1x16xf32> to vector<16xf32>
      %add3A_410 = arith.addf %get3A_403, %get3A_409 : vector<16xf32>
      %add3A_411 = arith.constant 2 : i32
      %add3A_412 = arith.addi %mul3A_233, %add3A_411 : i32
      %get3A_413 = arith.index_cast %add3A_412 : i32 to index
      %get3A_414 = arith.constant 48 : index
      %get3A_415 = tpu.vector_load %arg12[%get3A_413, %get3A_414] {strides = array<i32>} : memref<200x128xf32, #tpu.memory_space<vmem>>, vector<1x16xf32>,
      %get3A_416 = vector.shape_cast %get3A_415 : vector<1x16xf32> to vector<16xf32>
      %add3A_417 = arith.addf %add3A_410, %get3A_416 : vector<16xf32>
      %add3A_418 = arith.constant 3 : i32
      %add3A_419 = arith.addi %mul3A_233, %add3A_418 : i32
      %get3A_420 = arith.index_cast %add3A_419 : i32 to index
      %get3A_421 = arith.constant 48 : index
      %get3A_422 = tpu.vector_load %arg12[%get3A_420, %get3A_421] {strides = array<i32>} : memref<200x128xf32, #tpu.memory_space<vmem>>, vector<1x16xf32>,
      %get3A_423 = vector.shape_cast %get3A_422 : vector<1x16xf32> to vector<16xf32>
      %add3A_424 = arith.addf %add3A_417, %get3A_423 : vector<16xf32>
      %get3A_425 = arith.index_cast %mul3A_233 : i32 to index
      %get3A_426 = arith.constant 48 : index
      %get3A_427 = tpu.vector_load %arg14[%get3A_425, %get3A_426] {strides = array<i32>} : memref<200x128xf32, #tpu.memory_space<vmem>>, vector<1x16xf32>,
      %get3A_428 = vector.shape_cast %get3A_427 : vector<1x16xf32> to vector<16xf32>
      %add3A_429 = arith.addf %add3A_424, %get3A_428 : vector<16xf32>
      %add3A_430 = arith.constant 1 : i32
      %add3A_431 = arith.addi %mul3A_233, %add3A_430 : i32
      %get3A_432 = arith.index_cast %add3A_431 : i32 to index
      %get3A_433 = arith.constant 48 : index
      %get3A_434 = tpu.vector_load %arg14[%get3A_432, %get3A_433] {strides = array<i32>} : memref<200x128xf32, #tpu.memory_space<vmem>>, vector<1x16xf32>,
      %get3A_435 = vector.shape_cast %get3A_434 : vector<1x16xf32> to vector<16xf32>
      %add3A_436 = arith.addf %add3A_429, %get3A_435 : vector<16xf32>
      %add3A_437 = arith.constant 2 : i32
      %add3A_438 = arith.addi %mul3A_233, %add3A_437 : i32
      %get3A_439 = arith.index_cast %add3A_438 : i32 to index
      %get3A_440 = arith.constant 48 : index
      %get3A_441 = tpu.vector_load %arg14[%get3A_439, %get3A_440] {strides = array<i32>} : memref<200x128xf32, #tpu.memory_space<vmem>>, vector<1x16xf32>,
      %get3A_442 = vector.shape_cast %get3A_441 : vector<1x16xf32> to vector<16xf32>
      %add3A_443 = arith.addf %add3A_436, %get3A_442 : vector<16xf32>
      %add3A_444 = arith.constant 3 : i32
      %add3A_445 = arith.addi %mul3A_233, %add3A_444 : i32
      %get3A_446 = arith.index_cast %add3A_445 : i32 to index
      %get3A_447 = arith.constant 48 : index
      %get3A_448 = tpu.vector_load %arg14[%get3A_446, %get3A_447] {strides = array<i32>} : memref<200x128xf32, #tpu.memory_space<vmem>>, vector<1x16xf32>,
      %get3A_449 = vector.shape_cast %get3A_448 : vector<1x16xf32> to vector<16xf32>
      %add3A_450 = arith.addf %add3A_443, %get3A_449 : vector<16xf32>
      %swap3A_451 = arith.index_cast %scan3A_231 : i32 to index
      %swap3A_452 = arith.constant 48 : index
      %swap3A_453 = tpu.vector_load %arg16[%swap3A_451, %swap3A_452] {strides = array<i32>} : memref<50x128xf32, #tpu.memory_space<vmem>>, vector<1x16xf32>,
      %swap3A_454 = vector.shape_cast %swap3A_453 : vector<1x16xf32> to vector<16xf32>
      %swap3A_455 = vector.shape_cast %add3A_450 : vector<16xf32> to vector<1x16xf32>
      tpu.vector_store %arg16[%swap3A_451, %swap3A_452], %swap3A_455 {strides = array<i32>} : memref<50x128xf32, #tpu.memory_space<vmem>>, vector<1x16xf32>,
      %get3A_456 = arith.index_cast %mul3A_233 : i32 to index
      %get3A_457 = arith.constant 64 : index
      %get3A_458 = tpu.vector_load %arg12[%get3A_456, %get3A_457] {strides = array<i32>} : memref<200x128xf32, #tpu.memory_space<vmem>>, vector<1x16xf32>,
      %get3A_459 = vector.shape_cast %get3A_458 : vector<1x16xf32> to vector<16xf32>
      %add3A_460 = arith.constant 1 : i32
      %add3A_461 = arith.addi %mul3A_233, %add3A_460 : i32
      %get3A_462 = arith.index_cast %add3A_461 : i32 to index
      %get3A_463 = arith.constant 64 : index
      %get3A_464 = tpu.vector_load %arg12[%get3A_462, %get3A_463] {strides = array<i32>} : memref<200x128xf32, #tpu.memory_space<vmem>>, vector<1x16xf32>,
      %get3A_465 = vector.shape_cast %get3A_464 : vector<1x16xf32> to vector<16xf32>
      %add3A_466 = arith.addf %get3A_459, %get3A_465 : vector<16xf32>
      %add3A_467 = arith.constant 2 : i32
      %add3A_468 = arith.addi %mul3A_233, %add3A_467 : i32
      %get3A_469 = arith.index_cast %add3A_468 : i32 to index
      %get3A_470 = arith.constant 64 : index
      %get3A_471 = tpu.vector_load %arg12[%get3A_469, %get3A_470] {strides = array<i32>} : memref<200x128xf32, #tpu.memory_space<vmem>>, vector<1x16xf32>,
      %get3A_472 = vector.shape_cast %get3A_471 : vector<1x16xf32> to vector<16xf32>
      %add3A_473 = arith.addf %add3A_466, %get3A_472 : vector<16xf32>
      %add3A_474 = arith.constant 3 : i32
      %add3A_475 = arith.addi %mul3A_233, %add3A_474 : i32
      %get3A_476 = arith.index_cast %add3A_475 : i32 to index
      %get3A_477 = arith.constant 64 : index
      %get3A_478 = tpu.vector_load %arg12[%get3A_476, %get3A_477] {strides = array<i32>} : memref<200x128xf32, #tpu.memory_space<vmem>>, vector<1x16xf32>,
      %get3A_479 = vector.shape_cast %get3A_478 : vector<1x16xf32> to vector<16xf32>
      %add3A_480 = arith.addf %add3A_473, %get3A_479 : vector<16xf32>
      %get3A_481 = arith.index_cast %mul3A_233 : i32 to index
      %get3A_482 = arith.constant 64 : index
      %get3A_483 = tpu.vector_load %arg14[%get3A_481, %get3A_482] {strides = array<i32>} : memref<200x128xf32, #tpu.memory_space<vmem>>, vector<1x16xf32>,
      %get3A_484 = vector.shape_cast %get3A_483 : vector<1x16xf32> to vector<16xf32>
      %add3A_485 = arith.addf %add3A_480, %get3A_484 : vector<16xf32>
      %add3A_486 = arith.constant 1 : i32
      %add3A_487 = arith.addi %mul3A_233, %add3A_486 : i32
      %get3A_488 = arith.index_cast %add3A_487 : i32 to index
      %get3A_489 = arith.constant 64 : index
      %get3A_490 = tpu.vector_load %arg14[%get3A_488, %get3A_489] {strides = array<i32>} : memref<200x128xf32, #tpu.memory_space<vmem>>, vector<1x16xf32>,
      %get3A_491 = vector.shape_cast %get3A_490 : vector<1x16xf32> to vector<16xf32>
      %add3A_492 = arith.addf %add3A_485, %get3A_491 : vector<16xf32>
      %add3A_493 = arith.constant 2 : i32
      %add3A_494 = arith.addi %mul3A_233, %add3A_493 : i32
      %get3A_495 = arith.index_cast %add3A_494 : i32 to index
      %get3A_496 = arith.constant 64 : index
      %get3A_497 = tpu.vector_load %arg14[%get3A_495, %get3A_496] {strides = array<i32>} : memref<200x128xf32, #tpu.memory_space<vmem>>, vector<1x16xf32>,
      %get3A_498 = vector.shape_cast %get3A_497 : vector<1x16xf32> to vector<16xf32>
      %add3A_499 = arith.addf %add3A_492, %get3A_498 : vector<16xf32>
      %add3A_500 = arith.constant 3 : i32
      %add3A_501 = arith.addi %mul3A_233, %add3A_500 : i32
      %get3A_502 = arith.index_cast %add3A_501 : i32 to index
      %get3A_503 = arith.constant 64 : index
      %get3A_504 = tpu.vector_load %arg14[%get3A_502, %get3A_503] {strides = array<i32>} : memref<200x128xf32, #tpu.memory_space<vmem>>, vector<1x16xf32>,
      %get3A_505 = vector.shape_cast %get3A_504 : vector<1x16xf32> to vector<16xf32>
      %add3A_506 = arith.addf %add3A_499, %get3A_505 : vector<16xf32>
      %swap3A_507 = arith.index_cast %scan3A_231 : i32 to index
      %swap3A_508 = arith.constant 64 : index
      %swap3A_509 = tpu.vector_load %arg16[%swap3A_507, %swap3A_508] {strides = array<i32>} : memref<50x128xf32, #tpu.memory_space<vmem>>, vector<1x16xf32>,
      %swap3A_510 = vector.shape_cast %swap3A_509 : vector<1x16xf32> to vector<16xf32>
      %swap3A_511 = vector.shape_cast %add3A_506 : vector<16xf32> to vector<1x16xf32>
      tpu.vector_store %arg16[%swap3A_507, %swap3A_508], %swap3A_511 {strides = array<i32>} : memref<50x128xf32, #tpu.memory_space<vmem>>, vector<1x16xf32>,
      %get3A_512 = arith.index_cast %mul3A_233 : i32 to index
      %get3A_513 = arith.constant 80 : index
      %get3A_514 = tpu.vector_load %arg12[%get3A_512, %get3A_513] {strides = array<i32>} : memref<200x128xf32, #tpu.memory_space<vmem>>, vector<1x16xf32>,
      %get3A_515 = vector.shape_cast %get3A_514 : vector<1x16xf32> to vector<16xf32>
      %add3A_516 = arith.constant 1 : i32
      %add3A_517 = arith.addi %mul3A_233, %add3A_516 : i32
      %get3A_518 = arith.index_cast %add3A_517 : i32 to index
      %get3A_519 = arith.constant 80 : index
      %get3A_520 = tpu.vector_load %arg12[%get3A_518, %get3A_519] {strides = array<i32>} : memref<200x128xf32, #tpu.memory_space<vmem>>, vector<1x16xf32>,
      %get3A_521 = vector.shape_cast %get3A_520 : vector<1x16xf32> to vector<16xf32>
      %add3A_522 = arith.addf %get3A_515, %get3A_521 : vector<16xf32>
      %add3A_523 = arith.constant 2 : i32
      %add3A_524 = arith.addi %mul3A_233, %add3A_523 : i32
      %get3A_525 = arith.index_cast %add3A_524 : i32 to index
      %get3A_526 = arith.constant 80 : index
      %get3A_527 = tpu.vector_load %arg12[%get3A_525, %get3A_526] {strides = array<i32>} : memref<200x128xf32, #tpu.memory_space<vmem>>, vector<1x16xf32>,
      %get3A_528 = vector.shape_cast %get3A_527 : vector<1x16xf32> to vector<16xf32>
      %add3A_529 = arith.addf %add3A_522, %get3A_528 : vector<16xf32>
      %add3A_530 = arith.constant 3 : i32
      %add3A_531 = arith.addi %mul3A_233, %add3A_530 : i32
      %get3A_532 = arith.index_cast %add3A_531 : i32 to index
      %get3A_533 = arith.constant 80 : index
      %get3A_534 = tpu.vector_load %arg12[%get3A_532, %get3A_533] {strides = array<i32>} : memref<200x128xf32, #tpu.memory_space<vmem>>, vector<1x16xf32>,
      %get3A_535 = vector.shape_cast %get3A_534 : vector<1x16xf32> to vector<16xf32>
      %add3A_536 = arith.addf %add3A_529, %get3A_535 : vector<16xf32>
      %get3A_537 = arith.index_cast %mul3A_233 : i32 to index
      %get3A_538 = arith.constant 80 : index
      %get3A_539 = tpu.vector_load %arg14[%get3A_537, %get3A_538] {strides = array<i32>} : memref<200x128xf32, #tpu.memory_space<vmem>>, vector<1x16xf32>,
      %get3A_540 = vector.shape_cast %get3A_539 : vector<1x16xf32> to vector<16xf32>
      %add3A_541 = arith.addf %add3A_536, %get3A_540 : vector<16xf32>
      %add3A_542 = arith.constant 1 : i32
      %add3A_543 = arith.addi %mul3A_233, %add3A_542 : i32
      %get3A_544 = arith.index_cast %add3A_543 : i32 to index
      %get3A_545 = arith.constant 80 : index
      %get3A_546 = tpu.vector_load %arg14[%get3A_544, %get3A_545] {strides = array<i32>} : memref<200x128xf32, #tpu.memory_space<vmem>>, vector<1x16xf32>,
      %get3A_547 = vector.shape_cast %get3A_546 : vector<1x16xf32> to vector<16xf32>
      %add3A_548 = arith.addf %add3A_541, %get3A_547 : vector<16xf32>
      %add3A_549 = arith.constant 2 : i32
      %add3A_550 = arith.addi %mul3A_233, %add3A_549 : i32
      %get3A_551 = arith.index_cast %add3A_550 : i32 to index
      %get3A_552 = arith.constant 80 : index
      %get3A_553 = tpu.vector_load %arg14[%get3A_551, %get3A_552] {strides = array<i32>} : memref<200x128xf32, #tpu.memory_space<vmem>>, vector<1x16xf32>,
      %get3A_554 = vector.shape_cast %get3A_553 : vector<1x16xf32> to vector<16xf32>
      %add3A_555 = arith.addf %add3A_548, %get3A_554 : vector<16xf32>
      %add3A_556 = arith.constant 3 : i32
      %add3A_557 = arith.addi %mul3A_233, %add3A_556 : i32
      %get3A_558 = arith.index_cast %add3A_557 : i32 to index
      %get3A_559 = arith.constant 80 : index
      %get3A_560 = tpu.vector_load %arg14[%get3A_558, %get3A_559] {strides = array<i32>} : memref<200x128xf32, #tpu.memory_space<vmem>>, vector<1x16xf32>,
      %get3A_561 = vector.shape_cast %get3A_560 : vector<1x16xf32> to vector<16xf32>
      %add3A_562 = arith.addf %add3A_555, %get3A_561 : vector<16xf32>
      %swap3A_563 = arith.index_cast %scan3A_231 : i32 to index
      %swap3A_564 = arith.constant 80 : index
      %swap3A_565 = tpu.vector_load %arg16[%swap3A_563, %swap3A_564] {strides = array<i32>} : memref<50x128xf32, #tpu.memory_space<vmem>>, vector<1x16xf32>,
      %swap3A_566 = vector.shape_cast %swap3A_565 : vector<1x16xf32> to vector<16xf32>
      %swap3A_567 = vector.shape_cast %add3A_562 : vector<16xf32> to vector<1x16xf32>
      tpu.vector_store %arg16[%swap3A_563, %swap3A_564], %swap3A_567 {strides = array<i32>} : memref<50x128xf32, #tpu.memory_space<vmem>>, vector<1x16xf32>,
      %get3A_568 = arith.index_cast %mul3A_233 : i32 to index
      %get3A_569 = arith.constant 96 : index
      %get3A_570 = tpu.vector_load %arg12[%get3A_568, %get3A_569] {strides = array<i32>} : memref<200x128xf32, #tpu.memory_space<vmem>>, vector<1x16xf32>,
      %get3A_571 = vector.shape_cast %get3A_570 : vector<1x16xf32> to vector<16xf32>
      %add3A_572 = arith.constant 1 : i32
      %add3A_573 = arith.addi %mul3A_233, %add3A_572 : i32
      %get3A_574 = arith.index_cast %add3A_573 : i32 to index
      %get3A_575 = arith.constant 96 : index
      %get3A_576 = tpu.vector_load %arg12[%get3A_574, %get3A_575] {strides = array<i32>} : memref<200x128xf32, #tpu.memory_space<vmem>>, vector<1x16xf32>,
      %get3A_577 = vector.shape_cast %get3A_576 : vector<1x16xf32> to vector<16xf32>
      %add3A_578 = arith.addf %get3A_571, %get3A_577 : vector<16xf32>
      %add3A_579 = arith.constant 2 : i32
      %add3A_580 = arith.addi %mul3A_233, %add3A_579 : i32
      %get3A_581 = arith.index_cast %add3A_580 : i32 to index
      %get3A_582 = arith.constant 96 : index
      %get3A_583 = tpu.vector_load %arg12[%get3A_581, %get3A_582] {strides = array<i32>} : memref<200x128xf32, #tpu.memory_space<vmem>>, vector<1x16xf32>,
      %get3A_584 = vector.shape_cast %get3A_583 : vector<1x16xf32> to vector<16xf32>
      %add3A_585 = arith.addf %add3A_578, %get3A_584 : vector<16xf32>
      %add3A_586 = arith.constant 3 : i32
      %add3A_587 = arith.addi %mul3A_233, %add3A_586 : i32
      %get3A_588 = arith.index_cast %add3A_587 : i32 to index
      %get3A_589 = arith.constant 96 : index
      %get3A_590 = tpu.vector_load %arg12[%get3A_588, %get3A_589] {strides = array<i32>} : memref<200x128xf32, #tpu.memory_space<vmem>>, vector<1x16xf32>,
      %get3A_591 = vector.shape_cast %get3A_590 : vector<1x16xf32> to vector<16xf32>
      %add3A_592 = arith.addf %add3A_585, %get3A_591 : vector<16xf32>
      %get3A_593 = arith.index_cast %mul3A_233 : i32 to index
      %get3A_594 = arith.constant 96 : index
      %get3A_595 = tpu.vector_load %arg14[%get3A_593, %get3A_594] {strides = array<i32>} : memref<200x128xf32, #tpu.memory_space<vmem>>, vector<1x16xf32>,
      %get3A_596 = vector.shape_cast %get3A_595 : vector<1x16xf32> to vector<16xf32>
      %add3A_597 = arith.addf %add3A_592, %get3A_596 : vector<16xf32>
      %add3A_598 = arith.constant 1 : i32
      %add3A_599 = arith.addi %mul3A_233, %add3A_598 : i32
      %get3A_600 = arith.index_cast %add3A_599 : i32 to index
      %get3A_601 = arith.constant 96 : index
      %get3A_602 = tpu.vector_load %arg14[%get3A_600, %get3A_601] {strides = array<i32>} : memref<200x128xf32, #tpu.memory_space<vmem>>, vector<1x16xf32>,
      %get3A_603 = vector.shape_cast %get3A_602 : vector<1x16xf32> to vector<16xf32>
      %add3A_604 = arith.addf %add3A_597, %get3A_603 : vector<16xf32>
      %add3A_605 = arith.constant 2 : i32
      %add3A_606 = arith.addi %mul3A_233, %add3A_605 : i32
      %get3A_607 = arith.index_cast %add3A_606 : i32 to index
      %get3A_608 = arith.constant 96 : index
      %get3A_609 = tpu.vector_load %arg14[%get3A_607, %get3A_608] {strides = array<i32>} : memref<200x128xf32, #tpu.memory_space<vmem>>, vector<1x16xf32>,
      %get3A_610 = vector.shape_cast %get3A_609 : vector<1x16xf32> to vector<16xf32>
      %add3A_611 = arith.addf %add3A_604, %get3A_610 : vector<16xf32>
      %add3A_612 = arith.constant 3 : i32
      %add3A_613 = arith.addi %mul3A_233, %add3A_612 : i32
      %get3A_614 = arith.index_cast %add3A_613 : i32 to index
      %get3A_615 = arith.constant 96 : index
      %get3A_616 = tpu.vector_load %arg14[%get3A_614, %get3A_615] {strides = array<i32>} : memref<200x128xf32, #tpu.memory_space<vmem>>, vector<1x16xf32>,
      %get3A_617 = vector.shape_cast %get3A_616 : vector<1x16xf32> to vector<16xf32>
      %add3A_618 = arith.addf %add3A_611, %get3A_617 : vector<16xf32>
      %swap3A_619 = arith.index_cast %scan3A_231 : i32 to index
      %swap3A_620 = arith.constant 96 : index
      %swap3A_621 = tpu.vector_load %arg16[%swap3A_619, %swap3A_620] {strides = array<i32>} : memref<50x128xf32, #tpu.memory_space<vmem>>, vector<1x16xf32>,
      %swap3A_622 = vector.shape_cast %swap3A_621 : vector<1x16xf32> to vector<16xf32>
      %swap3A_623 = vector.shape_cast %add3A_618 : vector<16xf32> to vector<1x16xf32>
      tpu.vector_store %arg16[%swap3A_619, %swap3A_620], %swap3A_623 {strides = array<i32>} : memref<50x128xf32, #tpu.memory_space<vmem>>, vector<1x16xf32>,
      %get3A_624 = arith.index_cast %mul3A_233 : i32 to index
      %get3A_625 = arith.constant 112 : index
      %get3A_626 = tpu.vector_load %arg12[%get3A_624, %get3A_625] {strides = array<i32>} : memref<200x128xf32, #tpu.memory_space<vmem>>, vector<1x16xf32>,
      %get3A_627 = vector.shape_cast %get3A_626 : vector<1x16xf32> to vector<16xf32>
      %add3A_628 = arith.constant 1 : i32
      %add3A_629 = arith.addi %mul3A_233, %add3A_628 : i32
      %get3A_630 = arith.index_cast %add3A_629 : i32 to index
      %get3A_631 = arith.constant 112 : index
      %get3A_632 = tpu.vector_load %arg12[%get3A_630, %get3A_631] {strides = array<i32>} : memref<200x128xf32, #tpu.memory_space<vmem>>, vector<1x16xf32>,
      %get3A_633 = vector.shape_cast %get3A_632 : vector<1x16xf32> to vector<16xf32>
      %add3A_634 = arith.addf %get3A_627, %get3A_633 : vector<16xf32>
      %add3A_635 = arith.constant 2 : i32
      %add3A_636 = arith.addi %mul3A_233, %add3A_635 : i32
      %get3A_637 = arith.index_cast %add3A_636 : i32 to index
      %get3A_638 = arith.constant 112 : index
      %get3A_639 = tpu.vector_load %arg12[%get3A_637, %get3A_638] {strides = array<i32>} : memref<200x128xf32, #tpu.memory_space<vmem>>, vector<1x16xf32>,
      %get3A_640 = vector.shape_cast %get3A_639 : vector<1x16xf32> to vector<16xf32>
      %add3A_641 = arith.addf %add3A_634, %get3A_640 : vector<16xf32>
      %add3A_642 = arith.constant 3 : i32
      %add3A_643 = arith.addi %mul3A_233, %add3A_642 : i32
      %get3A_644 = arith.index_cast %add3A_643 : i32 to index
      %get3A_645 = arith.constant 112 : index
      %get3A_646 = tpu.vector_load %arg12[%get3A_644, %get3A_645] {strides = array<i32>} : memref<200x128xf32, #tpu.memory_space<vmem>>, vector<1x16xf32>,
      %get3A_647 = vector.shape_cast %get3A_646 : vector<1x16xf32> to vector<16xf32>
      %add3A_648 = arith.addf %add3A_641, %get3A_647 : vector<16xf32>
      %get3A_649 = arith.index_cast %mul3A_233 : i32 to index
      %get3A_650 = arith.constant 112 : index
      %get3A_651 = tpu.vector_load %arg14[%get3A_649, %get3A_650] {strides = array<i32>} : memref<200x128xf32, #tpu.memory_space<vmem>>, vector<1x16xf32>,
      %get3A_652 = vector.shape_cast %get3A_651 : vector<1x16xf32> to vector<16xf32>
      %add3A_653 = arith.addf %add3A_648, %get3A_652 : vector<16xf32>
      %add3A_654 = arith.constant 1 : i32
      %add3A_655 = arith.addi %mul3A_233, %add3A_654 : i32
      %get3A_656 = arith.index_cast %add3A_655 : i32 to index
      %get3A_657 = arith.constant 112 : index
      %get3A_658 = tpu.vector_load %arg14[%get3A_656, %get3A_657] {strides = array<i32>} : memref<200x128xf32, #tpu.memory_space<vmem>>, vector<1x16xf32>,
      %get3A_659 = vector.shape_cast %get3A_658 : vector<1x16xf32> to vector<16xf32>
      %add3A_660 = arith.addf %add3A_653, %get3A_659 : vector<16xf32>
      %add3A_661 = arith.constant 2 : i32
      %add3A_662 = arith.addi %mul3A_233, %add3A_661 : i32
      %get3A_663 = arith.index_cast %add3A_662 : i32 to index
      %get3A_664 = arith.constant 112 : index
      %get3A_665 = tpu.vector_load %arg14[%get3A_663, %get3A_664] {strides = array<i32>} : memref<200x128xf32, #tpu.memory_space<vmem>>, vector<1x16xf32>,
      %get3A_666 = vector.shape_cast %get3A_665 : vector<1x16xf32> to vector<16xf32>
      %add3A_667 = arith.addf %add3A_660, %get3A_666 : vector<16xf32>
      %add3A_668 = arith.constant 3 : i32
      %add3A_669 = arith.addi %mul3A_233, %add3A_668 : i32
      %get3A_670 = arith.index_cast %add3A_669 : i32 to index
      %get3A_671 = arith.constant 112 : index
      %get3A_672 = tpu.vector_load %arg14[%get3A_670, %get3A_671] {strides = array<i32>} : memref<200x128xf32, #tpu.memory_space<vmem>>, vector<1x16xf32>,
      %get3A_673 = vector.shape_cast %get3A_672 : vector<1x16xf32> to vector<16xf32>
      %add3A_674 = arith.addf %add3A_667, %get3A_673 : vector<16xf32>
      %swap3A_675 = arith.index_cast %scan3A_231 : i32 to index
      %swap3A_676 = arith.constant 112 : index
      %swap3A_677 = tpu.vector_load %arg16[%swap3A_675, %swap3A_676] {strides = array<i32>} : memref<50x128xf32, #tpu.memory_space<vmem>>, vector<1x16xf32>,
      %swap3A_678 = vector.shape_cast %swap3A_677 : vector<1x16xf32> to vector<16xf32>
      %swap3A_679 = vector.shape_cast %add3A_674 : vector<16xf32> to vector<1x16xf32>
      tpu.vector_store %arg16[%swap3A_675, %swap3A_676], %swap3A_679 {strides = array<i32>} : memref<50x128xf32, #tpu.memory_space<vmem>>, vector<1x16xf32>,
    }
    %scan3A_204 = arith.constant 50 : i32
    %add3A_205 = arith.constant 127 : i32
    %add3A_206 = arith.addi %mul3A_2, %add3A_205 : i32
    %dma_start3A_207 = arith.constant 0 : i32
    %dma_start3A_208 = arith.constant 0 : i32
    %dma_start3A_209 = tpu.memref_slice %arg6[%add3A_206, %dma_start3A_207, %dma_start3A_208] : memref<4096x50x128xf32, #tpu.memory_space<hbm>> -> memref<1x50x128xf32, #tpu.memory_space<hbm>>
    %dma_start3A_210 = tpu.memref_squeeze %dma_start3A_209 : memref<1x50x128xf32, #tpu.memory_space<hbm>> -> memref<50x128xf32, #tpu.memory_space<hbm>>
    %dma_start3A_211 = arith.constant 0 : i32
    %dma_start3A_212 = arith.constant 0 : i32
    %dma_start3A_213 = tpu.memref_slice %arg6[%add3A_206, %dma_start3A_211, %dma_start3A_212] : memref<4096x50x128xf32, #tpu.memory_space<hbm>> -> memref<1x50x128xf32, #tpu.memory_space<hbm>>
    %dma_start3A_214 = tpu.memref_squeeze %dma_start3A_213 : memref<1x50x128xf32, #tpu.memory_space<hbm>> -> memref<50x128xf32, #tpu.memory_space<hbm>>
    tpu.enqueue_dma source(%arg16 : memref<50x128xf32, #tpu.memory_space<vmem>>) target(%dma_start3A_214 : memref<50x128xf32, #tpu.memory_space<hbm>>) target_semaphore(%arg22 : memref<!tpu.dma_semaphore, #tpu.memory_space<semaphore_mem>>)
    %dma_wait3A_215 = arith.constant 0 : i32
    %dma_wait3A_216 = arith.constant 0 : i32
    %dma_wait3A_217 = tpu.memref_slice %arg6[%mul3A_2, %dma_wait3A_215, %dma_wait3A_216] : memref<4096x50x128xf32, #tpu.memory_space<hbm>> -> memref<1x50x128xf32, #tpu.memory_space<hbm>>
    %dma_wait3A_218 = tpu.memref_squeeze %dma_wait3A_217 : memref<1x50x128xf32, #tpu.memory_space<hbm>> -> memref<50x128xf32, #tpu.memory_space<hbm>>
    %dma_wait3A_219 = arith.constant 0 : i32
    %dma_wait3A_220 = arith.constant 0 : i32
    %dma_wait3A_221 = tpu.memref_slice %arg6[%mul3A_2, %dma_wait3A_219, %dma_wait3A_220] : memref<4096x50x128xf32, #tpu.memory_space<hbm>> -> memref<1x50x128xf32, #tpu.memory_space<hbm>>
    %dma_wait3A_222 = tpu.memref_squeeze %dma_wait3A_221 : memref<1x50x128xf32, #tpu.memory_space<hbm>> -> memref<50x128xf32, #tpu.memory_space<hbm>>
    tpu.wait_dma2 semaphore(%arg21 : memref<!tpu.dma_semaphore, #tpu.memory_space<semaphore_mem>>) src(%arg15 : memref<50x128xf32, #tpu.memory_space<vmem>>) dst(%dma_wait3A_222 : memref<50x128xf32, #tpu.memory_space<hbm>>)
    %dma_wait3A_223 = arith.constant 0 : i32
    %dma_wait3A_224 = arith.constant 0 : i32
    %dma_wait3A_225 = tpu.memref_slice %arg6[%mul3A_2, %dma_wait3A_223, %dma_wait3A_224] : memref<4096x50x128xf32, #tpu.memory_space<hbm>> -> memref<1x50x128xf32, #tpu.memory_space<hbm>>
    %dma_wait3A_226 = tpu.memref_squeeze %dma_wait3A_225 : memref<1x50x128xf32, #tpu.memory_space<hbm>> -> memref<50x128xf32, #tpu.memory_space<hbm>>
    %dma_wait3A_227 = arith.constant 0 : i32
    %dma_wait3A_228 = arith.constant 0 : i32
    %dma_wait3A_229 = tpu.memref_slice %arg6[%mul3A_2, %dma_wait3A_227, %dma_wait3A_228] : memref<4096x50x128xf32, #tpu.memory_space<hbm>> -> memref<1x50x128xf32, #tpu.memory_space<hbm>>
    %dma_wait3A_230 = tpu.memref_squeeze %dma_wait3A_229 : memref<1x50x128xf32, #tpu.memory_space<hbm>> -> memref<50x128xf32, #tpu.memory_space<hbm>>
    tpu.wait_dma2 semaphore(%arg22 : memref<!tpu.dma_semaphore, #tpu.memory_space<semaphore_mem>>) src(%arg16 : memref<50x128xf32, #tpu.memory_space<vmem>>) dst(%dma_wait3A_230 : memref<50x128xf32, #tpu.memory_space<hbm>>)
    return
  }
}

module attributes {stable_mosaic.version = 14 : i64} {
  func.func @_mask_body(%arg0: memref<4096x1xi32, #tpu.memory_space<vmem>>, %arg1: memref<4096x50xi32, #tpu.memory_space<vmem>>) attributes {dimension_semantics = [], scalar_prefetch = 0 : i64, scratch_operands = 0 : i64, tpu.core_type = #tpu.core_type<tc>} {
    %iota3A = tpu.iota {dimensions = array<i32: 1>} : vector<4096x50xi32>
    %get3A = arith.constant 0 : index
    %get3A_0 = arith.constant 0 : index
    %get3A_1 = vector.load %arg0[%get3A, %get3A_0] : memref<4096x1xi32, #tpu.memory_space<vmem>>, vector<4096x1xi32>
    %lt3A = vector.broadcast %get3A_1 : vector<4096x1xi32> to vector<4096x50xi32>
    %lt3A_2 = arith.cmpi slt, %iota3A, %lt3A : vector<4096x50xi32>
    %swap3A = arith.constant 0 : index
    %swap3A_3 = arith.constant 0 : index
    %swap3A_4 = vector.load %arg1[%swap3A, %swap3A_3] : memref<4096x50xi32, #tpu.memory_space<vmem>>, vector<4096x50xi32>
    %swap3A_5 = arith.extui %lt3A_2 : vector<4096x50xi1> to vector<4096x50xi32>
    %swap3A_6 = arith.constant dense<0> : vector<4096x50xi32>
    %swap3A_7 = arith.cmpi ne, %swap3A_4, %swap3A_6 : vector<4096x50xi32>
    tpu.vector_store %arg1[%swap3A, %swap3A_3], %swap3A_5 {strides = array<i32>} : memref<4096x50xi32, #tpu.memory_space<vmem>>, vector<4096x50xi32>,
    return
  }
}

</mosaic_0001>

<sc_bundles>
// kernel: kernel.4.cloned.1.call-start
scs
__scs_entry_jumppad:
0x0: {  	(pc) =	sbr.rel $0x88, $3  }
0x1: {  	(tag) =	ssettag $0x0;
	lr =	simm.s32 $0x1  }
0x2: {  	[smem:$0x3F9C] =	sst lr;
	_ =	strace $0xD0000000  }
0x3: {  	_ = 	snop  }
0x4: {  	_ = 	snop  }
0x5: {  	_ = 	snop  }
0x6: {  	_ = 	snop  }
0x7: {  	_ = 	snop  }
__scs_overlays_trampoline_lowered:
0x8: {  	[smem:$0x3FAB] =	sst s0  }
0x9: {  	[smem:$0x3FAC] =	sst s1  }
0xa: {  	[smem:$0x3FAD] =	sst s2  }
0xb: {  	[smem:$0x3FAE] =	sst s3  }
0xc: {  	[smem:$0x3FAF] =	sst s4  }
0xd: {  	[smem:$0x3FB0] =	sst s5  }
0xe: {  	[smem:$0x3FB1] =	sst s6  }
0xf: {  	[smem:$0x3FB2] =	sst s7  }
0x10: {  	[smem:$0x3FB3] =	sst s8  }
0x11: {  	[smem:$0x3FB4] =	sst s9;
	s0 =	simm.s32 @!p0 $0x0  }
0x12: {  	s1 =	sld [smem:$0x3F9A];
	s0 =	simm.s32 @p0 $0x1  }
0x13: {  	[smem:$0x3FB5] =	sst s0;
	s0 =	simm.s32 @!p1 $0x0  }
0x14: {  	s2 =	sld [smem:$0x3F99];
	s0 =	simm.s32 @p1 $0x1  }
0x15: {  	[smem:$0x3FB6] =	sst s0;
	s0 =	simm.s32 @!p2 $0x0  }
0x16: {  	s3 =	sld [smem:$0x3FDB];
	s0 =	simm.s32 @p2 $0x1  }
0x17: {  	s4 =	simm.s32 $0x1BF5;
	[smem:$0x3FB8] =	sst s0  }
0x18: {  	s0 =	sld [smem:$0x3F9B];
	_ =	swait.ge [sflag:s4], $0x0  }
0x19: {  	s7 =	sld [smem:$0x3F9C]  }
0x1a: {  	s8 =	sadd.s32 $0xFFFFE003, lr  }
0x1b: {  	s9 =	sadd.s32 $0xFFFFFEF7, lr;
	s5 =	simm.s32 $0xFFFFFFFF;
	p2 =	slt.u32 s8, $0xFFFFF086  }
0x1c: {  	p1 =	slt.u32 s9, $0xF7A;
	s5 =	simm.s32 @!p2 $0x0  }
0x1d: {  	s5 =	simm.s32 @p1 $0x1;
	p0 =	seq.s32 s7, s2  }
0x1e: {  	s7 =	smul.u32 @!p0 $0xF7A, s2;
	p2 =	seq.s32 @!p0 s5, $0x0  }
0x1f: {  	s9 =	smul.u32 $0xF7A, s1;
	s8 =	simm.s32 @!p0 $0x1BF5;
	p2 =	por !p2, p0  }
0x20: {  	[sflag:s8] =	ssyncset.s32 @!p0 $0xFFFFF086;
	s6 =	sadd.s32 @!p0 s3, s7;
	s7 =	simm.s32 @!p0 $0x108  }
0x21: {  	s3 =	sadd.s32 s3, s9;
	s6 =	sadd.s32 @!p0 $0x88, s6;
	s7 =	simm.s32 @p2 $0x1082  }
0x22: {  	[simem:s7], [sflag:s8] =	dma.local @!p0 [hbm:s6], $0xF7A  }
0x23: {  	s9 =	sor.u32 $0xD0000000, s2;
	s6 =	simm.s32 $0x108;
	_ =	swait.ge @!p0 [sflag:s8], $0x0  }
0x24: {  	s3 =	sadd.s32 $0x88, s3;
	s6 =	simm.s32 @!p1 $0x1082;
	[sflag:s4] =	ssyncset.s32 $0xFFFFF086  }
0x25: {  	[simem:s6], [sflag:s4] =	dma.local [hbm:s3], $0xF7A  }
0x26: {  	[smem:$0x3F9C] =	sst s1;
	(tag) =	ssettag s2;
	_ =	strace s9  }
0x27: {  	s1 =	sld [smem:$0x3FAC]  }
0x28: {  	s2 =	sld [smem:$0x3FAD]  }
0x29: {  	s4 =	sld [smem:$0x3FAF]  }
0x2a: {  	p0 =	seq.s32 s5, $0x0;
	s5 =	sld [smem:$0x3FB0]  }
0x2b: {  	s6 =	sld [smem:$0x3FB1]  }
0x2c: {  	s7 =	sld [smem:$0x3FB2]  }
0x2d: {  	s3 =	simm.s32 $0x108;
	s8 =	sld [smem:$0x3FB3]  }
0x2e: {  	s3 =	simm.s32 @!p0 $0x1082;
	s9 =	sld [smem:$0x3FB4]  }
0x2f: {  	lr =	sadd.s32 s0, s3;
	s0 =	sld [smem:$0x3FAB]  }
0x30: {  	s3 =	sld [smem:$0x3FAE]  }
0x31: {  	[smem:$0x3FB7] =	sst s10  }
0x32: {  	s10 =	sld [smem:$0x3FB5];
	_ =	sdelay $0x3  }
0x33: {  	p0 =	seq.s32 s10, $0x1;
	s10 =	sld [smem:$0x3FB7];
	_ =	sdelay $0x3  }
0x34: {  	[smem:$0x3FB7] =	sst s10  }
0x35: {  	s10 =	sld [smem:$0x3FB6];
	_ =	sdelay $0x3  }
0x36: {  	p1 =	seq.s32 s10, $0x1;
	s10 =	sld [smem:$0x3FB7];
	_ =	sdelay $0x3  }
0x37: {  	[smem:$0x3FB7] =	sst s10  }
0x38: {  	s10 =	sld [smem:$0x3FB8]  }
0x39: {  	_ = 	snop;
	(pc) =	sbr.ind lr, $3  }
0x3a: {  	_ = 	snop  }
0x3b: {  	_ = 	snop  }
0x3c: {  	p2 =	seq.s32 s10, $0x1;
	s10 =	sld [smem:$0x3FB7]  }
0x3d: {  	_ =	shalt  }
0x3e: {  	_ =	shalt  }
0x3f: {  	_ =	shalt  }
0x40: {  	_ =	shalt  }
0x41: {  	_ =	shalt  }
0x42: {  	_ =	shalt  }
0x43: {  	_ =	shalt  }
0x44: {  	_ =	shalt  }
0x45: {  	_ =	shalt  }
0x46: {  	_ =	shalt  }
0x47: {  	_ =	shalt  }
0x48: {  	_ =	shalt  }
0x49: {  	_ =	shalt  }
0x4a: {  	_ =	shalt  }
0x4b: {  	_ =	shalt  }
0x4c: {  	_ =	shalt  }
0x4d: {  	_ =	shalt  }
0x4e: {  	_ =	shalt  }
0x4f: {  	_ =	shalt  }
0x50: {  	_ =	shalt  }
0x51: {  	_ =	shalt  }
0x52: {  	_ =	shalt  }
0x53: {  	_ =	shalt  }
0x54: {  	_ =	shalt  }
0x55: {  	_ =	shalt  }
0x56: {  	_ =	shalt  }
0x57: {  	_ =	shalt  }
0x58: {  	_ =	shalt  }
0x59: {  	_ =	shalt  }
0x5a: {  	_ =	shalt  }
0x5b: {  	_ =	shalt  }
0x5c: {  	_ =	shalt  }
0x5d: {  	_ =	shalt  }
0x5e: {  	_ =	shalt  }
0x5f: {  	_ =	shalt  }
0x60: {  	_ =	shalt  }
0x61: {  	_ =	shalt  }
0x62: {  	_ =	shalt  }
0x63: {  	_ =	shalt  }
0x64: {  	_ =	shalt  }
0x65: {  	_ =	shalt  }
0x66: {  	_ =	shalt  }
0x67: {  	_ =	shalt  }
0x68: {  	_ =	shalt  }
0x69: {  	_ =	shalt  }
0x6a: {  	_ =	shalt  }
0x6b: {  	_ =	shalt  }
0x6c: {  	_ =	shalt  }
0x6d: {  	_ =	shalt  }
0x6e: {  	_ =	shalt  }
0x6f: {  	_ =	shalt  }
0x70: {  	_ =	shalt  }
0x71: {  	_ =	shalt  }
0x72: {  	_ =	shalt  }
0x73: {  	_ =	shalt  }
0x74: {  	_ =	shalt  }
0x75: {  	_ =	shalt  }
0x76: {  	_ =	shalt  }
0x77: {  	_ =	shalt  }
0x78: {  	_ =	shalt  }
0x79: {  	_ =	shalt  }
0x7a: {  	_ =	shalt  }
0x7b: {  	_ =	shalt  }
0x7c: {  	_ =	shalt  }
0x7d: {  	_ =	shalt  }
0x7e: {  	_ =	shalt  }
0x7f: {  	_ =	shalt  }
0x80: {  	_ =	shalt  }
0x81: {  	_ =	shalt  }
0x82: {  	_ =	shalt  }
0x83: {  	_ =	shalt  }
0x84: {  	_ =	shalt  }
0x85: {  	_ =	shalt  }
0x86: {  	_ =	shalt  }
0x87: {  	_ =	shalt  }
.Lfunc_end0:
.L_simem_size_0:
called_computation_lowered:
.L_overlay_start_0:
0x88: {  	s2 =	sld [smem:$0x3FD9]  }
0x89: {  	s3 =	sld [smem:$0x3FFE];
	_ =	sdelay $0x1  }
0x8a: {  	s1 =	srdreg.scid  }
0x8b: {  	s0 =	sand.u32 $0x1, s1  }
0x8c: {  	s14 =	sshll.u32 s0, $0xA;
	s2 =	sadd.s32 s3, s2  }
0x8d: {  	s2 =	sadd.s32 s2, s14  }
0x8e: {  	[smem:$0x3FC3] =	sst s2  }
0x8f: {  	_ = 	snop  }
0x90: {  	s2 =	sld [smem:$0x3FD0];
	_ =	sdelay $0x1  }
0x91: {  	s15 =	sld [smem:$0x3FC6]  }
0x92: {  	s5 =	simm.s32 $0xA;
	s6 =	simm.s32 $0x10;
	s4 =	sld [smem:$0x3FC5]  }
0x93: {  	[smem:s6], [sflag:s5] =	dma.local [hbm:s2], $0x1  }
0x94: {  	_ =	swait.eq [sflag:s5], $0x1  }
0x95: {  	[sflag:s5] =	ssyncset.done $0x0  }
0x96: {  	[sflag:s5] =	ssyncadd.s32 $0xFFFFFFFF  }
0x97: {  	s16 =	sld [smem:$0x10];
	(tm) =	ssettm $0x1  }
0x98: {  	s17 =	sld [smem:$0x3FFB];
	_ =	sdelay $0x3  }
0x99: {  	_ =	strace s17  }
0x9a: {  	s5 =	sld [smem:$0x3FFC];
	_ =	sdelay $0x3  }
0x9b: {  	_ =	strace s5  }
0x9c: {  	s5 =	sld [smem:$0x3FFD];
	_ =	sdelay $0x3  }
0x9d: {  	_ =	strace s5  }
0x9e: {  	_ =	strace $0x8FFFFFFF  }
0x9f: {  	s18 =	sld [smem:$0x3FDB];
	_ =	sdelay $0x1  }
0xa0: {  	s19 =	simm.s32 $_scs_section_size  }
0xa1: {  	s7 =	simm.s32 $_size__tile_overlayer_lowered;
	s8 =	simm.s32 $_tile_overlayer_lowered  }
0xa2: {  	s22 =	simm.s32 $0x1BFF;
	s21 =	sshll.u32 s8, $0x1;
	s5 =	sadd.s32 s19, s18  }
0xa3: {  	s9 =	simm.s32 $0x0;
	s20 =	sshll.u32 s7, $0x1;
	s7 =	sadd.s32 s21, s5  }
0xa4: {  	[timem:s9], [sflag:s22] =	dma.local [hbm:s7], s20  }
0xa5: {  	_ =	swait.ge [sflag:s22], s20  }
0xa6: {  	s6 =	ssub.s32 $0x0, s20;
	[sflag:s22] =	ssyncset.done $0x0  }
0xa7: {  	[sflag:s22] =	ssyncadd.s32 s6;
	_ =	sdelay $0x1  }
0xa8: {  	s23 =	simm.s32 $0x1B8B  }
0xa9: {  	_ =	swait.ge [sflag:s23], $0x1  }
0xaa: {  	[sflag:s23] =	ssyncset.done $0x0  }
0xab: {  	s25 =	simm.s32 $0x1B8E;
	s24 =	sld [smem:$0x3FFE];
	[sflag:s23] =	ssyncadd.s32 $0xFFFFFFFF  }
0xac: {  	s26 =	simm.s32 $execute0_lowered;
	[smem:$0x3FD2] =	sst s25  }
0xad: {  	s7 =	sshll.u32 s26, $0x1;
	_ =	strace $0x80000046;
	[dreg:$0x1] =	wrdreg $0xFFFFFFFF  }
0xae: {  	s28 =	simm.s32 $_size_execute0_lowered;
	s5 =	sadd.s32 s5, s7;
	[dreg:$0x0] =	wrdreg $0x0  }
0xaf: {  	s7 =	sshll.u32 s28, $0x1;
	[dreg:$0x2] =	wrdreg s5  }
0xb0: {  	[dreg:$0x3] =	wrdreg s7  }
0xb1: {  	[dreg:$0x4] =	wrdreg $0xC0  }
0xb2: {  	_ =	task [dreg:s9], $0x5FFFF  }
0xb3: {  	[dreg:$0x1] =	wrdreg $0xFFFFFFFF  }
0xb4: {  	[dreg:$0x0] =	wrdreg $0x60  }
0xb5: {  	[dreg:$0x2] =	wrdreg s16  }
0xb6: {  	[dreg:$0x3] =	wrdreg s24  }
0xb7: {  	[dreg:$0x4] =	wrdreg s15  }
0xb8: {  	[dreg:$0x5] =	wrdreg s4  }
0xb9: {  	[dreg:$0x6] =	wrdreg $0x9  }
0xba: {  	_ =	task.clear_ibuf [dreg:s9], $0x7FFFF;
	_ =	strace $0x90000046  }
0xbb: {  	s29 =	simm.s32 $0x9;
	_ =	strace $0x80000048  }
0xbc: {  	_ =	swait.ge [sflag:s29], $0x1  }
0xbd: {  	[sflag:s29] =	ssyncadd.s32 $0xFFFFFFFF  }
0xbe: {  	_ =	strace $0x90000048  }
0xbf: {  	_ =	sfence  }
0xc0: {  	s30 =	sld [smem:$0x0];
	_ =	sdelay $0x2  }
0xc1: {  	s31 =	sshll.u32 s1, $0xD;
	s1 =	sshrl.u32 s1, $0x2  }
0xc2: {  	s3 =	sand.u32 $0x4000, s31;
	s1 =	sadd.s32 s1, s30  }
0xc3: {  	s0 =	sor.u32 s3, s0;
	s1 =	sshll.u32 s1, $0x11  }
0xc4: {  	s0 =	sor.u32 s1, s0  }
0xc5: {  	s0 =	sadd.s32 $0x8F2B, s0  }
0xc6: {  	[sflag:s0] =	ssyncadd.remote.s32 $0x1  }
0xc7: {  	_ =	sfence.sel $0xFFFF  }
0xc8: {  	[dreg:$0x0] =	wrdreg $0xFFFFFFFF;
	(pc) =	sbr.abs _section_cstart, $3  }
0xc9: {  	[dreg:$0x1] =	wrdreg $0xFFFFFFFF  }
0xca: {  	_ =	task.clear_ibuf [dreg:s9], $0x2FFFF;
	_ =	strace $0x9FFFFFFF  }
0xcb: {  	(tm) =	ssettm $0x7FFFFFFF  }
tec
execute0_lowered:
.L_overlay_start_1:
0x0: {  	(tag) =	ssettag $0x1  }
0x1: {  	s1 =	rddreg [dreg:$0x0]  }
0x2: {  	s0 =	rddreg [dreg:$0x1]  }
0x3: {  	s2 =	rddreg [dreg:$0x2]  }
0x4: {  	s4 =	rddreg [dreg:$0x3];
	s5 =	simm.s32 $0x0  }
0x5: {  	s3 =	srdreg.scid;
	s6 =	stileid.u32;
	s18 =	simm.s32 $0x200  }
0x6: {  	s19 =	simm.s32 $0x100;
	s20 =	simm.s32 $0x300;
	s21 =	simm.s32 $0x1  }
0x7: {  	s22 =	simm.s32 $0x80;
	s30 =	simm.s32 $0x2;
	s11 =	simm.s32 $0x17000  }
0x8: {  	s12 =	simm.s32 $0x3;
	s15 =	simm.s32 $0x19400;
	s16 =	simm.s32 $0x4  }
0x9: {  	s17 =	simm.s32 $0x1B000;
	s3 =	sand.u32 $0x1, s3;
	s6 =	sshll.u32 s6, $0x1  }
0xa: {  	[smem:$0x7FF] =	sst s5;
	s7 =	sadd.s32 $0x800, s0;
	s8 =	sor.u32 s3, s6  }
0xb: {  	_ =	strace $0x80000047;
	s3 =	ssub.s32 $0x2, s3;
	s9 =	smul.u32 $0xC80, s8  }
0xc: {  	s23 =	sshrl.u32 s3, $0x1;
	s10 =	smul.u32 $0xE0000, s8;
	s8 =	sshll.u32 s8, $0x7  }
0xd: {  	s6 =	sadd.s32 $0x380800, s0;
	s0 =	ssub.s32 s3, s23;
	s13 =	sor.u32 $0x2, s8  }
0xe: {  	s14 =	sor.u32 $0x3, s8;
	s24 =	sadd.s32 s1, s9;
	s25 =	sadd.s32 s6, s9  }
0xf: {  	s26 =	sor.u32 $0x19, s9;
	s28 =	sshrl.u32 s10, $0x3;
	[dreg:$0x5] =	wrdreg s24  }
0x10: {  	s0 =	smax.u32 s0, $0x1;
	s10 =	simm.s32 $0x380;
	[dreg:$0x6] =	wrdreg s25  }
0x11: {  	s29 =	sadd.s32 s1, s26;
	s3 =	sadd.s32 s6, s26;
	[dreg:$0xb] =	wrdreg s0  }
0x12: {  	s31 =	sadd.s32 s7, s28;
	s24 =	simm.s32 $0x48;
	[dreg:$0x7] =	wrdreg s29  }
0x13: {  	s0 =	simm.s32 $0x180;
	[dreg:$0x8] =	wrdreg s3;
	s9 =	sadd.s32 $0x1B900, s31  }
0x14: {  	s25 =	simm.s32 $0x0;
	s3 =	sadd.s32 $0x1BC80, s31;
	[dreg:$0x9] =	wrdreg s9  }
0x15: {  	[dreg:$0xa] =	wrdreg s3;
	s3 =	simm.s32 $0xA800;
	s9 =	simm.s32 $0x13000  }
.LBB2_1:
0x16: {  	[dreg:$0xc] =	wrdreg s25  }
0x17: {  	s23 =	rddreg [dreg:$0x5]  }
0x18: {  	[tilespmem:s5], [sflag:$0x1] =	stream.linear.gather [hbm4b:s23+s5], $0xC8, $0x38;
	[tilespmem:$0x1CC00] =	vst v63  }
0x19: {  	s28 =	rddreg [dreg:$0x6]  }
0x1a: {  	[tilespmem:s18], [sflag:$0x1] =	stream.linear.gather [hbm4b:s28+s5], $0xC8, $0x38;
	[tilespmem:$0x1CC00] =	vst v63  }
0x1b: {  	s29 =	rddreg [dreg:$0x7]  }
0x1c: {  	[tilespmem:s19], [sflag:$0x2] =	stream.linear.gather [hbm4b:s29+s5], $0xC8, $0x38;
	[tilespmem:$0x1CC00] =	vst v63  }
0x1d: {  	s31 =	rddreg [dreg:$0x8]  }
0x1e: {  	[tilespmem:s20], [sflag:$0x2] =	stream.linear.gather [hbm4b:s31+s5], $0xC8, $0x38;
	[tilespmem:$0x1CC00] =	vst v63  }
0x1f: {  	_ =	swait.ge [sflag:s21], $0xC8  }
0x20: {  	[sflag:s21] =	ssyncset.done $0x0  }
0x21: {  	[sflag:s21] =	ssyncadd.s32 $0xFFFFFF38  }
0x22: {  	_ =	swait.ge [sflag:s21], $0xC8  }
0x23: {  	[sflag:s21] =	ssyncset.done $0x0  }
0x24: {  	s25 =	simm.s32 $0x400;
	[sflag:s21] =	ssyncadd.s32 $0xFFFFFF38  }
0x25: {  	[tilespmem:s25], [sflag:$0x3] =	stream.indirect.gather [hbm4b:s2+s22], $0x80, s5, s22, $0xb8;
	[tilespmem:$0x1CC00] =	vst v63  }
0x26: {  	s26 =	simm.s32 $0x4400  }
0x27: {  	[tilespmem:s26], [sflag:$0x3] =	stream.indirect.gather [hbm4b:s2+s24], $0x80, s22, s24, $0xb8;
	[tilespmem:$0x1CC00] =	vst v63  }
0x28: {  	s28 =	simm.s32 $0xCC00  }
0x29: {  	[tilespmem:s28], [sflag:$0x3] =	stream.indirect.gather [hbm4b:s4+s22], $0x80, s18, s22, $0xb8;
	[tilespmem:$0x1CC00] =	vst v63  }
0x2a: {  	s23 =	simm.s32 $0x0;
	s29 =	simm.s32 $0x280;
	s31 =	simm.s32 $0x10C00  }
0x2b: {  	[tilespmem:s31], [sflag:$0x3] =	stream.indirect.gather [hbm4b:s4+s24], $0x80, s29, s24, $0xb8;
	[tilespmem:$0x1CC00] =	vst v63  }
.LBB2_2:
0x2c: {  	_ =	swait.ge [sflag:s30], $0xC8  }
0x2d: {  	[sflag:s30] =	ssyncset.done $0x0  }
0x2e: {  	[sflag:s30] =	ssyncadd.s32 $0xFFFFFF38  }
0x2f: {  	_ =	swait.ge [sflag:s30], $0xC8  }
0x30: {  	[sflag:s30] =	ssyncset.done $0x0  }
0x31: {  	s25 =	simm.s32 $0x6800;
	[sflag:s30] =	ssyncadd.s32 $0xFFFFFF38  }
0x32: {  	[tilespmem:s25], [sflag:$0x4] =	stream.indirect.gather [hbm4b:s2+s22], $0x80, s19, s22, $0xb8;
	[tilespmem:$0x1CC00] =	vst v63  }
0x33: {  	_ = 	snop  }
0x34: {  	[tilespmem:s3], [sflag:$0x4] =	stream.indirect.gather [hbm4b:s2+s24], $0x80, s0, s24, $0xb8;
	[tilespmem:$0x1CC00] =	vst v63  }
0x35: {  	_ = 	snop  }
0x36: {  	[tilespmem:s9], [sflag:$0x4] =	stream.indirect.gather [hbm4b:s4+s22], $0x80, s20, s22, $0xb8;
	[tilespmem:$0x1CC00] =	vst v63  }
0x37: {  	_ = 	snop  }
0x38: {  	[tilespmem:s11], [sflag:$0x4] =	stream.indirect.gather [hbm4b:s4+s24], $0x80, s10, s24, $0xb8;
	[tilespmem:$0x1CC00] =	vst v63  }
0x39: {  	_ =	swait.ge [sflag:s12], $0x4000  }
0x3a: {  	[sflag:s12] =	ssyncset.done $0x0  }
0x3b: {  	[sflag:s12] =	ssyncadd.s32 $0xFFFFC000  }
0x3c: {  	_ =	swait.ge [sflag:s12], $0x2400  }
0x3d: {  	[sflag:s12] =	ssyncset.done $0x0  }
0x3e: {  	[sflag:s12] =	ssyncadd.s32 $0xFFFFDC00  }
0x3f: {  	_ =	swait.ge [sflag:s12], $0x4000  }
0x40: {  	s25 =	sshll.u32 s23, $0x1;
	[sflag:s12] =	ssyncset.done $0x0  }
0x41: {  	s26 =	sadd.s32 s25, s13;
	[sflag:s12] =	ssyncadd.s32 $0xFFFFC000  }
0x42: {  	s26 =	smul.u32 $0x19, s26;
	_ =	swait.ge [sflag:s12], $0x2400  }
0x43: {  	[sflag:s12] =	ssyncset.done $0x0  }
0x44: {  	s28 =	sadd.s32 s1, s26;
	[sflag:s12] =	ssyncadd.s32 $0xFFFFDC00  }
0x45: {  	[tilespmem:s5], [sflag:$0x1] =	stream.linear.gather [hbm4b:s28+s5], $0xC8, $0x38;
	[tilespmem:$0x1CC00] =	vst v63  }
0x46: {  	p0 =	seq.s32 s23, $0x0;
	s26 =	sadd.s32 s6, s26  }
0x47: {  	[tilespmem:s18], [sflag:$0x1] =	stream.linear.gather [hbm4b:s26+s5], $0xC8, $0x38;
	[tilespmem:$0x1CC00] =	vst v63  }
0x48: {  	s26 =	simm.s32 @!p0 $0x5  }
0x49: {  	_ =	swait.ge @!p0 [sflag:s26], $0x1900  }
0x4a: {  	[sflag:s26] =	ssyncset.done @!p0 $0x0  }
0x4b: {  	s28 =	simm.s32 $0x0;
	[sflag:s26] =	ssyncadd.s32 @!p0 $0xFFFFE700  }
0x4c: {  	v0 =	vld [tilespmem:s28+$0x400]  }
0x4d: {  	v1 =	vld [tilespmem:s28+$0x480];
	_ =	sdelay $0x1  }
0x4e: {  	v2 =	vld [tilespmem:s28+$0x500];
	_ =	sdelay $0x1  }
0x4f: {  	v3 =	vld [tilespmem:s28+$0x580]  }
0x50: {  	v0 =	vadd.f32 v1, v0  }
0x51: {  	v1 =	vld [tilespmem:s28+$0xCC00]  }
0x52: {  	v0 =	vadd.f32 v2, v0  }
0x53: {  	v2 =	vld [tilespmem:s28+$0xCC80]  }
0x54: {  	v0 =	vadd.f32 v3, v0  }
0x55: {  	v3 =	vld [tilespmem:s28+$0xCD00]  }
0x56: {  	v0 =	vadd.f32 v1, v0  }
0x57: {  	v1 =	vld [tilespmem:s28+$0xCD80]  }
0x58: {  	v0 =	vadd.f32 v2, v0;
	_ =	sdelay $0x1  }
0x59: {  	v0 =	vadd.f32 v3, v0;
	_ =	sdelay $0x1  }
0x5a: {  	v0 =	vadd.f32 v1, v0  }
0x5b: {  	s26 =	simm.s32 $0x19440  }
0x5c: {  	[tilespmem:s26+$0xFFFFFFC0] =	vst v0  }
0x5d: {  	v0 =	vld [tilespmem:s28+$0x410]  }
0x5e: {  	v1 =	vld [tilespmem:s28+$0x490];
	_ =	sdelay $0x1  }
0x5f: {  	v2 =	vld [tilespmem:s28+$0x510];
	_ =	sdelay $0x1  }
0x60: {  	v3 =	vld [tilespmem:s28+$0x590]  }
0x61: {  	v0 =	vadd.f32 v1, v0  }
0x62: {  	v1 =	vld [tilespmem:s28+$0xCC10]  }
0x63: {  	v0 =	vadd.f32 v2, v0  }
0x64: {  	v2 =	vld [tilespmem:s28+$0xCC90]  }
0x65: {  	v0 =	vadd.f32 v3, v0  }
0x66: {  	v3 =	vld [tilespmem:s28+$0xCD10]  }
0x67: {  	v0 =	vadd.f32 v1, v0  }
0x68: {  	v1 =	vld [tilespmem:s28+$0xCD90]  }
0x69: {  	v0 =	vadd.f32 v2, v0;
	_ =	sdelay $0x1  }
0x6a: {  	v0 =	vadd.f32 v3, v0;
	_ =	sdelay $0x1  }
0x6b: {  	v0 =	vadd.f32 v1, v0;
	_ =	sdelay $0x1  }
0x6c: {  	[tilespmem:s26+$0xFFFFFFD0] =	vst v0  }
0x6d: {  	v0 =	vld [tilespmem:s28+$0x420]  }
0x6e: {  	v1 =	vld [tilespmem:s28+$0x4A0];
	_ =	sdelay $0x1  }
0x6f: {  	v2 =	vld [tilespmem:s28+$0x520];
	_ =	sdelay $0x1  }
0x70: {  	v3 =	vld [tilespmem:s28+$0x5A0]  }
0x71: {  	v0 =	vadd.f32 v1, v0  }
0x72: {  	v1 =	vld [tilespmem:s28+$0xCC20]  }
0x73: {  	v0 =	vadd.f32 v2, v0  }
0x74: {  	v2 =	vld [tilespmem:s28+$0xCCA0]  }
0x75: {  	v0 =	vadd.f32 v3, v0  }
0x76: {  	v3 =	vld [tilespmem:s28+$0xCD20]  }
0x77: {  	v0 =	vadd.f32 v1, v0  }
0x78: {  	v1 =	vld [tilespmem:s28+$0xCDA0]  }
0x79: {  	v0 =	vadd.f32 v2, v0;
	_ =	sdelay $0x1  }
0x7a: {  	v0 =	vadd.f32 v3, v0;
	_ =	sdelay $0x1  }
0x7b: {  	v0 =	vadd.f32 v1, v0;
	_ =	sdelay $0x1  }
0x7c: {  	[tilespmem:s26+$0xFFFFFFE0] =	vst v0  }
0x7d: {  	v0 =	vld [tilespmem:s28+$0x430]  }
0x7e: {  	v1 =	vld [tilespmem:s28+$0x4B0];
	_ =	sdelay $0x1  }
0x7f: {  	v2 =	vld [tilespmem:s28+$0x530];
	_ =	sdelay $0x1  }
0x80: {  	v3 =	vld [tilespmem:s28+$0x5B0]  }
0x81: {  	v0 =	vadd.f32 v1, v0  }
0x82: {  	v1 =	vld [tilespmem:s28+$0xCC30]  }
0x83: {  	v0 =	vadd.f32 v2, v0  }
0x84: {  	v2 =	vld [tilespmem:s28+$0xCCB0]  }
0x85: {  	v0 =	vadd.f32 v3, v0  }
0x86: {  	v3 =	vld [tilespmem:s28+$0xCD30]  }
0x87: {  	v0 =	vadd.f32 v1, v0  }
0x88: {  	v1 =	vld [tilespmem:s28+$0xCDB0]  }
0x89: {  	v0 =	vadd.f32 v2, v0;
	_ =	sdelay $0x1  }
0x8a: {  	v0 =	vadd.f32 v3, v0;
	_ =	sdelay $0x1  }
0x8b: {  	v0 =	vadd.f32 v1, v0;
	_ =	sdelay $0x1  }
0x8c: {  	[tilespmem:s26+$0xFFFFFFF0] =	vst v0  }
0x8d: {  	v0 =	vld [tilespmem:s28+$0x440]  }
0x8e: {  	v1 =	vld [tilespmem:s28+$0x4C0];
	_ =	sdelay $0x1  }
0x8f: {  	v2 =	vld [tilespmem:s28+$0x540];
	_ =	sdelay $0x1  }
0x90: {  	v3 =	vld [tilespmem:s28+$0x5C0]  }
0x91: {  	v0 =	vadd.f32 v1, v0  }
0x92: {  	v1 =	vld [tilespmem:s28+$0xCC40]  }
0x93: {  	v0 =	vadd.f32 v2, v0  }
0x94: {  	v2 =	vld [tilespmem:s28+$0xCCC0]  }
0x95: {  	v0 =	vadd.f32 v3, v0  }
0x96: {  	v3 =	vld [tilespmem:s28+$0xCD40]  }
0x97: {  	v0 =	vadd.f32 v1, v0  }
0x98: {  	v1 =	vld [tilespmem:s28+$0xCDC0]  }
0x99: {  	v0 =	vadd.f32 v2, v0;
	_ =	sdelay $0x1  }
0x9a: {  	v0 =	vadd.f32 v3, v0;
	_ =	sdelay $0x1  }
0x9b: {  	v0 =	vadd.f32 v1, v0;
	_ =	sdelay $0x1  }
0x9c: {  	[tilespmem:s26+$0x0] =	vst v0  }
0x9d: {  	v0 =	vld [tilespmem:s28+$0x450]  }
0x9e: {  	v1 =	vld [tilespmem:s28+$0x4D0];
	_ =	sdelay $0x1  }
0x9f: {  	v2 =	vld [tilespmem:s28+$0x550];
	_ =	sdelay $0x1  }
0xa0: {  	v3 =	vld [tilespmem:s28+$0x5D0]  }
0xa1: {  	v0 =	vadd.f32 v1, v0  }
0xa2: {  	v1 =	vld [tilespmem:s28+$0xCC50]  }
0xa3: {  	v0 =	vadd.f32 v2, v0  }
0xa4: {  	v2 =	vld [tilespmem:s28+$0xCCD0]  }
0xa5: {  	v0 =	vadd.f32 v3, v0  }
0xa6: {  	v3 =	vld [tilespmem:s28+$0xCD50]  }
0xa7: {  	v0 =	vadd.f32 v1, v0  }
0xa8: {  	v1 =	vld [tilespmem:s28+$0xCDD0]  }
0xa9: {  	v0 =	vadd.f32 v2, v0;
	_ =	sdelay $0x1  }
0xaa: {  	v0 =	vadd.f32 v3, v0;
	_ =	sdelay $0x1  }
0xab: {  	v0 =	vadd.f32 v1, v0;
	_ =	sdelay $0x1  }
0xac: {  	[tilespmem:s26+$0x10] =	vst v0  }
0xad: {  	v0 =	vld [tilespmem:s28+$0x460]  }
0xae: {  	v1 =	vld [tilespmem:s28+$0x4E0];
	_ =	sdelay $0x1  }
0xaf: {  	v2 =	vld [tilespmem:s28+$0x560];
	_ =	sdelay $0x1  }
0xb0: {  	v3 =	vld [tilespmem:s28+$0x5E0]  }
0xb1: {  	v0 =	vadd.f32 v1, v0  }
0xb2: {  	v1 =	vld [tilespmem:s28+$0xCC60]  }
0xb3: {  	v0 =	vadd.f32 v2, v0  }
0xb4: {  	v2 =	vld [tilespmem:s28+$0xCCE0]  }
0xb5: {  	v0 =	vadd.f32 v3, v0  }
0xb6: {  	v3 =	vld [tilespmem:s28+$0xCD60]  }
0xb7: {  	v0 =	vadd.f32 v1, v0  }
0xb8: {  	v1 =	vld [tilespmem:s28+$0xCDE0]  }
0xb9: {  	v0 =	vadd.f32 v2, v0;
	_ =	sdelay $0x1  }
0xba: {  	v0 =	vadd.f32 v3, v0;
	_ =	sdelay $0x1  }
0xbb: {  	v0 =	vadd.f32 v1, v0;
	_ =	sdelay $0x1  }
0xbc: {  	[tilespmem:s26+$0x20] =	vst v0  }
0xbd: {  	v0 =	vld [tilespmem:s28+$0x470]  }
0xbe: {  	v1 =	vld [tilespmem:s28+$0x4F0];
	_ =	sdelay $0x1  }
0xbf: {  	v3 =	vld [tilespmem:s28+$0x570];
	_ =	sdelay $0x1  }
0xc0: {  	v4 =	vld [tilespmem:s28+$0x5F0]  }
0xc1: {  	v1 =	vadd.f32 v1, v0  }
0xc2: {  	v2 =	vld [tilespmem:s28+$0xCC70]  }
0xc3: {  	v0 =	vld [tilespmem:s28+$0xCCF0];
	v5 =	vadd.f32 v3, v1  }
0xc4: {  	v3 =	vld [tilespmem:s28+$0xCD70]  }
0xc5: {  	s29 =	simm.s32 $0x800;
	v1 =	vld [tilespmem:s28+$0xCDF0];
	s28 =	simm.s32 $0x19440;
	v4 =	vadd.f32 v4, v5  }
.LBB2_3:
0xc6: {  	p1 =	sne.s32 s29, $0x18800  }
0xc7: {  	s26 =	sadd.s32 $0x80, s26;
	s31 =	smov.u32 s29;
	s29 =	sadd.s32 $0x800, s29  }
0xc8: {  	v2 =	vadd.f32 v2, v4;
	_ =	sdelay $0x1  }
0xc9: {  	v0 =	vadd.f32 v0, v2;
	_ =	sdelay $0x1  }
0xca: {  	v0 =	vadd.f32 v3, v0;
	_ =	sdelay $0x1  }
0xcb: {  	v0 =	vadd.f32 v1, v0  }
0xcc: {  	s31 =	sshra.s32 s31, $0x2  }
0xcd: {  	[tilespmem:s28+$0x30] =	vst v0;
	s28 =	smov.u32 s26  }
0xce: {  	v0 =	vld [tilespmem:s31+$0x400]  }
0xcf: {  	v1 =	vld [tilespmem:s31+$0x480]  }
0xd0: {  	v2 =	vld [tilespmem:s31+$0x500];
	_ =	sdelay $0x1  }
0xd1: {  	v3 =	vld [tilespmem:s31+$0x580];
	_ =	sdelay $0x1  }
0xd2: {  	v0 =	vadd.f32 v1, v0  }
0xd3: {  	v1 =	vld [tilespmem:s31+$0xCC00]  }
0xd4: {  	v0 =	vadd.f32 v2, v0  }
0xd5: {  	v2 =	vld [tilespmem:s31+$0xCC80]  }
0xd6: {  	v0 =	vadd.f32 v3, v0  }
0xd7: {  	v3 =	vld [tilespmem:s31+$0xCD00]  }
0xd8: {  	v0 =	vadd.f32 v1, v0  }
0xd9: {  	v1 =	vld [tilespmem:s31+$0xCD80]  }
0xda: {  	v0 =	vadd.f32 v2, v0;
	_ =	sdelay $0x1  }
0xdb: {  	v0 =	vadd.f32 v3, v0;
	_ =	sdelay $0x1  }
0xdc: {  	v0 =	vadd.f32 v1, v0;
	_ =	sdelay $0x1  }
0xdd: {  	[tilespmem:s26+$0xFFFFFFC0] =	vst v0  }
0xde: {  	v0 =	vld [tilespmem:s31+$0x410]  }
0xdf: {  	v1 =	vld [tilespmem:s31+$0x490];
	_ =	sdelay $0x1  }
0xe0: {  	v2 =	vld [tilespmem:s31+$0x510];
	_ =	sdelay $0x1  }
0xe1: {  	v3 =	vld [tilespmem:s31+$0x590]  }
0xe2: {  	v0 =	vadd.f32 v1, v0  }
0xe3: {  	v1 =	vld [tilespmem:s31+$0xCC10]  }
0xe4: {  	v0 =	vadd.f32 v2, v0  }
0xe5: {  	v2 =	vld [tilespmem:s31+$0xCC90]  }
0xe6: {  	v0 =	vadd.f32 v3, v0  }
0xe7: {  	v3 =	vld [tilespmem:s31+$0xCD10]  }
0xe8: {  	v0 =	vadd.f32 v1, v0  }
0xe9: {  	v1 =	vld [tilespmem:s31+$0xCD90]  }
0xea: {  	v0 =	vadd.f32 v2, v0;
	_ =	sdelay $0x1  }
0xeb: {  	v0 =	vadd.f32 v3, v0;
	_ =	sdelay $0x1  }
0xec: {  	v0 =	vadd.f32 v1, v0;
	_ =	sdelay $0x1  }
0xed: {  	[tilespmem:s26+$0xFFFFFFD0] =	vst v0  }
0xee: {  	v0 =	vld [tilespmem:s31+$0x420]  }
0xef: {  	v1 =	vld [tilespmem:s31+$0x4A0];
	_ =	sdelay $0x1  }
0xf0: {  	v2 =	vld [tilespmem:s31+$0x520];
	_ =	sdelay $0x1  }
0xf1: {  	v3 =	vld [tilespmem:s31+$0x5A0]  }
0xf2: {  	v0 =	vadd.f32 v1, v0  }
0xf3: {  	v1 =	vld [tilespmem:s31+$0xCC20]  }
0xf4: {  	v0 =	vadd.f32 v2, v0  }
0xf5: {  	v2 =	vld [tilespmem:s31+$0xCCA0]  }
0xf6: {  	v0 =	vadd.f32 v3, v0  }
0xf7: {  	v3 =	vld [tilespmem:s31+$0xCD20]  }
0xf8: {  	v0 =	vadd.f32 v1, v0  }
0xf9: {  	v1 =	vld [tilespmem:s31+$0xCDA0]  }
0xfa: {  	v0 =	vadd.f32 v2, v0;
	_ =	sdelay $0x1  }
0xfb: {  	v0 =	vadd.f32 v3, v0;
	_ =	sdelay $0x1  }
0xfc: {  	v0 =	vadd.f32 v1, v0;
	_ =	sdelay $0x1  }
0xfd: {  	[tilespmem:s26+$0xFFFFFFE0] =	vst v0  }
0xfe: {  	v0 =	vld [tilespmem:s31+$0x430]  }
0xff: {  	v1 =	vld [tilespmem:s31+$0x4B0];
	_ =	sdelay $0x1  }
0x100: {  	v2 =	vld [tilespmem:s31+$0x530];
	_ =	sdelay $0x1  }
0x101: {  	v3 =	vld [tilespmem:s31+$0x5B0]  }
0x102: {  	v0 =	vadd.f32 v1, v0  }
0x103: {  	v1 =	vld [tilespmem:s31+$0xCC30]  }
0x104: {  	v0 =	vadd.f32 v2, v0  }
0x105: {  	v2 =	vld [tilespmem:s31+$0xCCB0]  }
0x106: {  	v0 =	vadd.f32 v3, v0  }
0x107: {  	v3 =	vld [tilespmem:s31+$0xCD30]  }
0x108: {  	v0 =	vadd.f32 v1, v0  }
0x109: {  	v1 =	vld [tilespmem:s31+$0xCDB0]  }
0x10a: {  	v0 =	vadd.f32 v2, v0;
	_ =	sdelay $0x1  }
0x10b: {  	v0 =	vadd.f32 v3, v0;
	_ =	sdelay $0x1  }
0x10c: {  	v0 =	vadd.f32 v1, v0;
	_ =	sdelay $0x1  }
0x10d: {  	[tilespmem:s26+$0xFFFFFFF0] =	vst v0  }
0x10e: {  	v0 =	vld [tilespmem:s31+$0x440]  }
0x10f: {  	v1 =	vld [tilespmem:s31+$0x4C0]  }
0x110: {  	v2 =	vld [tilespmem:s31+$0x540];
	_ =	sdelay $0x2  }
0x111: {  	v3 =	vld [tilespmem:s31+$0x5C0]  }
0x112: {  	v0 =	vadd.f32 v1, v0  }
0x113: {  	v1 =	vld [tilespmem:s31+$0xCC40]  }
0x114: {  	v0 =	vadd.f32 v2, v0  }
0x115: {  	v2 =	vld [tilespmem:s31+$0xCCC0]  }
0x116: {  	v0 =	vadd.f32 v3, v0  }
0x117: {  	v3 =	vld [tilespmem:s31+$0xCD40]  }
0x118: {  	v0 =	vadd.f32 v1, v0  }
0x119: {  	v1 =	vld [tilespmem:s31+$0xCDC0]  }
0x11a: {  	v0 =	vadd.f32 v2, v0;
	_ =	sdelay $0x1  }
0x11b: {  	v0 =	vadd.f32 v3, v0;
	_ =	sdelay $0x1  }
0x11c: {  	v0 =	vadd.f32 v1, v0;
	_ =	sdelay $0x1  }
0x11d: {  	[tilespmem:s26+$0x0] =	vst v0  }
0x11e: {  	v0 =	vld [tilespmem:s31+$0x450]  }
0x11f: {  	v1 =	vld [tilespmem:s31+$0x4D0]  }
0x120: {  	v2 =	vld [tilespmem:s31+$0x550]  }
0x121: {  	v3 =	vld [tilespmem:s31+$0x5D0]  }
0x122: {  	v4 =	vld [tilespmem:s31+$0xCC50]  }
0x123: {  	v5 =	vld [tilespmem:s31+$0xCCD0]  }
0x124: {  	v0 =	vadd.f32 v1, v0;
	v1 =	vld [tilespmem:s31+$0xCD50]  }
0x125: {  	v6 =	vld [tilespmem:s31+$0xCDD0]  }
0x126: {  	v0 =	vadd.f32 v2, v0;
	_ =	sdelay $0x1  }
0x127: {  	v0 =	vadd.f32 v3, v0;
	_ =	sdelay $0x1  }
0x128: {  	v0 =	vadd.f32 v4, v0;
	_ =	sdelay $0x1  }
0x129: {  	v0 =	vadd.f32 v5, v0;
	_ =	sdelay $0x1  }
0x12a: {  	v0 =	vadd.f32 v1, v0;
	_ =	sdelay $0x1  }
0x12b: {  	v0 =	vadd.f32 v6, v0;
	_ =	sdelay $0x1  }
0x12c: {  	[tilespmem:s26+$0x10] =	vst v0  }
0x12d: {  	v0 =	vld [tilespmem:s31+$0x460]  }
0x12e: {  	v1 =	vld [tilespmem:s31+$0x4E0]  }
0x12f: {  	v2 =	vld [tilespmem:s31+$0x560]  }
0x130: {  	v3 =	vld [tilespmem:s31+$0x5E0]  }
0x131: {  	v4 =	vld [tilespmem:s31+$0xCC60]  }
0x132: {  	v5 =	vld [tilespmem:s31+$0xCCE0]  }
0x133: {  	v0 =	vadd.f32 v1, v0;
	v1 =	vld [tilespmem:s31+$0xCD60]  }
0x134: {  	v6 =	vld [tilespmem:s31+$0xCDE0]  }
0x135: {  	v0 =	vadd.f32 v2, v0;
	_ =	sdelay $0x1  }
0x136: {  	v0 =	vadd.f32 v3, v0;
	_ =	sdelay $0x1  }
0x137: {  	v0 =	vadd.f32 v4, v0;
	_ =	sdelay $0x1  }
0x138: {  	v0 =	vadd.f32 v5, v0;
	_ =	sdelay $0x1  }
0x139: {  	v0 =	vadd.f32 v1, v0;
	_ =	sdelay $0x1  }
0x13a: {  	v0 =	vadd.f32 v6, v0;
	_ =	sdelay $0x1  }
0x13b: {  	[tilespmem:s26+$0x20] =	vst v0  }
0x13c: {  	v1 =	vld [tilespmem:s31+$0x470]  }
0x13d: {  	v3 =	vld [tilespmem:s31+$0x4F0]  }
0x13e: {  	v4 =	vld [tilespmem:s31+$0x570]  }
0x13f: {  	v5 =	vld [tilespmem:s31+$0x5F0]  }
0x140: {  	v2 =	vld [tilespmem:s31+$0xCC70]  }
0x141: {  	v0 =	vld [tilespmem:s31+$0xCCF0]  }
.Ltmp0:
0x142: {  	v6 =	vadd.f32 v3, v1;
	v3 =	vld [tilespmem:s31+$0xCD70];
	(pc) =	sbr.rel @p1 .LBB2_3-.Ltmp0, $3  }
0x143: {  	v1 =	vld [tilespmem:s31+$0xCDF0]  }
0x144: {  	v4 =	vadd.f32 v4, v6;
	_ =	sdelay $0x1  }
0x145: {  	v4 =	vadd.f32 v5, v4  }
0x146: {  	_ = 	snop  }
0x147: {  	v2 =	vadd.f32 v2, v4;
	_ =	sdelay $0x1  }
0x148: {  	v0 =	vadd.f32 v0, v2;
	_ =	sdelay $0x1  }
0x149: {  	v0 =	vadd.f32 v3, v0  }
0x14a: {  	s26 =	sadd.s32 s8, s25  }
0x14b: {  	s26 =	smul.u32 $0x380, s26;
	v0 =	vadd.f32 v1, v0;
	_ =	sdelay $0x1  }
0x14c: {  	s26 =	sadd.s32 s7, s26;
	[tilespmem:s28+$0x30] =	vst v0  }
0x14d: {  	[hbm4b:s26+s5] =	stream.linear.scatter [tilespmem:s15], [sflag:$0x5], $0x1900, $0x38;
	[tilespmem:$0x1CC00] =	vst v63  }
0x14e: {  	_ =	swait.ge [sflag:s21], $0xC8  }
0x14f: {  	[sflag:s21] =	ssyncset.done $0x0  }
0x150: {  	[sflag:s21] =	ssyncadd.s32 $0xFFFFFF38  }
0x151: {  	_ =	swait.ge [sflag:s21], $0xC8  }
0x152: {  	[sflag:s21] =	ssyncset.done $0x0  }
0x153: {  	s31 =	simm.s32 $0x400;
	[sflag:s21] =	ssyncadd.s32 $0xFFFFFF38  }
0x154: {  	[tilespmem:s31], [sflag:$0x3] =	stream.indirect.gather [hbm4b:s2+s22], $0x80, s5, s22, $0xb8;
	[tilespmem:$0x1CC00] =	vst v63  }
0x155: {  	s31 =	simm.s32 $0x4400  }
0x156: {  	[tilespmem:s31], [sflag:$0x3] =	stream.indirect.gather [hbm4b:s2+s24], $0x80, s22, s24, $0xb8;
	[tilespmem:$0x1CC00] =	vst v63  }
0x157: {  	s31 =	simm.s32 $0xCC00  }
0x158: {  	[tilespmem:s31], [sflag:$0x3] =	stream.indirect.gather [hbm4b:s4+s22], $0x80, s18, s22, $0xb8;
	[tilespmem:$0x1CC00] =	vst v63  }
0x159: {  	s28 =	simm.s32 $0x10C00;
	s31 =	simm.s32 $0x280  }
0x15a: {  	[tilespmem:s28], [sflag:$0x3] =	stream.indirect.gather [hbm4b:s4+s24], $0x80, s31, s24, $0xb8;
	[tilespmem:$0x1CC00] =	vst v63  }
0x15b: {  	_ =	swait.ge [sflag:s16], $0x4000  }
0x15c: {  	[sflag:s16] =	ssyncset.done $0x0  }
0x15d: {  	[sflag:s16] =	ssyncadd.s32 $0xFFFFC000  }
0x15e: {  	_ =	swait.ge [sflag:s16], $0x2400  }
0x15f: {  	[sflag:s16] =	ssyncset.done $0x0  }
0x160: {  	[sflag:s16] =	ssyncadd.s32 $0xFFFFDC00  }
0x161: {  	_ =	swait.ge [sflag:s16], $0x4000  }
0x162: {  	[sflag:s16] =	ssyncset.done $0x0  }
0x163: {  	s31 =	sadd.s32 s25, s14;
	[sflag:s16] =	ssyncadd.s32 $0xFFFFC000  }
0x164: {  	s26 =	smul.u32 $0x19, s31;
	_ =	swait.ge [sflag:s16], $0x2400  }
0x165: {  	[sflag:s16] =	ssyncset.done $0x0  }
0x166: {  	s28 =	sadd.s32 s1, s26;
	[sflag:s16] =	ssyncadd.s32 $0xFFFFDC00  }
0x167: {  	[tilespmem:s19], [sflag:$0x2] =	stream.linear.gather [hbm4b:s28+s5], $0xC8, $0x38;
	[tilespmem:$0x1CC00] =	vst v63  }
0x168: {  	s26 =	sadd.s32 s6, s26  }
0x169: {  	[tilespmem:s20], [sflag:$0x2] =	stream.linear.gather [hbm4b:s26+s5], $0xC8, $0x38;
	[tilespmem:$0x1CC00] =	vst v63  }
0x16a: {  	s26 =	simm.s32 @!p0 $0x6  }
0x16b: {  	_ =	swait.ge @!p0 [sflag:s26], $0x1900  }
0x16c: {  	[sflag:s26] =	ssyncset.done @!p0 $0x0  }
0x16d: {  	s28 =	simm.s32 $0x0;
	[sflag:s26] =	ssyncadd.s32 @!p0 $0xFFFFE700  }
0x16e: {  	v0 =	vld [tilespmem:s28+$0x6800]  }
0x16f: {  	v1 =	vld [tilespmem:s28+$0x6880];
	_ =	sdelay $0x1  }
0x170: {  	v2 =	vld [tilespmem:s28+$0x6900];
	_ =	sdelay $0x1  }
0x171: {  	v3 =	vld [tilespmem:s28+$0x6980]  }
0x172: {  	v0 =	vadd.f32 v1, v0  }
0x173: {  	v1 =	vld [tilespmem:s28+$0x13000]  }
0x174: {  	v0 =	vadd.f32 v2, v0  }
0x175: {  	v2 =	vld [tilespmem:s28+$0x13080]  }
0x176: {  	v0 =	vadd.f32 v3, v0  }
0x177: {  	v3 =	vld [tilespmem:s28+$0x13100]  }
0x178: {  	v0 =	vadd.f32 v1, v0  }
0x179: {  	v1 =	vld [tilespmem:s28+$0x13180]  }
0x17a: {  	v0 =	vadd.f32 v2, v0;
	_ =	sdelay $0x1  }
0x17b: {  	v0 =	vadd.f32 v3, v0;
	_ =	sdelay $0x1  }
0x17c: {  	v0 =	vadd.f32 v1, v0  }
0x17d: {  	s26 =	simm.s32 $0x1B040  }
0x17e: {  	[tilespmem:s26+$0xFFFFFFC0] =	vst v0  }
0x17f: {  	v0 =	vld [tilespmem:s28+$0x6810]  }
0x180: {  	v1 =	vld [tilespmem:s28+$0x6890];
	_ =	sdelay $0x1  }
0x181: {  	v2 =	vld [tilespmem:s28+$0x6910];
	_ =	sdelay $0x1  }
0x182: {  	v3 =	vld [tilespmem:s28+$0x6990]  }
0x183: {  	v0 =	vadd.f32 v1, v0  }
0x184: {  	v1 =	vld [tilespmem:s28+$0x13010]  }
0x185: {  	v0 =	vadd.f32 v2, v0  }
0x186: {  	v2 =	vld [tilespmem:s28+$0x13090]  }
0x187: {  	v0 =	vadd.f32 v3, v0  }
0x188: {  	v3 =	vld [tilespmem:s28+$0x13110]  }
0x189: {  	v0 =	vadd.f32 v1, v0  }
0x18a: {  	v1 =	vld [tilespmem:s28+$0x13190]  }
0x18b: {  	v0 =	vadd.f32 v2, v0;
	_ =	sdelay $0x1  }
0x18c: {  	v0 =	vadd.f32 v3, v0;
	_ =	sdelay $0x1  }
0x18d: {  	v0 =	vadd.f32 v1, v0;
	_ =	sdelay $0x1  }
0x18e: {  	[tilespmem:s26+$0xFFFFFFD0] =	vst v0  }
0x18f: {  	v0 =	vld [tilespmem:s28+$0x6820]  }
0x190: {  	v1 =	vld [tilespmem:s28+$0x68A0];
	_ =	sdelay $0x1  }
0x191: {  	v2 =	vld [tilespmem:s28+$0x6920];
	_ =	sdelay $0x1  }
0x192: {  	v3 =	vld [tilespmem:s28+$0x69A0]  }
0x193: {  	v0 =	vadd.f32 v1, v0  }
0x194: {  	v1 =	vld [tilespmem:s28+$0x13020]  }
0x195: {  	v0 =	vadd.f32 v2, v0  }
0x196: {  	v2 =	vld [tilespmem:s28+$0x130A0]  }
0x197: {  	v0 =	vadd.f32 v3, v0  }
0x198: {  	v3 =	vld [tilespmem:s28+$0x13120]  }
0x199: {  	v0 =	vadd.f32 v1, v0  }
0x19a: {  	v1 =	vld [tilespmem:s28+$0x131A0]  }
0x19b: {  	v0 =	vadd.f32 v2, v0;
	_ =	sdelay $0x1  }
0x19c: {  	v0 =	vadd.f32 v3, v0;
	_ =	sdelay $0x1  }
0x19d: {  	v0 =	vadd.f32 v1, v0;
	_ =	sdelay $0x1  }
0x19e: {  	[tilespmem:s26+$0xFFFFFFE0] =	vst v0  }
0x19f: {  	v0 =	vld [tilespmem:s28+$0x6830]  }
0x1a0: {  	v1 =	vld [tilespmem:s28+$0x68B0];
	_ =	sdelay $0x1  }
0x1a1: {  	v2 =	vld [tilespmem:s28+$0x6930];
	_ =	sdelay $0x1  }
0x1a2: {  	v3 =	vld [tilespmem:s28+$0x69B0]  }
0x1a3: {  	v0 =	vadd.f32 v1, v0  }
0x1a4: {  	v1 =	vld [tilespmem:s28+$0x13030]  }
0x1a5: {  	v0 =	vadd.f32 v2, v0  }
0x1a6: {  	v2 =	vld [tilespmem:s28+$0x130B0]  }
0x1a7: {  	v0 =	vadd.f32 v3, v0  }
0x1a8: {  	v3 =	vld [tilespmem:s28+$0x13130]  }
0x1a9: {  	v0 =	vadd.f32 v1, v0  }
0x1aa: {  	v1 =	vld [tilespmem:s28+$0x131B0]  }
0x1ab: {  	v0 =	vadd.f32 v2, v0;
	_ =	sdelay $0x1  }
0x1ac: {  	v0 =	vadd.f32 v3, v0;
	_ =	sdelay $0x1  }
0x1ad: {  	v0 =	vadd.f32 v1, v0;
	_ =	sdelay $0x1  }
0x1ae: {  	[tilespmem:s26+$0xFFFFFFF0] =	vst v0  }
0x1af: {  	v0 =	vld [tilespmem:s28+$0x6840]  }
0x1b0: {  	v1 =	vld [tilespmem:s28+$0x68C0];
	_ =	sdelay $0x1  }
0x1b1: {  	v2 =	vld [tilespmem:s28+$0x6940];
	_ =	sdelay $0x1  }
0x1b2: {  	v3 =	vld [tilespmem:s28+$0x69C0]  }
0x1b3: {  	v0 =	vadd.f32 v1, v0  }
0x1b4: {  	v1 =	vld [tilespmem:s28+$0x13040]  }
0x1b5: {  	v0 =	vadd.f32 v2, v0  }
0x1b6: {  	v2 =	vld [tilespmem:s28+$0x130C0]  }
0x1b7: {  	v0 =	vadd.f32 v3, v0  }
0x1b8: {  	v3 =	vld [tilespmem:s28+$0x13140]  }
0x1b9: {  	v0 =	vadd.f32 v1, v0  }
0x1ba: {  	v1 =	vld [tilespmem:s28+$0x131C0]  }
0x1bb: {  	v0 =	vadd.f32 v2, v0;
	_ =	sdelay $0x1  }
0x1bc: {  	v0 =	vadd.f32 v3, v0;
	_ =	sdelay $0x1  }
0x1bd: {  	v0 =	vadd.f32 v1, v0;
	_ =	sdelay $0x1  }
0x1be: {  	[tilespmem:s26+$0x0] =	vst v0  }
0x1bf: {  	v0 =	vld [tilespmem:s28+$0x6850]  }
0x1c0: {  	v1 =	vld [tilespmem:s28+$0x68D0];
	_ =	sdelay $0x1  }
0x1c1: {  	v2 =	vld [tilespmem:s28+$0x6950];
	_ =	sdelay $0x1  }
0x1c2: {  	v3 =	vld [tilespmem:s28+$0x69D0]  }
0x1c3: {  	v0 =	vadd.f32 v1, v0  }
0x1c4: {  	v1 =	vld [tilespmem:s28+$0x13050]  }
0x1c5: {  	v0 =	vadd.f32 v2, v0  }
0x1c6: {  	v2 =	vld [tilespmem:s28+$0x130D0]  }
0x1c7: {  	v0 =	vadd.f32 v3, v0  }
0x1c8: {  	v3 =	vld [tilespmem:s28+$0x13150]  }
0x1c9: {  	v0 =	vadd.f32 v1, v0  }
0x1ca: {  	v1 =	vld [tilespmem:s28+$0x131D0]  }
0x1cb: {  	v0 =	vadd.f32 v2, v0;
	_ =	sdelay $0x1  }
0x1cc: {  	v0 =	vadd.f32 v3, v0;
	_ =	sdelay $0x1  }
0x1cd: {  	v0 =	vadd.f32 v1, v0;
	_ =	sdelay $0x1  }
0x1ce: {  	[tilespmem:s26+$0x10] =	vst v0  }
0x1cf: {  	v0 =	vld [tilespmem:s28+$0x6860]  }
0x1d0: {  	v1 =	vld [tilespmem:s28+$0x68E0];
	_ =	sdelay $0x1  }
0x1d1: {  	v2 =	vld [tilespmem:s28+$0x6960];
	_ =	sdelay $0x1  }
0x1d2: {  	v3 =	vld [tilespmem:s28+$0x69E0]  }
0x1d3: {  	v0 =	vadd.f32 v1, v0  }
0x1d4: {  	v1 =	vld [tilespmem:s28+$0x13060]  }
0x1d5: {  	v0 =	vadd.f32 v2, v0  }
0x1d6: {  	v2 =	vld [tilespmem:s28+$0x130E0]  }
0x1d7: {  	v0 =	vadd.f32 v3, v0  }
0x1d8: {  	v3 =	vld [tilespmem:s28+$0x13160]  }
0x1d9: {  	v0 =	vadd.f32 v1, v0  }
0x1da: {  	v1 =	vld [tilespmem:s28+$0x131E0]  }
0x1db: {  	v0 =	vadd.f32 v2, v0;
	_ =	sdelay $0x1  }
0x1dc: {  	v0 =	vadd.f32 v3, v0;
	_ =	sdelay $0x1  }
0x1dd: {  	v0 =	vadd.f32 v1, v0;
	_ =	sdelay $0x1  }
0x1de: {  	[tilespmem:s26+$0x20] =	vst v0  }
0x1df: {  	v0 =	vld [tilespmem:s28+$0x6870]  }
0x1e0: {  	v1 =	vld [tilespmem:s28+$0x68F0];
	_ =	sdelay $0x1  }
0x1e1: {  	v2 =	vld [tilespmem:s28+$0x6970];
	_ =	sdelay $0x1  }
0x1e2: {  	v4 =	vld [tilespmem:s28+$0x69F0]  }
0x1e3: {  	v3 =	vadd.f32 v1, v0  }
0x1e4: {  	v1 =	vld [tilespmem:s28+$0x13070]  }
0x1e5: {  	v0 =	vld [tilespmem:s28+$0x130F0];
	v5 =	vadd.f32 v2, v3  }
0x1e6: {  	v2 =	vld [tilespmem:s28+$0x13170]  }
0x1e7: {  	s29 =	simm.s32 $0x800;
	s25 =	sor.u32 $0x1, s25;
	v3 =	vld [tilespmem:s28+$0x131F0];
	s28 =	simm.s32 $0x1B040;
	v4 =	vadd.f32 v4, v5  }
.LBB2_5:
0x1e8: {  	p0 =	sne.s32 s29, $0x18800  }
0x1e9: {  	s26 =	sadd.s32 $0x80, s26;
	s31 =	smov.u32 s29;
	s29 =	sadd.s32 $0x800, s29  }
0x1ea: {  	v1 =	vadd.f32 v1, v4;
	_ =	sdelay $0x1  }
0x1eb: {  	v0 =	vadd.f32 v0, v1;
	_ =	sdelay $0x1  }
0x1ec: {  	v0 =	vadd.f32 v2, v0;
	_ =	sdelay $0x1  }
0x1ed: {  	v0 =	vadd.f32 v3, v0  }
0x1ee: {  	s31 =	sshra.s32 s31, $0x2  }
0x1ef: {  	[tilespmem:s28+$0x30] =	vst v0;
	s28 =	smov.u32 s26  }
0x1f0: {  	v0 =	vld [tilespmem:s31+$0x6800]  }
0x1f1: {  	v1 =	vld [tilespmem:s31+$0x6880]  }
0x1f2: {  	v2 =	vld [tilespmem:s31+$0x6900];
	_ =	sdelay $0x1  }
0x1f3: {  	v3 =	vld [tilespmem:s31+$0x6980];
	_ =	sdelay $0x1  }
0x1f4: {  	v0 =	vadd.f32 v1, v0  }
0x1f5: {  	v1 =	vld [tilespmem:s31+$0x13000]  }
0x1f6: {  	v0 =	vadd.f32 v2, v0  }
0x1f7: {  	v2 =	vld [tilespmem:s31+$0x13080]  }
0x1f8: {  	v0 =	vadd.f32 v3, v0  }
0x1f9: {  	v3 =	vld [tilespmem:s31+$0x13100]  }
0x1fa: {  	v0 =	vadd.f32 v1, v0  }
0x1fb: {  	v1 =	vld [tilespmem:s31+$0x13180]  }
0x1fc: {  	v0 =	vadd.f32 v2, v0;
	_ =	sdelay $0x1  }
0x1fd: {  	v0 =	vadd.f32 v3, v0;
	_ =	sdelay $0x1  }
0x1fe: {  	v0 =	vadd.f32 v1, v0;
	_ =	sdelay $0x1  }
0x1ff: {  	[tilespmem:s26+$0xFFFFFFC0] =	vst v0  }
0x200: {  	v0 =	vld [tilespmem:s31+$0x6810]  }
0x201: {  	v1 =	vld [tilespmem:s31+$0x6890];
	_ =	sdelay $0x1  }
0x202: {  	v2 =	vld [tilespmem:s31+$0x6910];
	_ =	sdelay $0x1  }
0x203: {  	v3 =	vld [tilespmem:s31+$0x6990]  }
0x204: {  	v0 =	vadd.f32 v1, v0  }
0x205: {  	v1 =	vld [tilespmem:s31+$0x13010]  }
0x206: {  	v0 =	vadd.f32 v2, v0  }
0x207: {  	v2 =	vld [tilespmem:s31+$0x13090]  }
0x208: {  	v0 =	vadd.f32 v3, v0  }
0x209: {  	v3 =	vld [tilespmem:s31+$0x13110]  }
0x20a: {  	v0 =	vadd.f32 v1, v0  }
0x20b: {  	v1 =	vld [tilespmem:s31+$0x13190]  }
0x20c: {  	v0 =	vadd.f32 v2, v0;
	_ =	sdelay $0x1  }
0x20d: {  	v0 =	vadd.f32 v3, v0;
	_ =	sdelay $0x1  }
0x20e: {  	v0 =	vadd.f32 v1, v0;
	_ =	sdelay $0x1  }
0x20f: {  	[tilespmem:s26+$0xFFFFFFD0] =	vst v0  }
0x210: {  	v0 =	vld [tilespmem:s31+$0x6820]  }
0x211: {  	v1 =	vld [tilespmem:s31+$0x68A0];
	_ =	sdelay $0x1  }
0x212: {  	v2 =	vld [tilespmem:s31+$0x6920];
	_ =	sdelay $0x1  }
0x213: {  	v3 =	vld [tilespmem:s31+$0x69A0]  }
0x214: {  	v0 =	vadd.f32 v1, v0  }
0x215: {  	v1 =	vld [tilespmem:s31+$0x13020]  }
0x216: {  	v0 =	vadd.f32 v2, v0  }
0x217: {  	v2 =	vld [tilespmem:s31+$0x130A0]  }
0x218: {  	v0 =	vadd.f32 v3, v0  }
0x219: {  	v3 =	vld [tilespmem:s31+$0x13120]  }
0x21a: {  	v0 =	vadd.f32 v1, v0  }
0x21b: {  	v1 =	vld [tilespmem:s31+$0x131A0]  }
0x21c: {  	v0 =	vadd.f32 v2, v0;
	_ =	sdelay $0x1  }
0x21d: {  	v0 =	vadd.f32 v3, v0;
	_ =	sdelay $0x1  }
0x21e: {  	v0 =	vadd.f32 v1, v0;
	_ =	sdelay $0x1  }
0x21f: {  	[tilespmem:s26+$0xFFFFFFE0] =	vst v0  }
0x220: {  	v0 =	vld [tilespmem:s31+$0x6830]  }
0x221: {  	v1 =	vld [tilespmem:s31+$0x68B0];
	_ =	sdelay $0x1  }
0x222: {  	v2 =	vld [tilespmem:s31+$0x6930];
	_ =	sdelay $0x1  }
0x223: {  	v3 =	vld [tilespmem:s31+$0x69B0]  }
0x224: {  	v0 =	vadd.f32 v1, v0  }
0x225: {  	v1 =	vld [tilespmem:s31+$0x13030]  }
0x226: {  	v0 =	vadd.f32 v2, v0  }
0x227: {  	v2 =	vld [tilespmem:s31+$0x130B0]  }
0x228: {  	v0 =	vadd.f32 v3, v0  }
0x229: {  	v3 =	vld [tilespmem:s31+$0x13130]  }
0x22a: {  	v0 =	vadd.f32 v1, v0  }
0x22b: {  	v1 =	vld [tilespmem:s31+$0x131B0]  }
0x22c: {  	v0 =	vadd.f32 v2, v0;
	_ =	sdelay $0x1  }
0x22d: {  	v0 =	vadd.f32 v3, v0;
	_ =	sdelay $0x1  }
0x22e: {  	v0 =	vadd.f32 v1, v0;
	_ =	sdelay $0x1  }
0x22f: {  	[tilespmem:s26+$0xFFFFFFF0] =	vst v0  }
0x230: {  	v0 =	vld [tilespmem:s31+$0x6840]  }
0x231: {  	v1 =	vld [tilespmem:s31+$0x68C0]  }
0x232: {  	v2 =	vld [tilespmem:s31+$0x6940];
	_ =	sdelay $0x2  }
0x233: {  	v3 =	vld [tilespmem:s31+$0x69C0]  }
0x234: {  	v0 =	vadd.f32 v1, v0  }
0x235: {  	v1 =	vld [tilespmem:s31+$0x13040]  }
0x236: {  	v0 =	vadd.f32 v2, v0  }
0x237: {  	v2 =	vld [tilespmem:s31+$0x130C0]  }
0x238: {  	v0 =	vadd.f32 v3, v0  }
0x239: {  	v3 =	vld [tilespmem:s31+$0x13140]  }
0x23a: {  	v0 =	vadd.f32 v1, v0  }
0x23b: {  	v1 =	vld [tilespmem:s31+$0x131C0]  }
0x23c: {  	v0 =	vadd.f32 v2, v0;
	_ =	sdelay $0x1  }
0x23d: {  	v0 =	vadd.f32 v3, v0;
	_ =	sdelay $0x1  }
0x23e: {  	v0 =	vadd.f32 v1, v0;
	_ =	sdelay $0x1  }
0x23f: {  	[tilespmem:s26+$0x0] =	vst v0  }
0x240: {  	v0 =	vld [tilespmem:s31+$0x6850]  }
0x241: {  	v1 =	vld [tilespmem:s31+$0x68D0]  }
0x242: {  	v2 =	vld [tilespmem:s31+$0x6950]  }
0x243: {  	v3 =	vld [tilespmem:s31+$0x69D0]  }
0x244: {  	v4 =	vld [tilespmem:s31+$0x13050]  }
0x245: {  	v5 =	vld [tilespmem:s31+$0x130D0]  }
0x246: {  	v0 =	vadd.f32 v1, v0;
	v1 =	vld [tilespmem:s31+$0x13150]  }
0x247: {  	v6 =	vld [tilespmem:s31+$0x131D0]  }
0x248: {  	v0 =	vadd.f32 v2, v0;
	_ =	sdelay $0x1  }
0x249: {  	v0 =	vadd.f32 v3, v0;
	_ =	sdelay $0x1  }
0x24a: {  	v0 =	vadd.f32 v4, v0;
	_ =	sdelay $0x1  }
0x24b: {  	v0 =	vadd.f32 v5, v0;
	_ =	sdelay $0x1  }
0x24c: {  	v0 =	vadd.f32 v1, v0;
	_ =	sdelay $0x1  }
0x24d: {  	v0 =	vadd.f32 v6, v0;
	_ =	sdelay $0x1  }
0x24e: {  	[tilespmem:s26+$0x10] =	vst v0  }
0x24f: {  	v0 =	vld [tilespmem:s31+$0x6860]  }
0x250: {  	v1 =	vld [tilespmem:s31+$0x68E0]  }
0x251: {  	v2 =	vld [tilespmem:s31+$0x6960]  }
0x252: {  	v3 =	vld [tilespmem:s31+$0x69E0]  }
0x253: {  	v4 =	vld [tilespmem:s31+$0x13060]  }
0x254: {  	v5 =	vld [tilespmem:s31+$0x130E0]  }
0x255: {  	v0 =	vadd.f32 v1, v0;
	v1 =	vld [tilespmem:s31+$0x13160]  }
0x256: {  	v6 =	vld [tilespmem:s31+$0x131E0]  }
0x257: {  	v0 =	vadd.f32 v2, v0;
	_ =	sdelay $0x1  }
0x258: {  	v0 =	vadd.f32 v3, v0;
	_ =	sdelay $0x1  }
0x259: {  	v0 =	vadd.f32 v4, v0;
	_ =	sdelay $0x1  }
0x25a: {  	v0 =	vadd.f32 v5, v0;
	_ =	sdelay $0x1  }
0x25b: {  	v0 =	vadd.f32 v1, v0;
	_ =	sdelay $0x1  }
0x25c: {  	v0 =	vadd.f32 v6, v0;
	_ =	sdelay $0x1  }
0x25d: {  	[tilespmem:s26+$0x20] =	vst v0  }
0x25e: {  	v2 =	vld [tilespmem:s31+$0x6870]  }
0x25f: {  	v3 =	vld [tilespmem:s31+$0x68F0]  }
0x260: {  	v4 =	vld [tilespmem:s31+$0x6970]  }
0x261: {  	v5 =	vld [tilespmem:s31+$0x69F0]  }
0x262: {  	v1 =	vld [tilespmem:s31+$0x13070]  }
0x263: {  	v0 =	vld [tilespmem:s31+$0x130F0]  }
.Ltmp1:
0x264: {  	v6 =	vadd.f32 v3, v2;
	v2 =	vld [tilespmem:s31+$0x13170];
	(pc) =	sbr.rel @p0 .LBB2_5-.Ltmp1, $3  }
0x265: {  	v3 =	vld [tilespmem:s31+$0x131F0]  }
0x266: {  	v4 =	vadd.f32 v4, v6;
	_ =	sdelay $0x1  }
0x267: {  	v4 =	vadd.f32 v5, v4  }
0x268: {  	_ = 	snop  }
0x269: {  	v1 =	vadd.f32 v1, v4;
	_ =	sdelay $0x1  }
0x26a: {  	v0 =	vadd.f32 v0, v1  }
0x26b: {  	s23 =	sadd.s32 $0x1, s23  }
0x26c: {  	p0 =	sne.s32 s23, $0x3F;
	v0 =	vadd.f32 v2, v0  }
.Ltmp2:
0x26d: {  	s25 =	sadd.s32 s8, s25;
	(pc) =	sbr.rel @p0 .LBB2_2-.Ltmp2, $3  }
0x26e: {  	s25 =	smul.u32 $0x380, s25;
	v0 =	vadd.f32 v3, v0;
	_ =	sdelay $0x1  }
0x26f: {  	s25 =	sadd.s32 s7, s25;
	[tilespmem:s28+$0x30] =	vst v0  }
0x270: {  	[hbm4b:s25+s5] =	stream.linear.scatter [tilespmem:s17], [sflag:$0x6], $0x1900, $0x38;
	[tilespmem:$0x1CC00] =	vst v63  }
0x271: {  	_ =	swait.ge [sflag:s30], $0xC8  }
0x272: {  	[sflag:s30] =	ssyncset.done $0x0  }
0x273: {  	[sflag:s30] =	ssyncadd.s32 $0xFFFFFF38  }
0x274: {  	_ =	swait.ge [sflag:s30], $0xC8  }
0x275: {  	[sflag:s30] =	ssyncset.done $0x0  }
0x276: {  	s23 =	simm.s32 $0x6800;
	[sflag:s30] =	ssyncadd.s32 $0xFFFFFF38  }
0x277: {  	[tilespmem:s23], [sflag:$0x4] =	stream.indirect.gather [hbm4b:s2+s22], $0x80, s19, s22, $0xb8;
	[tilespmem:$0x1CC00] =	vst v63  }
0x278: {  	_ = 	snop  }
0x279: {  	[tilespmem:s3], [sflag:$0x4] =	stream.indirect.gather [hbm4b:s2+s24], $0x80, s0, s24, $0xb8;
	[tilespmem:$0x1CC00] =	vst v63  }
0x27a: {  	_ = 	snop  }
0x27b: {  	[tilespmem:s9], [sflag:$0x4] =	stream.indirect.gather [hbm4b:s4+s22], $0x80, s20, s22, $0xb8;
	[tilespmem:$0x1CC00] =	vst v63  }
0x27c: {  	_ = 	snop  }
0x27d: {  	[tilespmem:s11], [sflag:$0x4] =	stream.indirect.gather [hbm4b:s4+s24], $0x80, s10, s24, $0xb8;
	[tilespmem:$0x1CC00] =	vst v63  }
0x27e: {  	_ =	swait.ge [sflag:s12], $0x4000  }
0x27f: {  	[sflag:s12] =	ssyncset.done $0x0  }
0x280: {  	[sflag:s12] =	ssyncadd.s32 $0xFFFFC000  }
0x281: {  	_ =	swait.ge [sflag:s12], $0x2400  }
0x282: {  	[sflag:s12] =	ssyncset.done $0x0  }
0x283: {  	[sflag:s12] =	ssyncadd.s32 $0xFFFFDC00  }
0x284: {  	_ =	swait.ge [sflag:s12], $0x4000  }
0x285: {  	[sflag:s12] =	ssyncset.done $0x0  }
0x286: {  	[sflag:s12] =	ssyncadd.s32 $0xFFFFC000  }
0x287: {  	_ =	swait.ge [sflag:s12], $0x2400  }
0x288: {  	[sflag:s12] =	ssyncset.done $0x0  }
0x289: {  	s29 =	simm.s32 $0x5;
	[sflag:s12] =	ssyncadd.s32 $0xFFFFDC00  }
0x28a: {  	_ =	swait.ge [sflag:s29], $0x1900  }
0x28b: {  	[sflag:s29] =	ssyncset.done $0x0  }
0x28c: {  	s25 =	simm.s32 $0x0;
	[sflag:s29] =	ssyncadd.s32 $0xFFFFE700  }
0x28d: {  	v0 =	vld [tilespmem:s25+$0x400]  }
0x28e: {  	v1 =	vld [tilespmem:s25+$0x480];
	_ =	sdelay $0x1  }
0x28f: {  	v2 =	vld [tilespmem:s25+$0x500];
	_ =	sdelay $0x1  }
0x290: {  	v3 =	vld [tilespmem:s25+$0x580]  }
0x291: {  	v0 =	vadd.f32 v1, v0  }
0x292: {  	v1 =	vld [tilespmem:s25+$0xCC00]  }
0x293: {  	v0 =	vadd.f32 v2, v0  }
0x294: {  	v2 =	vld [tilespmem:s25+$0xCC80]  }
0x295: {  	v0 =	vadd.f32 v3, v0  }
0x296: {  	v3 =	vld [tilespmem:s25+$0xCD00]  }
0x297: {  	v0 =	vadd.f32 v1, v0  }
0x298: {  	v1 =	vld [tilespmem:s25+$0xCD80]  }
0x299: {  	v0 =	vadd.f32 v2, v0;
	_ =	sdelay $0x1  }
0x29a: {  	v0 =	vadd.f32 v3, v0;
	_ =	sdelay $0x1  }
0x29b: {  	v0 =	vadd.f32 v1, v0  }
0x29c: {  	s23 =	simm.s32 $0x19440  }
0x29d: {  	[tilespmem:s23+$0xFFFFFFC0] =	vst v0  }
0x29e: {  	v0 =	vld [tilespmem:s25+$0x410]  }
0x29f: {  	v1 =	vld [tilespmem:s25+$0x490];
	_ =	sdelay $0x1  }
0x2a0: {  	v2 =	vld [tilespmem:s25+$0x510];
	_ =	sdelay $0x1  }
0x2a1: {  	v3 =	vld [tilespmem:s25+$0x590]  }
0x2a2: {  	v0 =	vadd.f32 v1, v0  }
0x2a3: {  	v1 =	vld [tilespmem:s25+$0xCC10]  }
0x2a4: {  	v0 =	vadd.f32 v2, v0  }
0x2a5: {  	v2 =	vld [tilespmem:s25+$0xCC90]  }
0x2a6: {  	v0 =	vadd.f32 v3, v0  }
0x2a7: {  	v3 =	vld [tilespmem:s25+$0xCD10]  }
0x2a8: {  	v0 =	vadd.f32 v1, v0  }
0x2a9: {  	v1 =	vld [tilespmem:s25+$0xCD90]  }
0x2aa: {  	v0 =	vadd.f32 v2, v0;
	_ =	sdelay $0x1  }
0x2ab: {  	v0 =	vadd.f32 v3, v0;
	_ =	sdelay $0x1  }
0x2ac: {  	v0 =	vadd.f32 v1, v0;
	_ =	sdelay $0x1  }
0x2ad: {  	[tilespmem:s23+$0xFFFFFFD0] =	vst v0  }
0x2ae: {  	v0 =	vld [tilespmem:s25+$0x420]  }
0x2af: {  	v1 =	vld [tilespmem:s25+$0x4A0];
	_ =	sdelay $0x1  }
0x2b0: {  	v2 =	vld [tilespmem:s25+$0x520];
	_ =	sdelay $0x1  }
0x2b1: {  	v3 =	vld [tilespmem:s25+$0x5A0]  }
0x2b2: {  	v0 =	vadd.f32 v1, v0  }
0x2b3: {  	v1 =	vld [tilespmem:s25+$0xCC20]  }
0x2b4: {  	v0 =	vadd.f32 v2, v0  }
0x2b5: {  	v2 =	vld [tilespmem:s25+$0xCCA0]  }
0x2b6: {  	v0 =	vadd.f32 v3, v0  }
0x2b7: {  	v3 =	vld [tilespmem:s25+$0xCD20]  }
0x2b8: {  	v0 =	vadd.f32 v1, v0  }
0x2b9: {  	v1 =	vld [tilespmem:s25+$0xCDA0]  }
0x2ba: {  	v0 =	vadd.f32 v2, v0;
	_ =	sdelay $0x1  }
0x2bb: {  	v0 =	vadd.f32 v3, v0;
	_ =	sdelay $0x1  }
0x2bc: {  	v0 =	vadd.f32 v1, v0;
	_ =	sdelay $0x1  }
0x2bd: {  	[tilespmem:s23+$0xFFFFFFE0] =	vst v0  }
0x2be: {  	v0 =	vld [tilespmem:s25+$0x430]  }
0x2bf: {  	v1 =	vld [tilespmem:s25+$0x4B0];
	_ =	sdelay $0x1  }
0x2c0: {  	v2 =	vld [tilespmem:s25+$0x530];
	_ =	sdelay $0x1  }
0x2c1: {  	v3 =	vld [tilespmem:s25+$0x5B0]  }
0x2c2: {  	v0 =	vadd.f32 v1, v0  }
0x2c3: {  	v1 =	vld [tilespmem:s25+$0xCC30]  }
0x2c4: {  	v0 =	vadd.f32 v2, v0  }
0x2c5: {  	v2 =	vld [tilespmem:s25+$0xCCB0]  }
0x2c6: {  	v0 =	vadd.f32 v3, v0  }
0x2c7: {  	v3 =	vld [tilespmem:s25+$0xCD30]  }
0x2c8: {  	v0 =	vadd.f32 v1, v0  }
0x2c9: {  	v1 =	vld [tilespmem:s25+$0xCDB0]  }
0x2ca: {  	v0 =	vadd.f32 v2, v0;
	_ =	sdelay $0x1  }
0x2cb: {  	v0 =	vadd.f32 v3, v0;
	_ =	sdelay $0x1  }
0x2cc: {  	v0 =	vadd.f32 v1, v0;
	_ =	sdelay $0x1  }
0x2cd: {  	[tilespmem:s23+$0xFFFFFFF0] =	vst v0  }
0x2ce: {  	v0 =	vld [tilespmem:s25+$0x440]  }
0x2cf: {  	v1 =	vld [tilespmem:s25+$0x4C0];
	_ =	sdelay $0x1  }
0x2d0: {  	v2 =	vld [tilespmem:s25+$0x540];
	_ =	sdelay $0x1  }
0x2d1: {  	v3 =	vld [tilespmem:s25+$0x5C0]  }
0x2d2: {  	v0 =	vadd.f32 v1, v0  }
0x2d3: {  	v1 =	vld [tilespmem:s25+$0xCC40]  }
0x2d4: {  	v0 =	vadd.f32 v2, v0  }
0x2d5: {  	v2 =	vld [tilespmem:s25+$0xCCC0]  }
0x2d6: {  	v0 =	vadd.f32 v3, v0  }
0x2d7: {  	v3 =	vld [tilespmem:s25+$0xCD40]  }
0x2d8: {  	v0 =	vadd.f32 v1, v0  }
0x2d9: {  	v1 =	vld [tilespmem:s25+$0xCDC0]  }
0x2da: {  	v0 =	vadd.f32 v2, v0;
	_ =	sdelay $0x1  }
0x2db: {  	v0 =	vadd.f32 v3, v0;
	_ =	sdelay $0x1  }
0x2dc: {  	v0 =	vadd.f32 v1, v0;
	_ =	sdelay $0x1  }
0x2dd: {  	[tilespmem:s23+$0x0] =	vst v0  }
0x2de: {  	v0 =	vld [tilespmem:s25+$0x450]  }
0x2df: {  	v1 =	vld [tilespmem:s25+$0x4D0];
	_ =	sdelay $0x1  }
0x2e0: {  	v2 =	vld [tilespmem:s25+$0x550];
	_ =	sdelay $0x1  }
0x2e1: {  	v3 =	vld [tilespmem:s25+$0x5D0]  }
0x2e2: {  	v0 =	vadd.f32 v1, v0  }
0x2e3: {  	v1 =	vld [tilespmem:s25+$0xCC50]  }
0x2e4: {  	v0 =	vadd.f32 v2, v0  }
0x2e5: {  	v2 =	vld [tilespmem:s25+$0xCCD0]  }
0x2e6: {  	v0 =	vadd.f32 v3, v0  }
0x2e7: {  	v3 =	vld [tilespmem:s25+$0xCD50]  }
0x2e8: {  	v0 =	vadd.f32 v1, v0  }
0x2e9: {  	v1 =	vld [tilespmem:s25+$0xCDD0]  }
0x2ea: {  	v0 =	vadd.f32 v2, v0;
	_ =	sdelay $0x1  }
0x2eb: {  	v0 =	vadd.f32 v3, v0;
	_ =	sdelay $0x1  }
0x2ec: {  	v0 =	vadd.f32 v1, v0;
	_ =	sdelay $0x1  }
0x2ed: {  	[tilespmem:s23+$0x10] =	vst v0  }
0x2ee: {  	v0 =	vld [tilespmem:s25+$0x460]  }
0x2ef: {  	v1 =	vld [tilespmem:s25+$0x4E0];
	_ =	sdelay $0x1  }
0x2f0: {  	v2 =	vld [tilespmem:s25+$0x560];
	_ =	sdelay $0x1  }
0x2f1: {  	v3 =	vld [tilespmem:s25+$0x5E0]  }
0x2f2: {  	v0 =	vadd.f32 v1, v0  }
0x2f3: {  	v1 =	vld [tilespmem:s25+$0xCC60]  }
0x2f4: {  	v0 =	vadd.f32 v2, v0  }
0x2f5: {  	v2 =	vld [tilespmem:s25+$0xCCE0]  }
0x2f6: {  	v0 =	vadd.f32 v3, v0  }
0x2f7: {  	v3 =	vld [tilespmem:s25+$0xCD60]  }
0x2f8: {  	v0 =	vadd.f32 v1, v0  }
0x2f9: {  	v1 =	vld [tilespmem:s25+$0xCDE0]  }
0x2fa: {  	v0 =	vadd.f32 v2, v0;
	_ =	sdelay $0x1  }
0x2fb: {  	v0 =	vadd.f32 v3, v0;
	_ =	sdelay $0x1  }
0x2fc: {  	v0 =	vadd.f32 v1, v0;
	_ =	sdelay $0x1  }
0x2fd: {  	[tilespmem:s23+$0x20] =	vst v0  }
0x2fe: {  	v0 =	vld [tilespmem:s25+$0x470]  }
0x2ff: {  	v1 =	vld [tilespmem:s25+$0x4F0];
	_ =	sdelay $0x1  }
0x300: {  	v2 =	vld [tilespmem:s25+$0x570];
	_ =	sdelay $0x1  }
0x301: {  	v4 =	vld [tilespmem:s25+$0x5F0]  }
0x302: {  	v3 =	vadd.f32 v1, v0  }
0x303: {  	v1 =	vld [tilespmem:s25+$0xCC70]  }
0x304: {  	v0 =	vld [tilespmem:s25+$0xCCF0];
	v5 =	vadd.f32 v2, v3  }
0x305: {  	v2 =	vld [tilespmem:s25+$0xCD70]  }
0x306: {  	s26 =	simm.s32 $0x800;
	v3 =	vld [tilespmem:s25+$0xCDF0];
	s25 =	simm.s32 $0x19440;
	v4 =	vadd.f32 v4, v5  }
.LBB2_8:
0x307: {  	p0 =	sne.s32 s26, $0x18800  }
0x308: {  	s23 =	sadd.s32 $0x80, s23;
	s28 =	smov.u32 s26;
	s26 =	sadd.s32 $0x800, s26  }
0x309: {  	v1 =	vadd.f32 v1, v4;
	_ =	sdelay $0x1  }
0x30a: {  	v0 =	vadd.f32 v0, v1;
	_ =	sdelay $0x1  }
0x30b: {  	v0 =	vadd.f32 v2, v0;
	_ =	sdelay $0x1  }
0x30c: {  	v0 =	vadd.f32 v3, v0  }
0x30d: {  	s28 =	sshra.s32 s28, $0x2  }
0x30e: {  	[tilespmem:s25+$0x30] =	vst v0;
	s25 =	smov.u32 s23  }
0x30f: {  	v0 =	vld [tilespmem:s28+$0x400]  }
0x310: {  	v1 =	vld [tilespmem:s28+$0x480]  }
0x311: {  	v2 =	vld [tilespmem:s28+$0x500];
	_ =	sdelay $0x1  }
0x312: {  	v3 =	vld [tilespmem:s28+$0x580];
	_ =	sdelay $0x1  }
0x313: {  	v0 =	vadd.f32 v1, v0  }
0x314: {  	v1 =	vld [tilespmem:s28+$0xCC00]  }
0x315: {  	v0 =	vadd.f32 v2, v0  }
0x316: {  	v2 =	vld [tilespmem:s28+$0xCC80]  }
0x317: {  	v0 =	vadd.f32 v3, v0  }
0x318: {  	v3 =	vld [tilespmem:s28+$0xCD00]  }
0x319: {  	v0 =	vadd.f32 v1, v0  }
0x31a: {  	v1 =	vld [tilespmem:s28+$0xCD80]  }
0x31b: {  	v0 =	vadd.f32 v2, v0;
	_ =	sdelay $0x1  }
0x31c: {  	v0 =	vadd.f32 v3, v0;
	_ =	sdelay $0x1  }
0x31d: {  	v0 =	vadd.f32 v1, v0;
	_ =	sdelay $0x1  }
0x31e: {  	[tilespmem:s23+$0xFFFFFFC0] =	vst v0  }
0x31f: {  	v0 =	vld [tilespmem:s28+$0x410]  }
0x320: {  	v1 =	vld [tilespmem:s28+$0x490];
	_ =	sdelay $0x1  }
0x321: {  	v2 =	vld [tilespmem:s28+$0x510];
	_ =	sdelay $0x1  }
0x322: {  	v3 =	vld [tilespmem:s28+$0x590]  }
0x323: {  	v0 =	vadd.f32 v1, v0  }
0x324: {  	v1 =	vld [tilespmem:s28+$0xCC10]  }
0x325: {  	v0 =	vadd.f32 v2, v0  }
0x326: {  	v2 =	vld [tilespmem:s28+$0xCC90]  }
0x327: {  	v0 =	vadd.f32 v3, v0  }
0x328: {  	v3 =	vld [tilespmem:s28+$0xCD10]  }
0x329: {  	v0 =	vadd.f32 v1, v0  }
0x32a: {  	v1 =	vld [tilespmem:s28+$0xCD90]  }
0x32b: {  	v0 =	vadd.f32 v2, v0;
	_ =	sdelay $0x1  }
0x32c: {  	v0 =	vadd.f32 v3, v0;
	_ =	sdelay $0x1  }
0x32d: {  	v0 =	vadd.f32 v1, v0;
	_ =	sdelay $0x1  }
0x32e: {  	[tilespmem:s23+$0xFFFFFFD0] =	vst v0  }
0x32f: {  	v0 =	vld [tilespmem:s28+$0x420]  }
0x330: {  	v1 =	vld [tilespmem:s28+$0x4A0];
	_ =	sdelay $0x1  }
0x331: {  	v2 =	vld [tilespmem:s28+$0x520];
	_ =	sdelay $0x1  }
0x332: {  	v3 =	vld [tilespmem:s28+$0x5A0]  }
0x333: {  	v0 =	vadd.f32 v1, v0  }
0x334: {  	v1 =	vld [tilespmem:s28+$0xCC20]  }
0x335: {  	v0 =	vadd.f32 v2, v0  }
0x336: {  	v2 =	vld [tilespmem:s28+$0xCCA0]  }
0x337: {  	v0 =	vadd.f32 v3, v0  }
0x338: {  	v3 =	vld [tilespmem:s28+$0xCD20]  }
0x339: {  	v0 =	vadd.f32 v1, v0  }
0x33a: {  	v1 =	vld [tilespmem:s28+$0xCDA0]  }
0x33b: {  	v0 =	vadd.f32 v2, v0;
	_ =	sdelay $0x1  }
0x33c: {  	v0 =	vadd.f32 v3, v0;
	_ =	sdelay $0x1  }
0x33d: {  	v0 =	vadd.f32 v1, v0;
	_ =	sdelay $0x1  }
0x33e: {  	[tilespmem:s23+$0xFFFFFFE0] =	vst v0  }
0x33f: {  	v0 =	vld [tilespmem:s28+$0x430]  }
0x340: {  	v1 =	vld [tilespmem:s28+$0x4B0];
	_ =	sdelay $0x1  }
0x341: {  	v2 =	vld [tilespmem:s28+$0x530];
	_ =	sdelay $0x1  }
0x342: {  	v3 =	vld [tilespmem:s28+$0x5B0]  }
0x343: {  	v0 =	vadd.f32 v1, v0  }
0x344: {  	v1 =	vld [tilespmem:s28+$0xCC30]  }
0x345: {  	v0 =	vadd.f32 v2, v0  }
0x346: {  	v2 =	vld [tilespmem:s28+$0xCCB0]  }
0x347: {  	v0 =	vadd.f32 v3, v0  }
0x348: {  	v3 =	vld [tilespmem:s28+$0xCD30]  }
0x349: {  	v0 =	vadd.f32 v1, v0  }
0x34a: {  	v1 =	vld [tilespmem:s28+$0xCDB0]  }
0x34b: {  	v0 =	vadd.f32 v2, v0;
	_ =	sdelay $0x1  }
0x34c: {  	v0 =	vadd.f32 v3, v0;
	_ =	sdelay $0x1  }
0x34d: {  	v0 =	vadd.f32 v1, v0;
	_ =	sdelay $0x1  }
0x34e: {  	[tilespmem:s23+$0xFFFFFFF0] =	vst v0  }
0x34f: {  	v0 =	vld [tilespmem:s28+$0x440]  }
0x350: {  	v1 =	vld [tilespmem:s28+$0x4C0]  }
0x351: {  	v2 =	vld [tilespmem:s28+$0x540];
	_ =	sdelay $0x2  }
0x352: {  	v3 =	vld [tilespmem:s28+$0x5C0]  }
0x353: {  	v0 =	vadd.f32 v1, v0  }
0x354: {  	v1 =	vld [tilespmem:s28+$0xCC40]  }
0x355: {  	v0 =	vadd.f32 v2, v0  }
0x356: {  	v2 =	vld [tilespmem:s28+$0xCCC0]  }
0x357: {  	v0 =	vadd.f32 v3, v0  }
0x358: {  	v3 =	vld [tilespmem:s28+$0xCD40]  }
0x359: {  	v0 =	vadd.f32 v1, v0  }
0x35a: {  	v1 =	vld [tilespmem:s28+$0xCDC0]  }
0x35b: {  	v0 =	vadd.f32 v2, v0;
	_ =	sdelay $0x1  }
0x35c: {  	v0 =	vadd.f32 v3, v0;
	_ =	sdelay $0x1  }
0x35d: {  	v0 =	vadd.f32 v1, v0;
	_ =	sdelay $0x1  }
0x35e: {  	[tilespmem:s23+$0x0] =	vst v0  }
0x35f: {  	v0 =	vld [tilespmem:s28+$0x450]  }
0x360: {  	v1 =	vld [tilespmem:s28+$0x4D0]  }
0x361: {  	v2 =	vld [tilespmem:s28+$0x550]  }
0x362: {  	v3 =	vld [tilespmem:s28+$0x5D0]  }
0x363: {  	v4 =	vld [tilespmem:s28+$0xCC50]  }
0x364: {  	v5 =	vld [tilespmem:s28+$0xCCD0]  }
0x365: {  	v0 =	vadd.f32 v1, v0;
	v1 =	vld [tilespmem:s28+$0xCD50]  }
0x366: {  	v6 =	vld [tilespmem:s28+$0xCDD0]  }
0x367: {  	v0 =	vadd.f32 v2, v0;
	_ =	sdelay $0x1  }
0x368: {  	v0 =	vadd.f32 v3, v0;
	_ =	sdelay $0x1  }
0x369: {  	v0 =	vadd.f32 v4, v0;
	_ =	sdelay $0x1  }
0x36a: {  	v0 =	vadd.f32 v5, v0;
	_ =	sdelay $0x1  }
0x36b: {  	v0 =	vadd.f32 v1, v0;
	_ =	sdelay $0x1  }
0x36c: {  	v0 =	vadd.f32 v6, v0;
	_ =	sdelay $0x1  }
0x36d: {  	[tilespmem:s23+$0x10] =	vst v0  }
0x36e: {  	v0 =	vld [tilespmem:s28+$0x460]  }
0x36f: {  	v1 =	vld [tilespmem:s28+$0x4E0]  }
0x370: {  	v2 =	vld [tilespmem:s28+$0x560]  }
0x371: {  	v3 =	vld [tilespmem:s28+$0x5E0]  }
0x372: {  	v4 =	vld [tilespmem:s28+$0xCC60]  }
0x373: {  	v5 =	vld [tilespmem:s28+$0xCCE0]  }
0x374: {  	v0 =	vadd.f32 v1, v0;
	v1 =	vld [tilespmem:s28+$0xCD60]  }
0x375: {  	v6 =	vld [tilespmem:s28+$0xCDE0]  }
0x376: {  	v0 =	vadd.f32 v2, v0;
	_ =	sdelay $0x1  }
0x377: {  	v0 =	vadd.f32 v3, v0;
	_ =	sdelay $0x1  }
0x378: {  	v0 =	vadd.f32 v4, v0;
	_ =	sdelay $0x1  }
0x379: {  	v0 =	vadd.f32 v5, v0;
	_ =	sdelay $0x1  }
0x37a: {  	v0 =	vadd.f32 v1, v0;
	_ =	sdelay $0x1  }
0x37b: {  	v0 =	vadd.f32 v6, v0;
	_ =	sdelay $0x1  }
0x37c: {  	[tilespmem:s23+$0x20] =	vst v0  }
0x37d: {  	v2 =	vld [tilespmem:s28+$0x470]  }
0x37e: {  	v3 =	vld [tilespmem:s28+$0x4F0]  }
0x37f: {  	v4 =	vld [tilespmem:s28+$0x570]  }
0x380: {  	v5 =	vld [tilespmem:s28+$0x5F0]  }
0x381: {  	v1 =	vld [tilespmem:s28+$0xCC70]  }
0x382: {  	v0 =	vld [tilespmem:s28+$0xCCF0]  }
.Ltmp3:
0x383: {  	v6 =	vadd.f32 v3, v2;
	v2 =	vld [tilespmem:s28+$0xCD70];
	(pc) =	sbr.rel @p0 .LBB2_8-.Ltmp3, $3  }
0x384: {  	v3 =	vld [tilespmem:s28+$0xCDF0]  }
0x385: {  	v4 =	vadd.f32 v4, v6;
	_ =	sdelay $0x1  }
0x386: {  	v4 =	vadd.f32 v5, v4  }
0x387: {  	_ = 	snop  }
0x388: {  	v1 =	vadd.f32 v1, v4;
	_ =	sdelay $0x1  }
0x389: {  	v0 =	vadd.f32 v0, v1;
	_ =	sdelay $0x1  }
0x38a: {  	v0 =	vadd.f32 v2, v0;
	_ =	sdelay $0x1  }
0x38b: {  	v0 =	vadd.f32 v3, v0;
	_ =	sdelay $0x1  }
0x38c: {  	s23 =	simm.s32 $0x0;
	s26 =	rddreg [dreg:$0x9];
	[tilespmem:s25+$0x30] =	vst v0  }
0x38d: {  	[hbm4b:s26+s23] =	stream.linear.scatter [tilespmem:s15], [sflag:$0x5], $0x1900, $0x38;
	[tilespmem:$0x1CC00] =	vst v63  }
0x38e: {  	_ =	swait.ge [sflag:s16], $0x4000  }
0x38f: {  	[sflag:s16] =	ssyncset.done $0x0  }
0x390: {  	[sflag:s16] =	ssyncadd.s32 $0xFFFFC000  }
0x391: {  	_ =	swait.ge [sflag:s16], $0x2400  }
0x392: {  	[sflag:s16] =	ssyncset.done $0x0  }
0x393: {  	[sflag:s16] =	ssyncadd.s32 $0xFFFFDC00  }
0x394: {  	_ =	swait.ge [sflag:s16], $0x4000  }
0x395: {  	[sflag:s16] =	ssyncset.done $0x0  }
0x396: {  	[sflag:s16] =	ssyncadd.s32 $0xFFFFC000  }
0x397: {  	_ =	swait.ge [sflag:s16], $0x2400  }
0x398: {  	[sflag:s16] =	ssyncset.done $0x0  }
0x399: {  	s31 =	simm.s32 $0x6;
	[sflag:s16] =	ssyncadd.s32 $0xFFFFDC00  }
0x39a: {  	_ =	swait.ge [sflag:s31], $0x1900  }
0x39b: {  	[sflag:s31] =	ssyncset.done $0x0  }
0x39c: {  	s28 =	simm.s32 $0x0;
	[sflag:s31] =	ssyncadd.s32 $0xFFFFE700  }
0x39d: {  	v0 =	vld [tilespmem:s28+$0x6800]  }
0x39e: {  	v1 =	vld [tilespmem:s28+$0x6880];
	_ =	sdelay $0x1  }
0x39f: {  	v2 =	vld [tilespmem:s28+$0x6900];
	_ =	sdelay $0x1  }
0x3a0: {  	v3 =	vld [tilespmem:s28+$0x6980]  }
0x3a1: {  	v0 =	vadd.f32 v1, v0  }
0x3a2: {  	v1 =	vld [tilespmem:s28+$0x13000]  }
0x3a3: {  	v0 =	vadd.f32 v2, v0  }
0x3a4: {  	v2 =	vld [tilespmem:s28+$0x13080]  }
0x3a5: {  	v0 =	vadd.f32 v3, v0  }
0x3a6: {  	v3 =	vld [tilespmem:s28+$0x13100]  }
0x3a7: {  	v0 =	vadd.f32 v1, v0  }
0x3a8: {  	v1 =	vld [tilespmem:s28+$0x13180]  }
0x3a9: {  	v0 =	vadd.f32 v2, v0;
	_ =	sdelay $0x1  }
0x3aa: {  	v0 =	vadd.f32 v3, v0;
	_ =	sdelay $0x1  }
0x3ab: {  	v0 =	vadd.f32 v1, v0  }
0x3ac: {  	s23 =	simm.s32 $0x1B040  }
0x3ad: {  	[tilespmem:s23+$0xFFFFFFC0] =	vst v0  }
0x3ae: {  	v0 =	vld [tilespmem:s28+$0x6810]  }
0x3af: {  	v1 =	vld [tilespmem:s28+$0x6890];
	_ =	sdelay $0x1  }
0x3b0: {  	v2 =	vld [tilespmem:s28+$0x6910];
	_ =	sdelay $0x1  }
0x3b1: {  	v3 =	vld [tilespmem:s28+$0x6990]  }
0x3b2: {  	v0 =	vadd.f32 v1, v0  }
0x3b3: {  	v1 =	vld [tilespmem:s28+$0x13010]  }
0x3b4: {  	v0 =	vadd.f32 v2, v0  }
0x3b5: {  	v2 =	vld [tilespmem:s28+$0x13090]  }
0x3b6: {  	v0 =	vadd.f32 v3, v0  }
0x3b7: {  	v3 =	vld [tilespmem:s28+$0x13110]  }
0x3b8: {  	v0 =	vadd.f32 v1, v0  }
0x3b9: {  	v1 =	vld [tilespmem:s28+$0x13190]  }
0x3ba: {  	v0 =	vadd.f32 v2, v0;
	_ =	sdelay $0x1  }
0x3bb: {  	v0 =	vadd.f32 v3, v0;
	_ =	sdelay $0x1  }
0x3bc: {  	v0 =	vadd.f32 v1, v0;
	_ =	sdelay $0x1  }
0x3bd: {  	[tilespmem:s23+$0xFFFFFFD0] =	vst v0  }
0x3be: {  	v0 =	vld [tilespmem:s28+$0x6820]  }
0x3bf: {  	v1 =	vld [tilespmem:s28+$0x68A0];
	_ =	sdelay $0x1  }
0x3c0: {  	v2 =	vld [tilespmem:s28+$0x6920];
	_ =	sdelay $0x1  }
0x3c1: {  	v3 =	vld [tilespmem:s28+$0x69A0]  }
0x3c2: {  	v0 =	vadd.f32 v1, v0  }
0x3c3: {  	v1 =	vld [tilespmem:s28+$0x13020]  }
0x3c4: {  	v0 =	vadd.f32 v2, v0  }
0x3c5: {  	v2 =	vld [tilespmem:s28+$0x130A0]  }
0x3c6: {  	v0 =	vadd.f32 v3, v0  }
0x3c7: {  	v3 =	vld [tilespmem:s28+$0x13120]  }
0x3c8: {  	v0 =	vadd.f32 v1, v0  }
0x3c9: {  	v1 =	vld [tilespmem:s28+$0x131A0]  }
0x3ca: {  	v0 =	vadd.f32 v2, v0;
	_ =	sdelay $0x1  }
0x3cb: {  	v0 =	vadd.f32 v3, v0;
	_ =	sdelay $0x1  }
0x3cc: {  	v0 =	vadd.f32 v1, v0;
	_ =	sdelay $0x1  }
0x3cd: {  	[tilespmem:s23+$0xFFFFFFE0] =	vst v0  }
0x3ce: {  	v0 =	vld [tilespmem:s28+$0x6830]  }
0x3cf: {  	v1 =	vld [tilespmem:s28+$0x68B0];
	_ =	sdelay $0x1  }
0x3d0: {  	v2 =	vld [tilespmem:s28+$0x6930];
	_ =	sdelay $0x1  }
0x3d1: {  	v3 =	vld [tilespmem:s28+$0x69B0]  }
0x3d2: {  	v0 =	vadd.f32 v1, v0  }
0x3d3: {  	v1 =	vld [tilespmem:s28+$0x13030]  }
0x3d4: {  	v0 =	vadd.f32 v2, v0  }
0x3d5: {  	v2 =	vld [tilespmem:s28+$0x130B0]  }
0x3d6: {  	v0 =	vadd.f32 v3, v0  }
0x3d7: {  	v3 =	vld [tilespmem:s28+$0x13130]  }
0x3d8: {  	v0 =	vadd.f32 v1, v0  }
0x3d9: {  	v1 =	vld [tilespmem:s28+$0x131B0]  }
0x3da: {  	v0 =	vadd.f32 v2, v0;
	_ =	sdelay $0x1  }
0x3db: {  	v0 =	vadd.f32 v3, v0;
	_ =	sdelay $0x1  }
0x3dc: {  	v0 =	vadd.f32 v1, v0;
	_ =	sdelay $0x1  }
0x3dd: {  	[tilespmem:s23+$0xFFFFFFF0] =	vst v0  }
0x3de: {  	v0 =	vld [tilespmem:s28+$0x6840]  }
0x3df: {  	v1 =	vld [tilespmem:s28+$0x68C0];
	_ =	sdelay $0x1  }
0x3e0: {  	v2 =	vld [tilespmem:s28+$0x6940];
	_ =	sdelay $0x1  }
0x3e1: {  	v3 =	vld [tilespmem:s28+$0x69C0]  }
0x3e2: {  	v0 =	vadd.f32 v1, v0  }
0x3e3: {  	v1 =	vld [tilespmem:s28+$0x13040]  }
0x3e4: {  	v0 =	vadd.f32 v2, v0  }
0x3e5: {  	v2 =	vld [tilespmem:s28+$0x130C0]  }
0x3e6: {  	v0 =	vadd.f32 v3, v0  }
0x3e7: {  	v3 =	vld [tilespmem:s28+$0x13140]  }
0x3e8: {  	v0 =	vadd.f32 v1, v0  }
0x3e9: {  	v1 =	vld [tilespmem:s28+$0x131C0]  }
0x3ea: {  	v0 =	vadd.f32 v2, v0;
	_ =	sdelay $0x1  }
0x3eb: {  	v0 =	vadd.f32 v3, v0;
	_ =	sdelay $0x1  }
0x3ec: {  	v0 =	vadd.f32 v1, v0;
	_ =	sdelay $0x1  }
0x3ed: {  	[tilespmem:s23+$0x0] =	vst v0  }
0x3ee: {  	v0 =	vld [tilespmem:s28+$0x6850]  }
0x3ef: {  	v1 =	vld [tilespmem:s28+$0x68D0];
	_ =	sdelay $0x1  }
0x3f0: {  	v2 =	vld [tilespmem:s28+$0x6950];
	_ =	sdelay $0x1  }
0x3f1: {  	v3 =	vld [tilespmem:s28+$0x69D0]  }
0x3f2: {  	v0 =	vadd.f32 v1, v0  }
0x3f3: {  	v1 =	vld [tilespmem:s28+$0x13050]  }
0x3f4: {  	v0 =	vadd.f32 v2, v0  }
0x3f5: {  	v2 =	vld [tilespmem:s28+$0x130D0]  }
0x3f6: {  	v0 =	vadd.f32 v3, v0  }
0x3f7: {  	v3 =	vld [tilespmem:s28+$0x13150]  }
0x3f8: {  	v0 =	vadd.f32 v1, v0  }
0x3f9: {  	v1 =	vld [tilespmem:s28+$0x131D0]  }
0x3fa: {  	v0 =	vadd.f32 v2, v0;
	_ =	sdelay $0x1  }
0x3fb: {  	v0 =	vadd.f32 v3, v0;
	_ =	sdelay $0x1  }
0x3fc: {  	v0 =	vadd.f32 v1, v0;
	_ =	sdelay $0x1  }
0x3fd: {  	[tilespmem:s23+$0x10] =	vst v0  }
0x3fe: {  	v0 =	vld [tilespmem:s28+$0x6860]  }
0x3ff: {  	v1 =	vld [tilespmem:s28+$0x68E0];
	_ =	sdelay $0x1  }
0x400: {  	v2 =	vld [tilespmem:s28+$0x6960];
	_ =	sdelay $0x1  }
0x401: {  	v3 =	vld [tilespmem:s28+$0x69E0]  }
0x402: {  	v0 =	vadd.f32 v1, v0  }
0x403: {  	v1 =	vld [tilespmem:s28+$0x13060]  }
0x404: {  	v0 =	vadd.f32 v2, v0  }
0x405: {  	v2 =	vld [tilespmem:s28+$0x130E0]  }
0x406: {  	v0 =	vadd.f32 v3, v0  }
0x407: {  	v3 =	vld [tilespmem:s28+$0x13160]  }
0x408: {  	v0 =	vadd.f32 v1, v0  }
0x409: {  	v1 =	vld [tilespmem:s28+$0x131E0]  }
0x40a: {  	v0 =	vadd.f32 v2, v0;
	_ =	sdelay $0x1  }
0x40b: {  	v0 =	vadd.f32 v3, v0;
	_ =	sdelay $0x1  }
0x40c: {  	v0 =	vadd.f32 v1, v0;
	_ =	sdelay $0x1  }
0x40d: {  	[tilespmem:s23+$0x20] =	vst v0  }
0x40e: {  	v0 =	vld [tilespmem:s28+$0x6870]  }
0x40f: {  	v1 =	vld [tilespmem:s28+$0x68F0];
	_ =	sdelay $0x1  }
0x410: {  	v2 =	vld [tilespmem:s28+$0x6970];
	_ =	sdelay $0x1  }
0x411: {  	v4 =	vld [tilespmem:s28+$0x69F0]  }
0x412: {  	v3 =	vadd.f32 v1, v0  }
0x413: {  	v1 =	vld [tilespmem:s28+$0x13070]  }
0x414: {  	v0 =	vld [tilespmem:s28+$0x130F0];
	v5 =	vadd.f32 v2, v3  }
0x415: {  	v2 =	vld [tilespmem:s28+$0x13170]  }
0x416: {  	s25 =	simm.s32 $0x1B040;
	s26 =	simm.s32 $0x800;
	v3 =	vld [tilespmem:s28+$0x131F0];
	v4 =	vadd.f32 v4, v5  }
.LBB2_10:
0x417: {  	p0 =	sne.s32 s26, $0x18800  }
0x418: {  	s23 =	sadd.s32 $0x80, s23;
	s28 =	smov.u32 s26;
	s26 =	sadd.s32 $0x800, s26  }
0x419: {  	v1 =	vadd.f32 v1, v4;
	_ =	sdelay $0x1  }
0x41a: {  	v0 =	vadd.f32 v0, v1;
	_ =	sdelay $0x1  }
0x41b: {  	v0 =	vadd.f32 v2, v0;
	_ =	sdelay $0x1  }
0x41c: {  	v0 =	vadd.f32 v3, v0  }
0x41d: {  	s28 =	sshra.s32 s28, $0x2  }
0x41e: {  	[tilespmem:s25+$0x30] =	vst v0;
	s25 =	smov.u32 s23  }
0x41f: {  	v0 =	vld [tilespmem:s28+$0x6800]  }
0x420: {  	v1 =	vld [tilespmem:s28+$0x6880]  }
0x421: {  	v2 =	vld [tilespmem:s28+$0x6900];
	_ =	sdelay $0x1  }
0x422: {  	v3 =	vld [tilespmem:s28+$0x6980];
	_ =	sdelay $0x1  }
0x423: {  	v0 =	vadd.f32 v1, v0  }
0x424: {  	v1 =	vld [tilespmem:s28+$0x13000]  }
0x425: {  	v0 =	vadd.f32 v2, v0  }
0x426: {  	v2 =	vld [tilespmem:s28+$0x13080]  }
0x427: {  	v0 =	vadd.f32 v3, v0  }
0x428: {  	v3 =	vld [tilespmem:s28+$0x13100]  }
0x429: {  	v0 =	vadd.f32 v1, v0  }
0x42a: {  	v1 =	vld [tilespmem:s28+$0x13180]  }
0x42b: {  	v0 =	vadd.f32 v2, v0;
	_ =	sdelay $0x1  }
0x42c: {  	v0 =	vadd.f32 v3, v0;
	_ =	sdelay $0x1  }
0x42d: {  	v0 =	vadd.f32 v1, v0;
	_ =	sdelay $0x1  }
0x42e: {  	[tilespmem:s23+$0xFFFFFFC0] =	vst v0  }
0x42f: {  	v0 =	vld [tilespmem:s28+$0x6810]  }
0x430: {  	v1 =	vld [tilespmem:s28+$0x6890];
	_ =	sdelay $0x1  }
0x431: {  	v2 =	vld [tilespmem:s28+$0x6910];
	_ =	sdelay $0x1  }
0x432: {  	v3 =	vld [tilespmem:s28+$0x6990]  }
0x433: {  	v0 =	vadd.f32 v1, v0  }
0x434: {  	v1 =	vld [tilespmem:s28+$0x13010]  }
0x435: {  	v0 =	vadd.f32 v2, v0  }
0x436: {  	v2 =	vld [tilespmem:s28+$0x13090]  }
0x437: {  	v0 =	vadd.f32 v3, v0  }
0x438: {  	v3 =	vld [tilespmem:s28+$0x13110]  }
0x439: {  	v0 =	vadd.f32 v1, v0  }
0x43a: {  	v1 =	vld [tilespmem:s28+$0x13190]  }
0x43b: {  	v0 =	vadd.f32 v2, v0;
	_ =	sdelay $0x1  }
0x43c: {  	v0 =	vadd.f32 v3, v0;
	_ =	sdelay $0x1  }
0x43d: {  	v0 =	vadd.f32 v1, v0;
	_ =	sdelay $0x1  }
0x43e: {  	[tilespmem:s23+$0xFFFFFFD0] =	vst v0  }
0x43f: {  	v0 =	vld [tilespmem:s28+$0x6820]  }
0x440: {  	v1 =	vld [tilespmem:s28+$0x68A0];
	_ =	sdelay $0x1  }
0x441: {  	v2 =	vld [tilespmem:s28+$0x6920];
	_ =	sdelay $0x1  }
0x442: {  	v3 =	vld [tilespmem:s28+$0x69A0]  }
0x443: {  	v0 =	vadd.f32 v1, v0  }
0x444: {  	v1 =	vld [tilespmem:s28+$0x13020]  }
0x445: {  	v0 =	vadd.f32 v2, v0  }
0x446: {  	v2 =	vld [tilespmem:s28+$0x130A0]  }
0x447: {  	v0 =	vadd.f32 v3, v0  }
0x448: {  	v3 =	vld [tilespmem:s28+$0x13120]  }
0x449: {  	v0 =	vadd.f32 v1, v0  }
0x44a: {  	v1 =	vld [tilespmem:s28+$0x131A0]  }
0x44b: {  	v0 =	vadd.f32 v2, v0;
	_ =	sdelay $0x1  }
0x44c: {  	v0 =	vadd.f32 v3, v0;
	_ =	sdelay $0x1  }
0x44d: {  	v0 =	vadd.f32 v1, v0;
	_ =	sdelay $0x1  }
0x44e: {  	[tilespmem:s23+$0xFFFFFFE0] =	vst v0  }
0x44f: {  	v0 =	vld [tilespmem:s28+$0x6830]  }
0x450: {  	v1 =	vld [tilespmem:s28+$0x68B0];
	_ =	sdelay $0x1  }
0x451: {  	v2 =	vld [tilespmem:s28+$0x6930];
	_ =	sdelay $0x1  }
0x452: {  	v3 =	vld [tilespmem:s28+$0x69B0]  }
0x453: {  	v0 =	vadd.f32 v1, v0  }
0x454: {  	v1 =	vld [tilespmem:s28+$0x13030]  }
0x455: {  	v0 =	vadd.f32 v2, v0  }
0x456: {  	v2 =	vld [tilespmem:s28+$0x130B0]  }
0x457: {  	v0 =	vadd.f32 v3, v0  }
0x458: {  	v3 =	vld [tilespmem:s28+$0x13130]  }
0x459: {  	v0 =	vadd.f32 v1, v0  }
0x45a: {  	v1 =	vld [tilespmem:s28+$0x131B0]  }
0x45b: {  	v0 =	vadd.f32 v2, v0;
	_ =	sdelay $0x1  }
0x45c: {  	v0 =	vadd.f32 v3, v0;
	_ =	sdelay $0x1  }
0x45d: {  	v0 =	vadd.f32 v1, v0;
	_ =	sdelay $0x1  }
0x45e: {  	[tilespmem:s23+$0xFFFFFFF0] =	vst v0  }
0x45f: {  	v0 =	vld [tilespmem:s28+$0x6840]  }
0x460: {  	v1 =	vld [tilespmem:s28+$0x68C0]  }
0x461: {  	v2 =	vld [tilespmem:s28+$0x6940];
	_ =	sdelay $0x2  }
0x462: {  	v3 =	vld [tilespmem:s28+$0x69C0]  }
0x463: {  	v0 =	vadd.f32 v1, v0  }
0x464: {  	v1 =	vld [tilespmem:s28+$0x13040]  }
0x465: {  	v0 =	vadd.f32 v2, v0  }
0x466: {  	v2 =	vld [tilespmem:s28+$0x130C0]  }
0x467: {  	v0 =	vadd.f32 v3, v0  }
0x468: {  	v3 =	vld [tilespmem:s28+$0x13140]  }
0x469: {  	v0 =	vadd.f32 v1, v0  }
0x46a: {  	v1 =	vld [tilespmem:s28+$0x131C0]  }
0x46b: {  	v0 =	vadd.f32 v2, v0;
	_ =	sdelay $0x1  }
0x46c: {  	v0 =	vadd.f32 v3, v0;
	_ =	sdelay $0x1  }
0x46d: {  	v0 =	vadd.f32 v1, v0;
	_ =	sdelay $0x1  }
0x46e: {  	[tilespmem:s23+$0x0] =	vst v0  }
0x46f: {  	v0 =	vld [tilespmem:s28+$0x6850]  }
0x470: {  	v1 =	vld [tilespmem:s28+$0x68D0]  }
0x471: {  	v2 =	vld [tilespmem:s28+$0x6950]  }
0x472: {  	v3 =	vld [tilespmem:s28+$0x69D0]  }
0x473: {  	v4 =	vld [tilespmem:s28+$0x13050]  }
0x474: {  	v5 =	vld [tilespmem:s28+$0x130D0]  }
0x475: {  	v0 =	vadd.f32 v1, v0;
	v1 =	vld [tilespmem:s28+$0x13150]  }
0x476: {  	v6 =	vld [tilespmem:s28+$0x131D0]  }
0x477: {  	v0 =	vadd.f32 v2, v0;
	_ =	sdelay $0x1  }
0x478: {  	v0 =	vadd.f32 v3, v0;
	_ =	sdelay $0x1  }
0x479: {  	v0 =	vadd.f32 v4, v0;
	_ =	sdelay $0x1  }
0x47a: {  	v0 =	vadd.f32 v5, v0;
	_ =	sdelay $0x1  }
0x47b: {  	v0 =	vadd.f32 v1, v0;
	_ =	sdelay $0x1  }
0x47c: {  	v0 =	vadd.f32 v6, v0;
	_ =	sdelay $0x1  }
0x47d: {  	[tilespmem:s23+$0x10] =	vst v0  }
0x47e: {  	v0 =	vld [tilespmem:s28+$0x6860]  }
0x47f: {  	v1 =	vld [tilespmem:s28+$0x68E0]  }
0x480: {  	v2 =	vld [tilespmem:s28+$0x6960]  }
0x481: {  	v3 =	vld [tilespmem:s28+$0x69E0]  }
0x482: {  	v4 =	vld [tilespmem:s28+$0x13060]  }
0x483: {  	v5 =	vld [tilespmem:s28+$0x130E0]  }
0x484: {  	v0 =	vadd.f32 v1, v0;
	v1 =	vld [tilespmem:s28+$0x13160]  }
0x485: {  	v6 =	vld [tilespmem:s28+$0x131E0]  }
0x486: {  	v0 =	vadd.f32 v2, v0;
	_ =	sdelay $0x1  }
0x487: {  	v0 =	vadd.f32 v3, v0;
	_ =	sdelay $0x1  }
0x488: {  	v0 =	vadd.f32 v4, v0;
	_ =	sdelay $0x1  }
0x489: {  	v0 =	vadd.f32 v5, v0;
	_ =	sdelay $0x1  }
0x48a: {  	v0 =	vadd.f32 v1, v0;
	_ =	sdelay $0x1  }
0x48b: {  	v0 =	vadd.f32 v6, v0;
	_ =	sdelay $0x1  }
0x48c: {  	[tilespmem:s23+$0x20] =	vst v0  }
0x48d: {  	v2 =	vld [tilespmem:s28+$0x6870]  }
0x48e: {  	v3 =	vld [tilespmem:s28+$0x68F0]  }
0x48f: {  	v4 =	vld [tilespmem:s28+$0x6970]  }
0x490: {  	v5 =	vld [tilespmem:s28+$0x69F0]  }
0x491: {  	v1 =	vld [tilespmem:s28+$0x13070]  }
0x492: {  	v0 =	vld [tilespmem:s28+$0x130F0]  }
.Ltmp4:
0x493: {  	v6 =	vadd.f32 v3, v2;
	v2 =	vld [tilespmem:s28+$0x13170];
	(pc) =	sbr.rel @p0 .LBB2_10-.Ltmp4, $3  }
0x494: {  	v3 =	vld [tilespmem:s28+$0x131F0]  }
0x495: {  	v4 =	vadd.f32 v4, v6;
	_ =	sdelay $0x1  }
0x496: {  	v4 =	vadd.f32 v5, v4  }
0x497: {  	_ = 	snop  }
0x498: {  	v1 =	vadd.f32 v1, v4;
	_ =	sdelay $0x1  }
0x499: {  	v0 =	vadd.f32 v0, v1;
	_ =	sdelay $0x1  }
0x49a: {  	v0 =	vadd.f32 v2, v0;
	_ =	sdelay $0x1  }
0x49b: {  	v0 =	vadd.f32 v3, v0;
	_ =	sdelay $0x1  }
0x49c: {  	s23 =	rddreg [dreg:$0xa];
	[tilespmem:s25+$0x30] =	vst v0  }
0x49d: {  	[hbm4b:s23+s5] =	stream.linear.scatter [tilespmem:s17], [sflag:$0x6], $0x1900, $0x38;
	[tilespmem:$0x1CC00] =	vst v63  }
0x49e: {  	_ =	swait.ge [sflag:s29], $0x1900  }
0x49f: {  	[sflag:s29] =	ssyncset.done $0x0  }
0x4a0: {  	[sflag:s29] =	ssyncadd.s32 $0xFFFFE700  }
0x4a1: {  	_ =	swait.ge [sflag:s31], $0x1900  }
0x4a2: {  	s28 =	rddreg [dreg:$0xc]  }
0x4a3: {  	s29 =	rddreg [dreg:$0xb];
	s25 =	sadd.s32 $0x1, s28  }
0x4a4: {  	p0 =	sne.s32 s25, s29  }
.Ltmp5:
0x4a5: {  	_ = 	snop;
	(pc) =	sbr.rel @p0 .LBB2_1-.Ltmp5, $3  }
0x4a6: {  	_ =	sdelay $0x1  }
0x4a7: {  	[sflag:s31] =	ssyncset.done $0x0  }
0x4a8: {  	[sflag:s31] =	ssyncadd.s32 $0xFFFFE700  }
0x4a9: {  	_ =	sfence.sel $0x180000  }
0x4aa: {  	[bflag:$0x0] =	sbarrier.arrive $0xFFFF  }
0x4ab: {  	_ =	strace $0x90000047  }
0x4ac: {  	s0 =	stileid.u32;
	[bflag:$0x2] =	sbarrier.arrive $0xFFFF  }
0x4ad: {  	p0 =	sne.s32 s0, $0x0;
	s0 =	rddreg [dreg:$0x4]  }
0x4ae: {  	s0 =	sadd.s32 @!p0 $0x100000, s0  }
0x4af: {  	[sflag:s0] =	ssyncadd.tile.s32 @!p0 $0x1;
	_ =	shalt  }
.Lfunc_end2:
_tile_overlayer_lowered:
.L_overlay_start_2:
0x4b0: {  	(tag) =	ssettag $0x2  }
0x4b1: {  	s0 =	rddreg [dreg:$0x0];
	s2 =	stileid.u32  }
0x4b2: {  	s1 =	rddreg [dreg:$0x1];
	p0 =	sne.s32 s2, $0x0  }
0x4b3: {  	s3 =	rddreg [dreg:$0x2];
	[bflag:$0x3] =	sbarrier.arrive $0xFFFF;
	s2 =	simm.s32 @!p0 $0x1C07  }
0x4b4: {  	[timem:s3], [sflag:s2] =	dma.local @!p0 [hbm:s0], s1  }
0x4b5: {  	s0 =	simm.s32 @!p0 $0x7  }
0x4b6: {  	_ =	swait.ge @!p0 [sflag:s0], s1  }
0x4b7: {  	s1 =	ssub.s32 @!p0 $0x0, s1;
	[sflag:s0] =	ssyncset.done @!p0 $0x0  }
0x4b8: {  	[sflag:s0] =	ssyncadd.s32 @!p0 s1  }
0x4b9: {  	[bflag:$0x3] =	sbarrier.arrive $0xFFFF  }
0x4ba: {  	_ =	shalt  }

</sc_bundles>
